<compile_context>
chip_gen: v7x
topology: tpu7x:2x2x1
jax: 0.10.2.dev20260603
libtpu: 0.0.44.dev20260713+nightly
codegen_flags: <defaults>
</compile_context>

<pallas_src>
import functools

import jax
import jax.numpy as jnp
from jax import lax
from jax.experimental import pallas as pl
from jax.experimental.pallas import tpu as pltpu
from jax.experimental.pallas import tpu_sc as plsc

N = 10000
D = 128
E = 320000
G = 64
OUT = 10

NPAD = 10240
BLK = 2048
NB = NPAD // BLK
CH = 128
NW = 32
NBUF = 2
K = 80
EPAD = NW * K * CH
RPT = NPAD // 16


def _dot(a, b, precision=lax.Precision.DEFAULT):
    return lax.dot_general(a, b, (((1,), (0,)), ((), ())),
                           precision=precision,
                           preferred_element_type=jnp.float32)



@functools.lru_cache(maxsize=None)
def _build_sc_agg(h_rows):
    mesh = plsc.VectorSubcoreMesh(core_axis_name="c", subcore_axis_name="s")

    @functools.partial(
        pl.kernel,
        mesh=mesh,
        out_type=jax.ShapeDtypeStruct((2, NPAD, D), jnp.float32),
        scratch_types=[
            pltpu.VMEM((K, CH), jnp.int32),
            pltpu.VMEM((NBUF, CH), jnp.int32),
            pltpu.VMEM((NBUF, CH, D), jnp.float32),
            pltpu.VMEM_SHARED((NPAD, D), jnp.float32),
            pltpu.SemaphoreType.DMA,
            pltpu.SemaphoreType.DMA,
            pltpu.SemaphoreType.DMA,
            pltpu.SemaphoreType.DMA,
        ],
    )
    def sc_agg(h_hbm, src_hbm, dst_hbm, zeros_hbm, out_hbm,
               src_v, dst_v, rows_v, agg_sh, *sems):
        c = lax.axis_index("c")
        s = lax.axis_index("s")
        wid = s * 2 + c
        gsem = sems[:NBUF]
        dsem = sems[NBUF:]

        pltpu.sync_copy(src_hbm.at[wid], src_v)
        for b in range(NBUF):
            pltpu.async_copy(dst_hbm.at[wid, b], dst_v.at[b], dsem[b])
            pltpu.async_copy(h_hbm.at[src_v.at[b]], rows_v.at[b], gsem[b])

        lo = s * RPT
        kf = h_rows // RPT
        rem = h_rows - kf * RPT

        @pl.when((c == 0) & (s < kf))
        def _():
            pltpu.sync_copy(h_hbm.at[pl.ds(lo, RPT)],
                            agg_sh.at[pl.ds(lo, RPT)])

        if rem:
            @pl.when((c == 0) & (s == kf))
            def _():
                pltpu.sync_copy(h_hbm.at[pl.ds(kf * RPT, rem)],
                                agg_sh.at[pl.ds(kf * RPT, rem)])
                pltpu.sync_copy(
                    zeros_hbm.at[pl.ds(0, RPT - rem)],
                    agg_sh.at[pl.ds(kf * RPT + rem, RPT - rem)])

        @pl.when(c != 0)
        def _():
            pltpu.sync_copy(zeros_hbm, agg_sh.at[pl.ds(lo, RPT)])

        plsc.subcore_barrier()

        def body(g, carry):
            for b in range(NBUF):
                ci = g * NBUF + b
                pltpu.make_async_copy(dst_hbm.at[wid, ci], dst_v.at[b],
                                      dsem[b]).wait()
                pltpu.make_async_copy(h_hbm.at[src_v.at[ci]],
                                      rows_v.at[b], gsem[b]).wait()
                pltpu.sync_copy(rows_v.at[b], agg_sh.at[dst_v.at[b]],
                                add=True)

                @pl.when(ci + NBUF < K)
                def _():
                    pltpu.async_copy(dst_hbm.at[wid, ci + NBUF],
                                     dst_v.at[b], dsem[b])
                    pltpu.async_copy(h_hbm.at[src_v.at[ci + NBUF]],
                                     rows_v.at[b], gsem[b])

            return carry

        lax.fori_loop(0, K // NBUF, body, 0)

        plsc.subcore_barrier()
        pltpu.sync_copy(agg_sh.at[pl.ds(s * RPT, RPT)],
                        out_hbm.at[c, pl.ds(s * RPT, RPT)])

    return sc_agg



def _mlp_body(a0_ref, a1_ref, w1_ref, b1_ref, w2_ref, b2_ref, post_ref):
    h = a0_ref[0] + a1_ref[0]
    t = jnp.maximum(_dot(h, w1_ref[...]) + b1_ref[...], 0.0)
    o = _dot(t, w2_ref[...]) + b2_ref[...]
    post_ref[...] = jnp.maximum(o, 0.0)


_W_SPECS = [
    pl.BlockSpec((D, D), lambda i: (0, 0)),
    pl.BlockSpec((1, D), lambda i: (0, 0)),
    pl.BlockSpec((D, D), lambda i: (0, 0)),
    pl.BlockSpec((1, D), lambda i: (0, 0)),
]


def _mlp(aggs, W1, b1, W2, b2):
    return pl.pallas_call(
        _mlp_body,
        grid=(NB,),
        in_specs=[
            pl.BlockSpec((1, BLK, D), lambda i: (0, i, 0)),
            pl.BlockSpec((1, BLK, D), lambda i: (1, i, 0)),
        ] + _W_SPECS,
        out_specs=pl.BlockSpec((BLK, D), lambda i: (i, 0)),
        out_shape=jax.ShapeDtypeStruct((NPAD, D), jnp.float32),
    )(aggs, aggs, W1, b1.reshape(1, D), W2, b2.reshape(1, D))



def _mlp_pool_body(a0_ref, a1_ref, w1_ref, b1_ref, w2_ref, b2_ref,
                   b3_ref, wp1_ref, bp1_ref, wp2_ref, bp2_ref,
                   emb_ref, out_ref, acc, cnt):
    i = pl.program_id(0)

    @pl.when(i == 0)
    def _():
        acc[...] = jnp.zeros_like(acc)
        cnt[...] = jnp.zeros_like(cnt)

    h = a0_ref[0] + a1_ref[0]
    t = jnp.maximum(_dot(h, w1_ref[...]) + b1_ref[...], 0.0)
    o = _dot(t, w2_ref[...]) + b2_ref[...]
    emb_ref[...] = o

    hp = jnp.maximum(o, 0.0)
    b = b3_ref[0]
    gids = lax.broadcasted_iota(jnp.int32, (G, BLK), 0)
    oh = (gids == b).astype(jnp.float32)
    acc[...] += _dot(oh, hp)
    cnt[...] += _dot(oh, jnp.ones((BLK, D), jnp.float32))

    @pl.when(i == NB - 1)
    def _():
        pooled = acc[...] / jnp.maximum(cnt[...], 1.0)
        o1 = _dot(pooled, wp1_ref[...], lax.Precision.HIGHEST) + bp1_ref[...]
        o2 = _dot(o1, wp2_ref[...], lax.Precision.HIGHEST) + bp2_ref[...]
        m = jnp.max(o2, axis=1, keepdims=True)
        lse = m + jnp.log(jnp.sum(jnp.exp(o2 - m), axis=1, keepdims=True))
        out_ref[...] = (o2 - lse)[:, :OUT]


def _mlp_pool(aggs, W1, b1, W2, b2, batch3, Wp1, bp1, Wp2p, bp2p):
    return pl.pallas_call(
        _mlp_pool_body,
        grid=(NB,),
        in_specs=[
            pl.BlockSpec((1, BLK, D), lambda i: (0, i, 0)),
            pl.BlockSpec((1, BLK, D), lambda i: (1, i, 0)),
        ] + _W_SPECS + [
            pl.BlockSpec((1, 1, BLK), lambda i: (i, 0, 0)),
        ] + _W_SPECS,
        out_specs=[pl.BlockSpec((BLK, D), lambda i: (i, 0)),
                   pl.BlockSpec((G, OUT), lambda i: (0, 0))],
        out_shape=[jax.ShapeDtypeStruct((N, D), jnp.float32),
                   jax.ShapeDtypeStruct((G, OUT), jnp.float32)],
        scratch_shapes=[pltpu.VMEM((G, D), jnp.float32),
                        pltpu.VMEM((G, D), jnp.float32)],
    )(aggs, aggs, W1, b1.reshape(1, D), W2, b2.reshape(1, D),
      batch3, Wp1, bp1.reshape(1, D), Wp2p, bp2p)


def kernel(x, edge_index, batch,
           W1_0, b1_0, W2_0, b2_0,
           W1_1, b1_1, W2_1, b2_1,
           W1_2, b1_2, W2_2, b2_2,
           Wp1, bp1, Wp2, bp2):
    ar = jnp.arange(EPAD, dtype=jnp.int32)
    valid = ar < E
    pad_src = ar & 8191
    pad_dst = N + (ar & 127)
    ei = jnp.pad(edge_index, ((0, 0), (0, EPAD - E)))
    src3 = jnp.where(valid, ei[0], pad_src).reshape(NW, K, CH)
    dst3 = jnp.where(valid, ei[1], pad_dst).reshape(NW, K, CH)
    zeros = jnp.zeros((RPT, D), jnp.float32)

    batch3 = jnp.pad(batch, (0, NPAD - N), constant_values=G).reshape(NB, 1, BLK)
    Wp2p = jnp.pad(Wp2, ((0, 0), (0, D - OUT)))
    bp2p = jnp.pad(bp2, (0, D - OUT), constant_values=-1e30).reshape(1, D)

    h = x
    for (W1, b1, W2, b2) in ((W1_0, b1_0, W2_0, b2_0),
                             (W1_1, b1_1, W2_1, b2_1)):
        aggs = _build_sc_agg(h.shape[0])(h, src3, dst3, zeros)
        h = _mlp(aggs, W1, b1, W2, b2)

    aggs = _build_sc_agg(h.shape[0])(h, src3, dst3, zeros)
    emb, logp = _mlp_pool(aggs, W1_2, b1_2, W2_2, b2_2,
                          batch3, Wp1, bp1, Wp2p, bp2p)
    return emb, logp

# --- scband reference (transcript-rebuilt; emitter-appended) ---
"""Pipeline reference for scband-gnnstack-40441412059412 (READ-ONLY COPY).

The authoritative reference and input builder live on the scoring server;
editing this copy changes nothing except your own understanding.
"""

import jax, jax.numpy as jnp
import numpy as np

N = 10000
E = 320000
D = 128
H = 128
OUT = 10
G = 64


def setup_inputs(seed: int = 0) -> dict:
    key = jax.random.key(seed)
    ks = jax.random.split(key, 24)
    inp = {}
    inp['x'] = jax.random.normal(ks[0], (N, D), dtype=jnp.float32)
    inp['edge_index'] = jax.random.randint(ks[1], (2, E), 0, N, dtype=jnp.int32)
    inp['batch'] = jnp.sort(jax.random.randint(ks[2], (N,), 0, G, dtype=jnp.int32))
    # GIN conv 0: MLP(D->H->H)
    inp['W1_0'] = jax.random.normal(ks[3], (D, H), dtype=jnp.float32) * (1.0 / np.sqrt(D))
    inp['b1_0'] = jnp.zeros((H,), dtype=jnp.float32)
    inp['W2_0'] = jax.random.normal(ks[4], (H, H), dtype=jnp.float32) * (1.0 / np.sqrt(H))
    inp['b2_0'] = jnp.zeros((H,), dtype=jnp.float32)
    # GIN conv 1: MLP(H->H->H)
    inp['W1_1'] = jax.random.normal(ks[5], (H, H), dtype=jnp.float32) * (1.0 / np.sqrt(H))
    inp['b1_1'] = jnp.zeros((H,), dtype=jnp.float32)
    inp['W2_1'] = jax.random.normal(ks[6], (H, H), dtype=jnp.float32) * (1.0 / np.sqrt(H))
    inp['b2_1'] = jnp.zeros((H,), dtype=jnp.float32)
    # GIN conv 2: MLP(H->H->H)
    inp['W1_2'] = jax.random.normal(ks[7], (H, H), dtype=jnp.float32) * (1.0 / np.sqrt(H))
    inp['b1_2'] = jnp.zeros((H,), dtype=jnp.float32)
    inp['W2_2'] = jax.random.normal(ks[8], (H, H), dtype=jnp.float32) * (1.0 / np.sqrt(H))
    inp['b2_2'] = jnp.zeros((H,), dtype=jnp.float32)
    # post_mp: Linear(H,H) -> Dropout -> Linear(H,OUT)
    inp['Wp1'] = jax.random.normal(ks[9], (H, H), dtype=jnp.float32) * (1.0 / np.sqrt(H))
    inp['bp1'] = jnp.zeros((H,), dtype=jnp.float32)
    inp['Wp2'] = jax.random.normal(ks[10], (H, OUT), dtype=jnp.float32) * (1.0 / np.sqrt(H))
    inp['bp2'] = jnp.zeros((OUT,), dtype=jnp.float32)
    return inp


def _gin_conv(x, edge_index, W1, b1, W2, b2):
    # GINConv with eps=0: h = MLP((1+eps)*x + sum_{j in N(i)} x_j)
    src = edge_index[0]
    dst = edge_index[1]
    agg = jax.ops.segment_sum(jnp.take(x, src, axis=0), dst, num_segments=x.shape[0])
    h = x + agg
    h = jnp.maximum(h @ W1 + b1, 0.0)
    h = h @ W2 + b2
    return h


def reference(x, edge_index, batch,
              W1_0, b1_0, W2_0, b2_0,
              W1_1, b1_1, W2_1, b2_1,
              W1_2, b1_2, W2_2, b2_2,
              Wp1, bp1, Wp2, bp2):
    params = [(W1_0, b1_0, W2_0, b2_0), (W1_1, b1_1, W2_1, b2_1), (W1_2, b1_2, W2_2, b2_2)]
    emb = x
    h = x
    for (W1, b1, W2, b2) in params:
        h = _gin_conv(h, edge_index, W1, b1, W2, b2)
        emb = h
        h = jnp.maximum(h, 0.0)
        # dropout p=0.25 is identity in eval mode
    # global_mean_pool over batch assignment
    sums = jax.ops.segment_sum(h, batch, num_segments=G)
    counts = jax.ops.segment_sum(jnp.ones((h.shape[0],), dtype=h.dtype), batch, num_segments=G)
    pooled = sums / jnp.maximum(counts, 1.0)[:, None]
    # post_mp: Linear -> Dropout(eval: identity) -> Linear
    o = pooled @ Wp1 + bp1
    o = o @ Wp2 + bp2
    logp = jax.nn.log_softmax(o, axis=1)
    return (emb, logp)

if __name__ == "__main__":
    import jax
    _d = setup_inputs()
    print(jax.jit(kernel)(*tuple(_d.values())))

</pallas_src>

<mosaic_0001>
#map = affine_map<(d0, d1) -> (0, 0)>
#map1 = affine_map<(d0, d1) -> (0, 0, 0)>
module attributes {stable_mosaic.version = 14 : i64} {
  func.func @sc_agg(%arg0: i32, %arg1: i32, %arg2: memref<10240x128xf32, #tpu.memory_space<hbm>>, %arg3: memref<32x80x128xi32, #tpu.memory_space<hbm>>, %arg4: memref<32x80x128xi32, #tpu.memory_space<hbm>>, %arg5: memref<640x128xf32, #tpu.memory_space<hbm>>, %arg6: memref<2x10240x128xf32, #tpu.memory_space<hbm>>, %arg7: memref<80x128xi32, #tpu.memory_space<vmem>>, %arg8: memref<2x128xi32, #tpu.memory_space<vmem>>, %arg9: memref<2x128x128xf32, #tpu.memory_space<vmem>>, %arg10: memref<10240x128xf32, #tpu.memory_space<vmem_shared>>, %arg11: memref<!tpu.dma_semaphore, #tpu.memory_space<semaphore_mem>>, %arg12: memref<!tpu.dma_semaphore, #tpu.memory_space<semaphore_mem>>, %arg13: memref<!tpu.dma_semaphore, #tpu.memory_space<semaphore_mem>>, %arg14: memref<!tpu.dma_semaphore, #tpu.memory_space<semaphore_mem>>) attributes {dimension_semantics = [#tpu.dimension_semantics<core_parallel>, #tpu.dimension_semantics<subcore_parallel>], iteration_bounds = array<i64: 2, 16>, scalar_prefetch = 0 : i64, scratch_operands = 8 : i64, tpu.core_type = #tpu.core_type<sc_vector_subcore>, window_params = [{transform_indices = #map}, {transform_indices = #map1}, {transform_indices = #map1}, {transform_indices = #map}, {transform_indices = #map1}]} {
    %mul3A = arith.constant 2 : i32
    %mul3A_0 = arith.muli %arg1, %mul3A : i32
    %add3A = arith.addi %mul3A_0, %arg0 : i32
    "tpu.region"() ({
      %run_scoped3A = tpu.sem_alloc : memref<!tpu.dma_semaphore, #tpu.memory_space<semaphore_mem>>
      %dma_start3A_71 = arith.constant 0 : i32
      %dma_start3A_72 = arith.constant 0 : i32
      %dma_start3A_73 = tpu.memref_slice %arg3[%add3A, %dma_start3A_71, %dma_start3A_72] : memref<32x80x128xi32, #tpu.memory_space<hbm>> -> memref<1x80x128xi32, #tpu.memory_space<hbm>>
      %dma_start3A_74 = tpu.memref_squeeze %dma_start3A_73 : memref<1x80x128xi32, #tpu.memory_space<hbm>> -> memref<80x128xi32, #tpu.memory_space<hbm>>
      %dma_start3A_75 = arith.constant 0 : i32
      %dma_start3A_76 = arith.constant 0 : i32
      %dma_start3A_77 = tpu.memref_slice %arg3[%add3A, %dma_start3A_75, %dma_start3A_76] : memref<32x80x128xi32, #tpu.memory_space<hbm>> -> memref<1x80x128xi32, #tpu.memory_space<hbm>>
      %dma_start3A_78 = tpu.memref_squeeze %dma_start3A_77 : memref<1x80x128xi32, #tpu.memory_space<hbm>> -> memref<80x128xi32, #tpu.memory_space<hbm>>
      tpu.enqueue_dma source(%dma_start3A_78 : memref<80x128xi32, #tpu.memory_space<hbm>>) target(%arg7 : memref<80x128xi32, #tpu.memory_space<vmem>>) target_semaphore(%run_scoped3A : memref<!tpu.dma_semaphore, #tpu.memory_space<semaphore_mem>>)
      %dma_wait3A = arith.constant 0 : i32
      %dma_wait3A_79 = arith.constant 0 : i32
      %dma_wait3A_80 = tpu.memref_slice %arg3[%add3A, %dma_wait3A, %dma_wait3A_79] : memref<32x80x128xi32, #tpu.memory_space<hbm>> -> memref<1x80x128xi32, #tpu.memory_space<hbm>>
      %dma_wait3A_81 = tpu.memref_squeeze %dma_wait3A_80 : memref<1x80x128xi32, #tpu.memory_space<hbm>> -> memref<80x128xi32, #tpu.memory_space<hbm>>
      %dma_wait3A_82 = arith.constant 0 : i32
      %dma_wait3A_83 = arith.constant 0 : i32
      %dma_wait3A_84 = tpu.memref_slice %arg3[%add3A, %dma_wait3A_82, %dma_wait3A_83] : memref<32x80x128xi32, #tpu.memory_space<hbm>> -> memref<1x80x128xi32, #tpu.memory_space<hbm>>
      %dma_wait3A_85 = tpu.memref_squeeze %dma_wait3A_84 : memref<1x80x128xi32, #tpu.memory_space<hbm>> -> memref<80x128xi32, #tpu.memory_space<hbm>>
      tpu.wait_dma2 semaphore(%run_scoped3A : memref<!tpu.dma_semaphore, #tpu.memory_space<semaphore_mem>>) src(%dma_wait3A_85 : memref<80x128xi32, #tpu.memory_space<hbm>>) dst(%arg7 : memref<80x128xi32, #tpu.memory_space<vmem>>)
      tpu.yield
    }) : () -> ()
    %dma_start3A = arith.constant 0 : i32
    %dma_start3A_1 = arith.constant 0 : i32
    %dma_start3A_2 = arith.constant 0 : i32
    %dma_start3A_3 = tpu.memref_slice %arg8[%dma_start3A_1, %dma_start3A_2] : memref<2x128xi32, #tpu.memory_space<vmem>> -> memref<1x128xi32, #tpu.memory_space<vmem>>
    %dma_start3A_4 = tpu.memref_squeeze %dma_start3A_3 : memref<1x128xi32, #tpu.memory_space<vmem>> -> memref<128xi32, #tpu.memory_space<vmem>>
    %dma_start3A_5 = arith.constant 0 : i32
    %dma_start3A_6 = tpu.memref_slice %arg4[%add3A, %dma_start3A, %dma_start3A_5] : memref<32x80x128xi32, #tpu.memory_space<hbm>> -> memref<1x1x128xi32, #tpu.memory_space<hbm>>
    %dma_start3A_7 = tpu.memref_squeeze %dma_start3A_6 : memref<1x1x128xi32, #tpu.memory_space<hbm>> -> memref<128xi32, #tpu.memory_space<hbm>>
    %dma_start3A_8 = arith.constant 0 : i32
    %dma_start3A_9 = tpu.memref_slice %arg8[%dma_start3A_1, %dma_start3A_8] : memref<2x128xi32, #tpu.memory_space<vmem>> -> memref<1x128xi32, #tpu.memory_space<vmem>>
    %dma_start3A_10 = tpu.memref_squeeze %dma_start3A_9 : memref<1x128xi32, #tpu.memory_space<vmem>> -> memref<128xi32, #tpu.memory_space<vmem>>
    %dma_start3A_11 = arith.constant 0 : i32
    %dma_start3A_12 = tpu.memref_slice %arg4[%add3A, %dma_start3A, %dma_start3A_11] : memref<32x80x128xi32, #tpu.memory_space<hbm>> -> memref<1x1x128xi32, #tpu.memory_space<hbm>>
    %dma_start3A_13 = tpu.memref_squeeze %dma_start3A_12 : memref<1x1x128xi32, #tpu.memory_space<hbm>> -> memref<128xi32, #tpu.memory_space<hbm>>
    tpu.enqueue_dma source(%dma_start3A_13 : memref<128xi32, #tpu.memory_space<hbm>>) target(%dma_start3A_10 : memref<128xi32, #tpu.memory_space<vmem>>) target_semaphore(%arg13 : memref<!tpu.dma_semaphore, #tpu.memory_space<semaphore_mem>>)
    %dma_start3A_14 = arith.constant 0 : i32
    %dma_start3A_15 = arith.constant 0 : i32
    %dma_start3A_16 = arith.constant 0 : i32
    %dma_start3A_17 = arith.constant 0 : i32
    %dma_start3A_18 = tpu.memref_slice %arg9[%dma_start3A_15, %dma_start3A_16, %dma_start3A_17] : memref<2x128x128xf32, #tpu.memory_space<vmem>> -> memref<1x128x128xf32, #tpu.memory_space<vmem>>
    %dma_start3A_19 = tpu.memref_squeeze %dma_start3A_18 : memref<1x128x128xf32, #tpu.memory_space<vmem>> -> memref<128x128xf32, #tpu.memory_space<vmem>>
    %dma_start3A_20 = arith.constant 0 : i32
    %dma_start3A_21 = tpu.memref_slice %arg7[%dma_start3A_14, %dma_start3A_20] : memref<80x128xi32, #tpu.memory_space<vmem>> -> memref<1x128xi32, #tpu.memory_space<vmem>>
    %dma_start3A_22 = tpu.memref_squeeze %dma_start3A_21 : memref<1x128xi32, #tpu.memory_space<vmem>> -> memref<128xi32, #tpu.memory_space<vmem>>
    %dma_start3A_23 = arith.constant 0 : i32
    %dma_start3A_24 = arith.constant 0 : i32
    %dma_start3A_25 = tpu.memref_slice %arg2[%dma_start3A_23, %dma_start3A_24] : memref<10240x128xf32, #tpu.memory_space<hbm>> -> memref<10240x128xf32, #tpu.memory_space<hbm>>
    tpu.enqueue_indirect_dma source(%dma_start3A_25 : memref<10240x128xf32, #tpu.memory_space<hbm>>) target(%dma_start3A_19 : memref<128x128xf32, #tpu.memory_space<vmem>>) offsets(%dma_start3A_22 : memref<128xi32, #tpu.memory_space<vmem>>) semaphore(%arg11 : memref<!tpu.dma_semaphore, #tpu.memory_space<semaphore_mem>>)
    %dma_start3A_26 = arith.constant 1 : i32
    %dma_start3A_27 = arith.constant 1 : i32
    %dma_start3A_28 = arith.constant 0 : i32
    %dma_start3A_29 = tpu.memref_slice %arg8[%dma_start3A_27, %dma_start3A_28] : memref<2x128xi32, #tpu.memory_space<vmem>> -> memref<1x128xi32, #tpu.memory_space<vmem>>
    %dma_start3A_30 = tpu.memref_squeeze %dma_start3A_29 : memref<1x128xi32, #tpu.memory_space<vmem>> -> memref<128xi32, #tpu.memory_space<vmem>>
    %dma_start3A_31 = arith.constant 0 : i32
    %dma_start3A_32 = tpu.memref_slice %arg4[%add3A, %dma_start3A_26, %dma_start3A_31] : memref<32x80x128xi32, #tpu.memory_space<hbm>> -> memref<1x1x128xi32, #tpu.memory_space<hbm>>
    %dma_start3A_33 = tpu.memref_squeeze %dma_start3A_32 : memref<1x1x128xi32, #tpu.memory_space<hbm>> -> memref<128xi32, #tpu.memory_space<hbm>>
    %dma_start3A_34 = arith.constant 0 : i32
    %dma_start3A_35 = tpu.memref_slice %arg8[%dma_start3A_27, %dma_start3A_34] : memref<2x128xi32, #tpu.memory_space<vmem>> -> memref<1x128xi32, #tpu.memory_space<vmem>>
    %dma_start3A_36 = tpu.memref_squeeze %dma_start3A_35 : memref<1x128xi32, #tpu.memory_space<vmem>> -> memref<128xi32, #tpu.memory_space<vmem>>
    %dma_start3A_37 = arith.constant 0 : i32
    %dma_start3A_38 = tpu.memref_slice %arg4[%add3A, %dma_start3A_26, %dma_start3A_37] : memref<32x80x128xi32, #tpu.memory_space<hbm>> -> memref<1x1x128xi32, #tpu.memory_space<hbm>>
    %dma_start3A_39 = tpu.memref_squeeze %dma_start3A_38 : memref<1x1x128xi32, #tpu.memory_space<hbm>> -> memref<128xi32, #tpu.memory_space<hbm>>
    tpu.enqueue_dma source(%dma_start3A_39 : memref<128xi32, #tpu.memory_space<hbm>>) target(%dma_start3A_36 : memref<128xi32, #tpu.memory_space<vmem>>) target_semaphore(%arg14 : memref<!tpu.dma_semaphore, #tpu.memory_space<semaphore_mem>>)
    %dma_start3A_40 = arith.constant 1 : i32
    %dma_start3A_41 = arith.constant 1 : i32
    %dma_start3A_42 = arith.constant 0 : i32
    %dma_start3A_43 = arith.constant 0 : i32
    %dma_start3A_44 = tpu.memref_slice %arg9[%dma_start3A_41, %dma_start3A_42, %dma_start3A_43] : memref<2x128x128xf32, #tpu.memory_space<vmem>> -> memref<1x128x128xf32, #tpu.memory_space<vmem>>
    %dma_start3A_45 = tpu.memref_squeeze %dma_start3A_44 : memref<1x128x128xf32, #tpu.memory_space<vmem>> -> memref<128x128xf32, #tpu.memory_space<vmem>>
    %dma_start3A_46 = arith.constant 0 : i32
    %dma_start3A_47 = tpu.memref_slice %arg7[%dma_start3A_40, %dma_start3A_46] : memref<80x128xi32, #tpu.memory_space<vmem>> -> memref<1x128xi32, #tpu.memory_space<vmem>>
    %dma_start3A_48 = tpu.memref_squeeze %dma_start3A_47 : memref<1x128xi32, #tpu.memory_space<vmem>> -> memref<128xi32, #tpu.memory_space<vmem>>
    %dma_start3A_49 = arith.constant 0 : i32
    %dma_start3A_50 = arith.constant 0 : i32
    %dma_start3A_51 = tpu.memref_slice %arg2[%dma_start3A_49, %dma_start3A_50] : memref<10240x128xf32, #tpu.memory_space<hbm>> -> memref<10240x128xf32, #tpu.memory_space<hbm>>
    tpu.enqueue_indirect_dma source(%dma_start3A_51 : memref<10240x128xf32, #tpu.memory_space<hbm>>) target(%dma_start3A_45 : memref<128x128xf32, #tpu.memory_space<vmem>>) offsets(%dma_start3A_48 : memref<128xi32, #tpu.memory_space<vmem>>) semaphore(%arg12 : memref<!tpu.dma_semaphore, #tpu.memory_space<semaphore_mem>>)
    %mul3A_52 = arith.constant 640 : i32
    %mul3A_53 = arith.muli %arg1, %mul3A_52 : i32
    %eq3A = arith.constant 0 : i32
    %eq3A_54 = arith.cmpi eq, %arg0, %eq3A : i32
    %lt3A = arith.constant 16 : i32
    %lt3A_55 = arith.cmpi slt, %arg1, %lt3A : i32
    %and3A = arith.andi %eq3A_54, %lt3A_55 : i1
    %convert_element_type3A = arith.extui %and3A : i1 to i32
    %cond3A = arith.constant 0 : i32
    %cond3A_56 = arith.cmpi ne, %convert_element_type3A, %cond3A : i32
    scf.if %cond3A_56 {
      "tpu.region"() ({
        %run_scoped3A = tpu.sem_alloc : memref<!tpu.dma_semaphore, #tpu.memory_space<semaphore_mem>>
        %dma_start3A_71 = arith.constant 0 : i32
        %dma_start3A_72 = tpu.memref_slice %arg10[%mul3A_53, %dma_start3A_71] : memref<10240x128xf32, #tpu.memory_space<vmem_shared>> -> memref<640x128xf32, #tpu.memory_space<vmem_shared>>
        %dma_start3A_73 = arith.constant 0 : i32
        %dma_start3A_74 = tpu.memref_slice %arg2[%mul3A_53, %dma_start3A_73] : memref<10240x128xf32, #tpu.memory_space<hbm>> -> memref<640x128xf32, #tpu.memory_space<hbm>>
        tpu.enqueue_dma source(%dma_start3A_74 : memref<640x128xf32, #tpu.memory_space<hbm>>) target(%dma_start3A_72 : memref<640x128xf32, #tpu.memory_space<vmem_shared>>) target_semaphore(%run_scoped3A : memref<!tpu.dma_semaphore, #tpu.memory_space<semaphore_mem>>)
        %dma_wait3A = arith.constant 0 : i32
        %dma_wait3A_75 = tpu.memref_slice %arg10[%mul3A_53, %dma_wait3A] : memref<10240x128xf32, #tpu.memory_space<vmem_shared>> -> memref<640x128xf32, #tpu.memory_space<vmem_shared>>
        %dma_wait3A_76 = arith.constant 0 : i32
        %dma_wait3A_77 = tpu.memref_slice %arg2[%mul3A_53, %dma_wait3A_76] : memref<10240x128xf32, #tpu.memory_space<hbm>> -> memref<640x128xf32, #tpu.memory_space<hbm>>
        tpu.wait_dma2 semaphore(%run_scoped3A : memref<!tpu.dma_semaphore, #tpu.memory_space<semaphore_mem>>) src(%dma_wait3A_77 : memref<640x128xf32, #tpu.memory_space<hbm>>) dst(%dma_wait3A_75 : memref<640x128xf32, #tpu.memory_space<vmem_shared>>)
        tpu.yield
      }) : () -> ()
    } else {
    }
    %ne3A = arith.constant 0 : i32
    %ne3A_57 = arith.cmpi ne, %arg0, %ne3A : i32
    %convert_element_type3A_58 = arith.extui %ne3A_57 : i1 to i32
    %cond3A_59 = arith.constant 0 : i32
    %cond3A_60 = arith.cmpi ne, %convert_element_type3A_58, %cond3A_59 : i32
    scf.if %cond3A_60 {
      "tpu.region"() ({
        %run_scoped3A = tpu.sem_alloc : memref<!tpu.dma_semaphore, #tpu.memory_space<semaphore_mem>>
        %dma_start3A_71 = arith.constant 0 : i32
        %dma_start3A_72 = tpu.memref_slice %arg10[%mul3A_53, %dma_start3A_71] : memref<10240x128xf32, #tpu.memory_space<vmem_shared>> -> memref<640x128xf32, #tpu.memory_space<vmem_shared>>
        tpu.enqueue_dma source(%arg5 : memref<640x128xf32, #tpu.memory_space<hbm>>) target(%dma_start3A_72 : memref<640x128xf32, #tpu.memory_space<vmem_shared>>) target_semaphore(%run_scoped3A : memref<!tpu.dma_semaphore, #tpu.memory_space<semaphore_mem>>)
        %dma_wait3A = arith.constant 0 : i32
        %dma_wait3A_73 = tpu.memref_slice %arg10[%mul3A_53, %dma_wait3A] : memref<10240x128xf32, #tpu.memory_space<vmem_shared>> -> memref<640x128xf32, #tpu.memory_space<vmem_shared>>
        tpu.wait_dma2 semaphore(%run_scoped3A : memref<!tpu.dma_semaphore, #tpu.memory_space<semaphore_mem>>) src(%arg5 : memref<640x128xf32, #tpu.memory_space<hbm>>) dst(%dma_wait3A_73 : memref<640x128xf32, #tpu.memory_space<vmem_shared>>)
        tpu.yield
      }) : () -> ()
    } else {
    }
    %barrier3A = arith.constant 0 : index
    tpu.barrier barrier_id(%barrier3A)
    %scan3A = arith.constant 0 : i32
    %scan3A_61 = arith.constant 0 : i32
    %scan3A_62 = arith.constant 40 : i32
    %scan3A_63 = arith.addi %scan3A_61, %scan3A_62 : i32
    %scan3A_64 = arith.constant 1 : i32
    scf.for %scan3A_71 = %scan3A_61 to %scan3A_63 step %scan3A_64  : i32 {
      %mul3A_72 = arith.constant 2 : i32
      %mul3A_73 = arith.muli %scan3A_71, %mul3A_72 : i32
      %add3A_74 = arith.constant 0 : i32
      %add3A_75 = arith.addi %mul3A_73, %add3A_74 : i32
      %dma_wait3A = arith.constant 0 : i32
      %dma_wait3A_76 = arith.constant 0 : i32
      %dma_wait3A_77 = tpu.memref_slice %arg8[%dma_wait3A, %dma_wait3A_76] : memref<2x128xi32, #tpu.memory_space<vmem>> -> memref<1x128xi32, #tpu.memory_space<vmem>>
      %dma_wait3A_78 = tpu.memref_squeeze %dma_wait3A_77 : memref<1x128xi32, #tpu.memory_space<vmem>> -> memref<128xi32, #tpu.memory_space<vmem>>
      %dma_wait3A_79 = arith.constant 0 : i32
      %dma_wait3A_80 = tpu.memref_slice %arg4[%add3A, %add3A_75, %dma_wait3A_79] : memref<32x80x128xi32, #tpu.memory_space<hbm>> -> memref<1x1x128xi32, #tpu.memory_space<hbm>>
      %dma_wait3A_81 = tpu.memref_squeeze %dma_wait3A_80 : memref<1x1x128xi32, #tpu.memory_space<hbm>> -> memref<128xi32, #tpu.memory_space<hbm>>
      %dma_wait3A_82 = arith.constant 0 : i32
      %dma_wait3A_83 = tpu.memref_slice %arg8[%dma_wait3A, %dma_wait3A_82] : memref<2x128xi32, #tpu.memory_space<vmem>> -> memref<1x128xi32, #tpu.memory_space<vmem>>
      %dma_wait3A_84 = tpu.memref_squeeze %dma_wait3A_83 : memref<1x128xi32, #tpu.memory_space<vmem>> -> memref<128xi32, #tpu.memory_space<vmem>>
      %dma_wait3A_85 = arith.constant 0 : i32
      %dma_wait3A_86 = tpu.memref_slice %arg4[%add3A, %add3A_75, %dma_wait3A_85] : memref<32x80x128xi32, #tpu.memory_space<hbm>> -> memref<1x1x128xi32, #tpu.memory_space<hbm>>
      %dma_wait3A_87 = tpu.memref_squeeze %dma_wait3A_86 : memref<1x1x128xi32, #tpu.memory_space<hbm>> -> memref<128xi32, #tpu.memory_space<hbm>>
      tpu.wait_dma2 semaphore(%arg13 : memref<!tpu.dma_semaphore, #tpu.memory_space<semaphore_mem>>) src(%dma_wait3A_87 : memref<128xi32, #tpu.memory_space<hbm>>) dst(%dma_wait3A_84 : memref<128xi32, #tpu.memory_space<vmem>>)
      %dma_wait3A_88 = arith.constant 0 : i32
      %dma_wait3A_89 = arith.constant 0 : i32
      %dma_wait3A_90 = arith.constant 0 : i32
      %dma_wait3A_91 = tpu.memref_slice %arg9[%dma_wait3A_88, %dma_wait3A_89, %dma_wait3A_90] : memref<2x128x128xf32, #tpu.memory_space<vmem>> -> memref<1x128x128xf32, #tpu.memory_space<vmem>>
      %dma_wait3A_92 = tpu.memref_squeeze %dma_wait3A_91 : memref<1x128x128xf32, #tpu.memory_space<vmem>> -> memref<128x128xf32, #tpu.memory_space<vmem>>
      %dma_wait3A_93 = arith.constant 0 : i32
      %dma_wait3A_94 = tpu.memref_slice %arg7[%add3A_75, %dma_wait3A_93] : memref<80x128xi32, #tpu.memory_space<vmem>> -> memref<1x128xi32, #tpu.memory_space<vmem>>
      %dma_wait3A_95 = tpu.memref_squeeze %dma_wait3A_94 : memref<1x128xi32, #tpu.memory_space<vmem>> -> memref<128xi32, #tpu.memory_space<vmem>>
      %dma_wait3A_96 = arith.constant 0 : i32
      %dma_wait3A_97 = arith.constant 0 : i32
      %dma_wait3A_98 = tpu.memref_slice %arg2[%dma_wait3A_96, %dma_wait3A_97] : memref<10240x128xf32, #tpu.memory_space<hbm>> -> memref<10240x128xf32, #tpu.memory_space<hbm>>
      tpu.wait_indirect_dma semaphore(%arg11 : memref<!tpu.dma_semaphore, #tpu.memory_space<semaphore_mem>>) src(%dma_wait3A_98 : memref<10240x128xf32, #tpu.memory_space<hbm>>) dst(%dma_wait3A_92 : memref<128x128xf32, #tpu.memory_space<vmem>>)
      %run_scoped3A = arith.constant 0 : i32
      %run_scoped3A_99 = arith.constant 0 : i32
      "tpu.region"() ({
        %run_scoped3A_144 = tpu.sem_alloc : memref<!tpu.dma_semaphore, #tpu.memory_space<semaphore_mem>>
        %dma_start3A_145 = arith.constant 0 : i32
        %dma_start3A_146 = arith.constant 0 : i32
        %dma_start3A_147 = tpu.memref_slice %arg9[%run_scoped3A, %dma_start3A_145, %dma_start3A_146] : memref<2x128x128xf32, #tpu.memory_space<vmem>> -> memref<1x128x128xf32, #tpu.memory_space<vmem>>
        %dma_start3A_148 = tpu.memref_squeeze %dma_start3A_147 : memref<1x128x128xf32, #tpu.memory_space<vmem>> -> memref<128x128xf32, #tpu.memory_space<vmem>>
        %dma_start3A_149 = arith.constant 0 : i32
        %dma_start3A_150 = tpu.memref_slice %arg8[%run_scoped3A_99, %dma_start3A_149] : memref<2x128xi32, #tpu.memory_space<vmem>> -> memref<1x128xi32, #tpu.memory_space<vmem>>
        %dma_start3A_151 = tpu.memref_squeeze %dma_start3A_150 : memref<1x128xi32, #tpu.memory_space<vmem>> -> memref<128xi32, #tpu.memory_space<vmem>>
        %dma_start3A_152 = arith.constant 0 : i32
        %dma_start3A_153 = arith.constant 0 : i32
        %dma_start3A_154 = tpu.memref_slice %arg10[%dma_start3A_152, %dma_start3A_153] : memref<10240x128xf32, #tpu.memory_space<vmem_shared>> -> memref<10240x128xf32, #tpu.memory_space<vmem_shared>>
        tpu.enqueue_indirect_dma source(%dma_start3A_148 : memref<128x128xf32, #tpu.memory_space<vmem>>) target(%dma_start3A_154 : memref<10240x128xf32, #tpu.memory_space<vmem_shared>>) offsets(%dma_start3A_151 : memref<128xi32, #tpu.memory_space<vmem>>) semaphore(%run_scoped3A_144 : memref<!tpu.dma_semaphore, #tpu.memory_space<semaphore_mem>>) {add = true}
        %dma_wait3A_155 = arith.constant 0 : i32
        %dma_wait3A_156 = arith.constant 0 : i32
        %dma_wait3A_157 = tpu.memref_slice %arg9[%run_scoped3A, %dma_wait3A_155, %dma_wait3A_156] : memref<2x128x128xf32, #tpu.memory_space<vmem>> -> memref<1x128x128xf32, #tpu.memory_space<vmem>>
        %dma_wait3A_158 = tpu.memref_squeeze %dma_wait3A_157 : memref<1x128x128xf32, #tpu.memory_space<vmem>> -> memref<128x128xf32, #tpu.memory_space<vmem>>
        %dma_wait3A_159 = arith.constant 0 : i32
        %dma_wait3A_160 = tpu.memref_slice %arg8[%run_scoped3A_99, %dma_wait3A_159] : memref<2x128xi32, #tpu.memory_space<vmem>> -> memref<1x128xi32, #tpu.memory_space<vmem>>
        %dma_wait3A_161 = tpu.memref_squeeze %dma_wait3A_160 : memref<1x128xi32, #tpu.memory_space<vmem>> -> memref<128xi32, #tpu.memory_space<vmem>>
        %dma_wait3A_162 = arith.constant 0 : i32
        %dma_wait3A_163 = arith.constant 0 : i32
        %dma_wait3A_164 = tpu.memref_slice %arg10[%dma_wait3A_162, %dma_wait3A_163] : memref<10240x128xf32, #tpu.memory_space<vmem_shared>> -> memref<10240x128xf32, #tpu.memory_space<vmem_shared>>
        tpu.wait_indirect_dma semaphore(%run_scoped3A_144 : memref<!tpu.dma_semaphore, #tpu.memory_space<semaphore_mem>>) src(%dma_wait3A_158 : memref<128x128xf32, #tpu.memory_space<vmem>>) dst(%dma_wait3A_164 : memref<10240x128xf32, #tpu.memory_space<vmem_shared>>)
        tpu.yield
      }) : () -> ()
      %add3A_100 = arith.constant 2 : i32
      %add3A_101 = arith.addi %add3A_75, %add3A_100 : i32
      %lt3A_102 = arith.constant 80 : i32
      %lt3A_103 = arith.cmpi slt, %add3A_101, %lt3A_102 : i32
      %convert_element_type3A_104 = arith.extui %lt3A_103 : i1 to i32
      %cond3A_105 = arith.constant 0 : i32
      %cond3A_106 = arith.cmpi ne, %convert_element_type3A_104, %cond3A_105 : i32
      scf.if %cond3A_106 {
        %add3A_144 = arith.constant 2 : i32
        %add3A_145 = arith.addi %add3A_75, %add3A_144 : i32
        %dma_start3A_146 = arith.constant 0 : i32
        %dma_start3A_147 = arith.constant 0 : i32
        %dma_start3A_148 = tpu.memref_slice %arg8[%dma_start3A_146, %dma_start3A_147] : memref<2x128xi32, #tpu.memory_space<vmem>> -> memref<1x128xi32, #tpu.memory_space<vmem>>
        %dma_start3A_149 = tpu.memref_squeeze %dma_start3A_148 : memref<1x128xi32, #tpu.memory_space<vmem>> -> memref<128xi32, #tpu.memory_space<vmem>>
        %dma_start3A_150 = arith.constant 0 : i32
        %dma_start3A_151 = tpu.memref_slice %arg4[%add3A, %add3A_145, %dma_start3A_150] : memref<32x80x128xi32, #tpu.memory_space<hbm>> -> memref<1x1x128xi32, #tpu.memory_space<hbm>>
        %dma_start3A_152 = tpu.memref_squeeze %dma_start3A_151 : memref<1x1x128xi32, #tpu.memory_space<hbm>> -> memref<128xi32, #tpu.memory_space<hbm>>
        %dma_start3A_153 = arith.constant 0 : i32
        %dma_start3A_154 = tpu.memref_slice %arg8[%dma_start3A_146, %dma_start3A_153] : memref<2x128xi32, #tpu.memory_space<vmem>> -> memref<1x128xi32, #tpu.memory_space<vmem>>
        %dma_start3A_155 = tpu.memref_squeeze %dma_start3A_154 : memref<1x128xi32, #tpu.memory_space<vmem>> -> memref<128xi32, #tpu.memory_space<vmem>>
        %dma_start3A_156 = arith.constant 0 : i32
        %dma_start3A_157 = tpu.memref_slice %arg4[%add3A, %add3A_145, %dma_start3A_156] : memref<32x80x128xi32, #tpu.memory_space<hbm>> -> memref<1x1x128xi32, #tpu.memory_space<hbm>>
        %dma_start3A_158 = tpu.memref_squeeze %dma_start3A_157 : memref<1x1x128xi32, #tpu.memory_space<hbm>> -> memref<128xi32, #tpu.memory_space<hbm>>
        tpu.enqueue_dma source(%dma_start3A_158 : memref<128xi32, #tpu.memory_space<hbm>>) target(%dma_start3A_155 : memref<128xi32, #tpu.memory_space<vmem>>) target_semaphore(%arg13 : memref<!tpu.dma_semaphore, #tpu.memory_space<semaphore_mem>>)
        %add3A_159 = arith.constant 2 : i32
        %add3A_160 = arith.addi %add3A_75, %add3A_159 : i32
        %dma_start3A_161 = arith.constant 0 : i32
        %dma_start3A_162 = arith.constant 0 : i32
        %dma_start3A_163 = arith.constant 0 : i32
        %dma_start3A_164 = tpu.memref_slice %arg9[%dma_start3A_161, %dma_start3A_162, %dma_start3A_163] : memref<2x128x128xf32, #tpu.memory_space<vmem>> -> memref<1x128x128xf32, #tpu.memory_space<vmem>>
        %dma_start3A_165 = tpu.memref_squeeze %dma_start3A_164 : memref<1x128x128xf32, #tpu.memory_space<vmem>> -> memref<128x128xf32, #tpu.memory_space<vmem>>
        %dma_start3A_166 = arith.constant 0 : i32
        %dma_start3A_167 = tpu.memref_slice %arg7[%add3A_160, %dma_start3A_166] : memref<80x128xi32, #tpu.memory_space<vmem>> -> memref<1x128xi32, #tpu.memory_space<vmem>>
        %dma_start3A_168 = tpu.memref_squeeze %dma_start3A_167 : memref<1x128xi32, #tpu.memory_space<vmem>> -> memref<128xi32, #tpu.memory_space<vmem>>
        %dma_start3A_169 = arith.constant 0 : i32
        %dma_start3A_170 = arith.constant 0 : i32
        %dma_start3A_171 = tpu.memref_slice %arg2[%dma_start3A_169, %dma_start3A_170] : memref<10240x128xf32, #tpu.memory_space<hbm>> -> memref<10240x128xf32, #tpu.memory_space<hbm>>
        tpu.enqueue_indirect_dma source(%dma_start3A_171 : memref<10240x128xf32, #tpu.memory_space<hbm>>) target(%dma_start3A_165 : memref<128x128xf32, #tpu.memory_space<vmem>>) offsets(%dma_start3A_168 : memref<128xi32, #tpu.memory_space<vmem>>) semaphore(%arg11 : memref<!tpu.dma_semaphore, #tpu.memory_space<semaphore_mem>>)
      } else {
      }
      %mul3A_107 = arith.constant 2 : i32
      %mul3A_108 = arith.muli %scan3A_71, %mul3A_107 : i32
      %add3A_109 = arith.constant 1 : i32
      %add3A_110 = arith.addi %mul3A_108, %add3A_109 : i32
      %dma_wait3A_111 = arith.constant 1 : i32
      %dma_wait3A_112 = arith.constant 0 : i32
      %dma_wait3A_113 = tpu.memref_slice %arg8[%dma_wait3A_111, %dma_wait3A_112] : memref<2x128xi32, #tpu.memory_space<vmem>> -> memref<1x128xi32, #tpu.memory_space<vmem>>
      %dma_wait3A_114 = tpu.memref_squeeze %dma_wait3A_113 : memref<1x128xi32, #tpu.memory_space<vmem>> -> memref<128xi32, #tpu.memory_space<vmem>>
      %dma_wait3A_115 = arith.constant 0 : i32
      %dma_wait3A_116 = tpu.memref_slice %arg4[%add3A, %add3A_110, %dma_wait3A_115] : memref<32x80x128xi32, #tpu.memory_space<hbm>> -> memref<1x1x128xi32, #tpu.memory_space<hbm>>
      %dma_wait3A_117 = tpu.memref_squeeze %dma_wait3A_116 : memref<1x1x128xi32, #tpu.memory_space<hbm>> -> memref<128xi32, #tpu.memory_space<hbm>>
      %dma_wait3A_118 = arith.constant 0 : i32
      %dma_wait3A_119 = tpu.memref_slice %arg8[%dma_wait3A_111, %dma_wait3A_118] : memref<2x128xi32, #tpu.memory_space<vmem>> -> memref<1x128xi32, #tpu.memory_space<vmem>>
      %dma_wait3A_120 = tpu.memref_squeeze %dma_wait3A_119 : memref<1x128xi32, #tpu.memory_space<vmem>> -> memref<128xi32, #tpu.memory_space<vmem>>
      %dma_wait3A_121 = arith.constant 0 : i32
      %dma_wait3A_122 = tpu.memref_slice %arg4[%add3A, %add3A_110, %dma_wait3A_121] : memref<32x80x128xi32, #tpu.memory_space<hbm>> -> memref<1x1x128xi32, #tpu.memory_space<hbm>>
      %dma_wait3A_123 = tpu.memref_squeeze %dma_wait3A_122 : memref<1x1x128xi32, #tpu.memory_space<hbm>> -> memref<128xi32, #tpu.memory_space<hbm>>
      tpu.wait_dma2 semaphore(%arg14 : memref<!tpu.dma_semaphore, #tpu.memory_space<semaphore_mem>>) src(%dma_wait3A_123 : memref<128xi32, #tpu.memory_space<hbm>>) dst(%dma_wait3A_120 : memref<128xi32, #tpu.memory_space<vmem>>)
      %dma_wait3A_124 = arith.constant 1 : i32
      %dma_wait3A_125 = arith.constant 0 : i32
      %dma_wait3A_126 = arith.constant 0 : i32
      %dma_wait3A_127 = tpu.memref_slice %arg9[%dma_wait3A_124, %dma_wait3A_125, %dma_wait3A_126] : memref<2x128x128xf32, #tpu.memory_space<vmem>> -> memref<1x128x128xf32, #tpu.memory_space<vmem>>
      %dma_wait3A_128 = tpu.memref_squeeze %dma_wait3A_127 : memref<1x128x128xf32, #tpu.memory_space<vmem>> -> memref<128x128xf32, #tpu.memory_space<vmem>>
      %dma_wait3A_129 = arith.constant 0 : i32
      %dma_wait3A_130 = tpu.memref_slice %arg7[%add3A_110, %dma_wait3A_129] : memref<80x128xi32, #tpu.memory_space<vmem>> -> memref<1x128xi32, #tpu.memory_space<vmem>>
      %dma_wait3A_131 = tpu.memref_squeeze %dma_wait3A_130 : memref<1x128xi32, #tpu.memory_space<vmem>> -> memref<128xi32, #tpu.memory_space<vmem>>
      %dma_wait3A_132 = arith.constant 0 : i32
      %dma_wait3A_133 = arith.constant 0 : i32
      %dma_wait3A_134 = tpu.memref_slice %arg2[%dma_wait3A_132, %dma_wait3A_133] : memref<10240x128xf32, #tpu.memory_space<hbm>> -> memref<10240x128xf32, #tpu.memory_space<hbm>>
      tpu.wait_indirect_dma semaphore(%arg12 : memref<!tpu.dma_semaphore, #tpu.memory_space<semaphore_mem>>) src(%dma_wait3A_134 : memref<10240x128xf32, #tpu.memory_space<hbm>>) dst(%dma_wait3A_128 : memref<128x128xf32, #tpu.memory_space<vmem>>)
      %run_scoped3A_135 = arith.constant 1 : i32
      %run_scoped3A_136 = arith.constant 1 : i32
      "tpu.region"() ({
        %run_scoped3A_144 = tpu.sem_alloc : memref<!tpu.dma_semaphore, #tpu.memory_space<semaphore_mem>>
        %dma_start3A_145 = arith.constant 0 : i32
        %dma_start3A_146 = arith.constant 0 : i32
        %dma_start3A_147 = tpu.memref_slice %arg9[%run_scoped3A_135, %dma_start3A_145, %dma_start3A_146] : memref<2x128x128xf32, #tpu.memory_space<vmem>> -> memref<1x128x128xf32, #tpu.memory_space<vmem>>
        %dma_start3A_148 = tpu.memref_squeeze %dma_start3A_147 : memref<1x128x128xf32, #tpu.memory_space<vmem>> -> memref<128x128xf32, #tpu.memory_space<vmem>>
        %dma_start3A_149 = arith.constant 0 : i32
        %dma_start3A_150 = tpu.memref_slice %arg8[%run_scoped3A_136, %dma_start3A_149] : memref<2x128xi32, #tpu.memory_space<vmem>> -> memref<1x128xi32, #tpu.memory_space<vmem>>
        %dma_start3A_151 = tpu.memref_squeeze %dma_start3A_150 : memref<1x128xi32, #tpu.memory_space<vmem>> -> memref<128xi32, #tpu.memory_space<vmem>>
        %dma_start3A_152 = arith.constant 0 : i32
        %dma_start3A_153 = arith.constant 0 : i32
        %dma_start3A_154 = tpu.memref_slice %arg10[%dma_start3A_152, %dma_start3A_153] : memref<10240x128xf32, #tpu.memory_space<vmem_shared>> -> memref<10240x128xf32, #tpu.memory_space<vmem_shared>>
        tpu.enqueue_indirect_dma source(%dma_start3A_148 : memref<128x128xf32, #tpu.memory_space<vmem>>) target(%dma_start3A_154 : memref<10240x128xf32, #tpu.memory_space<vmem_shared>>) offsets(%dma_start3A_151 : memref<128xi32, #tpu.memory_space<vmem>>) semaphore(%run_scoped3A_144 : memref<!tpu.dma_semaphore, #tpu.memory_space<semaphore_mem>>) {add = true}
        %dma_wait3A_155 = arith.constant 0 : i32
        %dma_wait3A_156 = arith.constant 0 : i32
        %dma_wait3A_157 = tpu.memref_slice %arg9[%run_scoped3A_135, %dma_wait3A_155, %dma_wait3A_156] : memref<2x128x128xf32, #tpu.memory_space<vmem>> -> memref<1x128x128xf32, #tpu.memory_space<vmem>>
        %dma_wait3A_158 = tpu.memref_squeeze %dma_wait3A_157 : memref<1x128x128xf32, #tpu.memory_space<vmem>> -> memref<128x128xf32, #tpu.memory_space<vmem>>
        %dma_wait3A_159 = arith.constant 0 : i32
        %dma_wait3A_160 = tpu.memref_slice %arg8[%run_scoped3A_136, %dma_wait3A_159] : memref<2x128xi32, #tpu.memory_space<vmem>> -> memref<1x128xi32, #tpu.memory_space<vmem>>
        %dma_wait3A_161 = tpu.memref_squeeze %dma_wait3A_160 : memref<1x128xi32, #tpu.memory_space<vmem>> -> memref<128xi32, #tpu.memory_space<vmem>>
        %dma_wait3A_162 = arith.constant 0 : i32
        %dma_wait3A_163 = arith.constant 0 : i32
        %dma_wait3A_164 = tpu.memref_slice %arg10[%dma_wait3A_162, %dma_wait3A_163] : memref<10240x128xf32, #tpu.memory_space<vmem_shared>> -> memref<10240x128xf32, #tpu.memory_space<vmem_shared>>
        tpu.wait_indirect_dma semaphore(%run_scoped3A_144 : memref<!tpu.dma_semaphore, #tpu.memory_space<semaphore_mem>>) src(%dma_wait3A_158 : memref<128x128xf32, #tpu.memory_space<vmem>>) dst(%dma_wait3A_164 : memref<10240x128xf32, #tpu.memory_space<vmem_shared>>)
        tpu.yield
      }) : () -> ()
      %add3A_137 = arith.constant 2 : i32
      %add3A_138 = arith.addi %add3A_110, %add3A_137 : i32
      %lt3A_139 = arith.constant 80 : i32
      %lt3A_140 = arith.cmpi slt, %add3A_138, %lt3A_139 : i32
      %convert_element_type3A_141 = arith.extui %lt3A_140 : i1 to i32
      %cond3A_142 = arith.constant 0 : i32
      %cond3A_143 = arith.cmpi ne, %convert_element_type3A_141, %cond3A_142 : i32
      scf.if %cond3A_143 {
        %add3A_144 = arith.constant 2 : i32
        %add3A_145 = arith.addi %add3A_110, %add3A_144 : i32
        %dma_start3A_146 = arith.constant 1 : i32
        %dma_start3A_147 = arith.constant 0 : i32
        %dma_start3A_148 = tpu.memref_slice %arg8[%dma_start3A_146, %dma_start3A_147] : memref<2x128xi32, #tpu.memory_space<vmem>> -> memref<1x128xi32, #tpu.memory_space<vmem>>
        %dma_start3A_149 = tpu.memref_squeeze %dma_start3A_148 : memref<1x128xi32, #tpu.memory_space<vmem>> -> memref<128xi32, #tpu.memory_space<vmem>>
        %dma_start3A_150 = arith.constant 0 : i32
        %dma_start3A_151 = tpu.memref_slice %arg4[%add3A, %add3A_145, %dma_start3A_150] : memref<32x80x128xi32, #tpu.memory_space<hbm>> -> memref<1x1x128xi32, #tpu.memory_space<hbm>>
        %dma_start3A_152 = tpu.memref_squeeze %dma_start3A_151 : memref<1x1x128xi32, #tpu.memory_space<hbm>> -> memref<128xi32, #tpu.memory_space<hbm>>
        %dma_start3A_153 = arith.constant 0 : i32
        %dma_start3A_154 = tpu.memref_slice %arg8[%dma_start3A_146, %dma_start3A_153] : memref<2x128xi32, #tpu.memory_space<vmem>> -> memref<1x128xi32, #tpu.memory_space<vmem>>
        %dma_start3A_155 = tpu.memref_squeeze %dma_start3A_154 : memref<1x128xi32, #tpu.memory_space<vmem>> -> memref<128xi32, #tpu.memory_space<vmem>>
        %dma_start3A_156 = arith.constant 0 : i32
        %dma_start3A_157 = tpu.memref_slice %arg4[%add3A, %add3A_145, %dma_start3A_156] : memref<32x80x128xi32, #tpu.memory_space<hbm>> -> memref<1x1x128xi32, #tpu.memory_space<hbm>>
        %dma_start3A_158 = tpu.memref_squeeze %dma_start3A_157 : memref<1x1x128xi32, #tpu.memory_space<hbm>> -> memref<128xi32, #tpu.memory_space<hbm>>
        tpu.enqueue_dma source(%dma_start3A_158 : memref<128xi32, #tpu.memory_space<hbm>>) target(%dma_start3A_155 : memref<128xi32, #tpu.memory_space<vmem>>) target_semaphore(%arg14 : memref<!tpu.dma_semaphore, #tpu.memory_space<semaphore_mem>>)
        %add3A_159 = arith.constant 2 : i32
        %add3A_160 = arith.addi %add3A_110, %add3A_159 : i32
        %dma_start3A_161 = arith.constant 1 : i32
        %dma_start3A_162 = arith.constant 0 : i32
        %dma_start3A_163 = arith.constant 0 : i32
        %dma_start3A_164 = tpu.memref_slice %arg9[%dma_start3A_161, %dma_start3A_162, %dma_start3A_163] : memref<2x128x128xf32, #tpu.memory_space<vmem>> -> memref<1x128x128xf32, #tpu.memory_space<vmem>>
        %dma_start3A_165 = tpu.memref_squeeze %dma_start3A_164 : memref<1x128x128xf32, #tpu.memory_space<vmem>> -> memref<128x128xf32, #tpu.memory_space<vmem>>
        %dma_start3A_166 = arith.constant 0 : i32
        %dma_start3A_167 = tpu.memref_slice %arg7[%add3A_160, %dma_start3A_166] : memref<80x128xi32, #tpu.memory_space<vmem>> -> memref<1x128xi32, #tpu.memory_space<vmem>>
        %dma_start3A_168 = tpu.memref_squeeze %dma_start3A_167 : memref<1x128xi32, #tpu.memory_space<vmem>> -> memref<128xi32, #tpu.memory_space<vmem>>
        %dma_start3A_169 = arith.constant 0 : i32
        %dma_start3A_170 = arith.constant 0 : i32
        %dma_start3A_171 = tpu.memref_slice %arg2[%dma_start3A_169, %dma_start3A_170] : memref<10240x128xf32, #tpu.memory_space<hbm>> -> memref<10240x128xf32, #tpu.memory_space<hbm>>
        tpu.enqueue_indirect_dma source(%dma_start3A_171 : memref<10240x128xf32, #tpu.memory_space<hbm>>) target(%dma_start3A_165 : memref<128x128xf32, #tpu.memory_space<vmem>>) offsets(%dma_start3A_168 : memref<128xi32, #tpu.memory_space<vmem>>) semaphore(%arg12 : memref<!tpu.dma_semaphore, #tpu.memory_space<semaphore_mem>>)
      } else {
      }
    }
    %scan3A_65 = arith.constant 40 : i32
    %barrier3A_66 = arith.constant 0 : index
    tpu.barrier barrier_id(%barrier3A_66)
    %mul3A_67 = arith.constant 640 : i32
    %mul3A_68 = arith.muli %arg1, %mul3A_67 : i32
    %mul3A_69 = arith.constant 640 : i32
    %mul3A_70 = arith.muli %arg1, %mul3A_69 : i32
    "tpu.region"() ({
      %run_scoped3A = tpu.sem_alloc : memref<!tpu.dma_semaphore, #tpu.memory_space<semaphore_mem>>
      %dma_start3A_71 = arith.constant 0 : i32
      %dma_start3A_72 = tpu.memref_slice %arg6[%arg0, %mul3A_70, %dma_start3A_71] : memref<2x10240x128xf32, #tpu.memory_space<hbm>> -> memref<1x640x128xf32, #tpu.memory_space<hbm>>
      %dma_start3A_73 = tpu.memref_squeeze %dma_start3A_72 : memref<1x640x128xf32, #tpu.memory_space<hbm>> -> memref<640x128xf32, #tpu.memory_space<hbm>>
      %dma_start3A_74 = arith.constant 0 : i32
      %dma_start3A_75 = tpu.memref_slice %arg10[%mul3A_68, %dma_start3A_74] : memref<10240x128xf32, #tpu.memory_space<vmem_shared>> -> memref<640x128xf32, #tpu.memory_space<vmem_shared>>
      tpu.enqueue_dma source(%dma_start3A_75 : memref<640x128xf32, #tpu.memory_space<vmem_shared>>) target(%dma_start3A_73 : memref<640x128xf32, #tpu.memory_space<hbm>>) target_semaphore(%run_scoped3A : memref<!tpu.dma_semaphore, #tpu.memory_space<semaphore_mem>>)
      %dma_wait3A = arith.constant 0 : i32
      %dma_wait3A_76 = tpu.memref_slice %arg6[%arg0, %mul3A_70, %dma_wait3A] : memref<2x10240x128xf32, #tpu.memory_space<hbm>> -> memref<1x640x128xf32, #tpu.memory_space<hbm>>
      %dma_wait3A_77 = tpu.memref_squeeze %dma_wait3A_76 : memref<1x640x128xf32, #tpu.memory_space<hbm>> -> memref<640x128xf32, #tpu.memory_space<hbm>>
      %dma_wait3A_78 = arith.constant 0 : i32
      %dma_wait3A_79 = tpu.memref_slice %arg10[%mul3A_68, %dma_wait3A_78] : memref<10240x128xf32, #tpu.memory_space<vmem_shared>> -> memref<640x128xf32, #tpu.memory_space<vmem_shared>>
      tpu.wait_dma2 semaphore(%run_scoped3A : memref<!tpu.dma_semaphore, #tpu.memory_space<semaphore_mem>>) src(%dma_wait3A_79 : memref<640x128xf32, #tpu.memory_space<vmem_shared>>) dst(%dma_wait3A_77 : memref<640x128xf32, #tpu.memory_space<hbm>>)
      tpu.yield
    }) : () -> ()
    return
  }
}

#map = affine_map<(d0, d1) -> (0, 0)>
#map1 = affine_map<(d0, d1) -> (0, 0, 0)>
module attributes {stable_mosaic.version = 14 : i64} {
  func.func @sc_agg(%arg0: i32, %arg1: i32, %arg2: memref<10000x128xf32, #tpu.memory_space<hbm>>, %arg3: memref<32x80x128xi32, #tpu.memory_space<hbm>>, %arg4: memref<32x80x128xi32, #tpu.memory_space<hbm>>, %arg5: memref<640x128xf32, #tpu.memory_space<hbm>>, %arg6: memref<2x10240x128xf32, #tpu.memory_space<hbm>>, %arg7: memref<80x128xi32, #tpu.memory_space<vmem>>, %arg8: memref<2x128xi32, #tpu.memory_space<vmem>>, %arg9: memref<2x128x128xf32, #tpu.memory_space<vmem>>, %arg10: memref<10240x128xf32, #tpu.memory_space<vmem_shared>>, %arg11: memref<!tpu.dma_semaphore, #tpu.memory_space<semaphore_mem>>, %arg12: memref<!tpu.dma_semaphore, #tpu.memory_space<semaphore_mem>>, %arg13: memref<!tpu.dma_semaphore, #tpu.memory_space<semaphore_mem>>, %arg14: memref<!tpu.dma_semaphore, #tpu.memory_space<semaphore_mem>>) attributes {dimension_semantics = [#tpu.dimension_semantics<core_parallel>, #tpu.dimension_semantics<subcore_parallel>], iteration_bounds = array<i64: 2, 16>, scalar_prefetch = 0 : i64, scratch_operands = 8 : i64, tpu.core_type = #tpu.core_type<sc_vector_subcore>, window_params = [{transform_indices = #map}, {transform_indices = #map1}, {transform_indices = #map1}, {transform_indices = #map}, {transform_indices = #map1}]} {
    %mul3A = arith.constant 2 : i32
    %mul3A_0 = arith.muli %arg1, %mul3A : i32
    %add3A = arith.addi %mul3A_0, %arg0 : i32
    "tpu.region"() ({
      %run_scoped3A = tpu.sem_alloc : memref<!tpu.dma_semaphore, #tpu.memory_space<semaphore_mem>>
      %dma_start3A_79 = arith.constant 0 : i32
      %dma_start3A_80 = arith.constant 0 : i32
      %dma_start3A_81 = tpu.memref_slice %arg3[%add3A, %dma_start3A_79, %dma_start3A_80] : memref<32x80x128xi32, #tpu.memory_space<hbm>> -> memref<1x80x128xi32, #tpu.memory_space<hbm>>
      %dma_start3A_82 = tpu.memref_squeeze %dma_start3A_81 : memref<1x80x128xi32, #tpu.memory_space<hbm>> -> memref<80x128xi32, #tpu.memory_space<hbm>>
      %dma_start3A_83 = arith.constant 0 : i32
      %dma_start3A_84 = arith.constant 0 : i32
      %dma_start3A_85 = tpu.memref_slice %arg3[%add3A, %dma_start3A_83, %dma_start3A_84] : memref<32x80x128xi32, #tpu.memory_space<hbm>> -> memref<1x80x128xi32, #tpu.memory_space<hbm>>
      %dma_start3A_86 = tpu.memref_squeeze %dma_start3A_85 : memref<1x80x128xi32, #tpu.memory_space<hbm>> -> memref<80x128xi32, #tpu.memory_space<hbm>>
      tpu.enqueue_dma source(%dma_start3A_86 : memref<80x128xi32, #tpu.memory_space<hbm>>) target(%arg7 : memref<80x128xi32, #tpu.memory_space<vmem>>) target_semaphore(%run_scoped3A : memref<!tpu.dma_semaphore, #tpu.memory_space<semaphore_mem>>)
      %dma_wait3A = arith.constant 0 : i32
      %dma_wait3A_87 = arith.constant 0 : i32
      %dma_wait3A_88 = tpu.memref_slice %arg3[%add3A, %dma_wait3A, %dma_wait3A_87] : memref<32x80x128xi32, #tpu.memory_space<hbm>> -> memref<1x80x128xi32, #tpu.memory_space<hbm>>
      %dma_wait3A_89 = tpu.memref_squeeze %dma_wait3A_88 : memref<1x80x128xi32, #tpu.memory_space<hbm>> -> memref<80x128xi32, #tpu.memory_space<hbm>>
      %dma_wait3A_90 = arith.constant 0 : i32
      %dma_wait3A_91 = arith.constant 0 : i32
      %dma_wait3A_92 = tpu.memref_slice %arg3[%add3A, %dma_wait3A_90, %dma_wait3A_91] : memref<32x80x128xi32, #tpu.memory_space<hbm>> -> memref<1x80x128xi32, #tpu.memory_space<hbm>>
      %dma_wait3A_93 = tpu.memref_squeeze %dma_wait3A_92 : memref<1x80x128xi32, #tpu.memory_space<hbm>> -> memref<80x128xi32, #tpu.memory_space<hbm>>
      tpu.wait_dma2 semaphore(%run_scoped3A : memref<!tpu.dma_semaphore, #tpu.memory_space<semaphore_mem>>) src(%dma_wait3A_93 : memref<80x128xi32, #tpu.memory_space<hbm>>) dst(%arg7 : memref<80x128xi32, #tpu.memory_space<vmem>>)
      tpu.yield
    }) : () -> ()
    %dma_start3A = arith.constant 0 : i32
    %dma_start3A_1 = arith.constant 0 : i32
    %dma_start3A_2 = arith.constant 0 : i32
    %dma_start3A_3 = tpu.memref_slice %arg8[%dma_start3A_1, %dma_start3A_2] : memref<2x128xi32, #tpu.memory_space<vmem>> -> memref<1x128xi32, #tpu.memory_space<vmem>>
    %dma_start3A_4 = tpu.memref_squeeze %dma_start3A_3 : memref<1x128xi32, #tpu.memory_space<vmem>> -> memref<128xi32, #tpu.memory_space<vmem>>
    %dma_start3A_5 = arith.constant 0 : i32
    %dma_start3A_6 = tpu.memref_slice %arg4[%add3A, %dma_start3A, %dma_start3A_5] : memref<32x80x128xi32, #tpu.memory_space<hbm>> -> memref<1x1x128xi32, #tpu.memory_space<hbm>>
    %dma_start3A_7 = tpu.memref_squeeze %dma_start3A_6 : memref<1x1x128xi32, #tpu.memory_space<hbm>> -> memref<128xi32, #tpu.memory_space<hbm>>
    %dma_start3A_8 = arith.constant 0 : i32
    %dma_start3A_9 = tpu.memref_slice %arg8[%dma_start3A_1, %dma_start3A_8] : memref<2x128xi32, #tpu.memory_space<vmem>> -> memref<1x128xi32, #tpu.memory_space<vmem>>
    %dma_start3A_10 = tpu.memref_squeeze %dma_start3A_9 : memref<1x128xi32, #tpu.memory_space<vmem>> -> memref<128xi32, #tpu.memory_space<vmem>>
    %dma_start3A_11 = arith.constant 0 : i32
    %dma_start3A_12 = tpu.memref_slice %arg4[%add3A, %dma_start3A, %dma_start3A_11] : memref<32x80x128xi32, #tpu.memory_space<hbm>> -> memref<1x1x128xi32, #tpu.memory_space<hbm>>
    %dma_start3A_13 = tpu.memref_squeeze %dma_start3A_12 : memref<1x1x128xi32, #tpu.memory_space<hbm>> -> memref<128xi32, #tpu.memory_space<hbm>>
    tpu.enqueue_dma source(%dma_start3A_13 : memref<128xi32, #tpu.memory_space<hbm>>) target(%dma_start3A_10 : memref<128xi32, #tpu.memory_space<vmem>>) target_semaphore(%arg13 : memref<!tpu.dma_semaphore, #tpu.memory_space<semaphore_mem>>)
    %dma_start3A_14 = arith.constant 0 : i32
    %dma_start3A_15 = arith.constant 0 : i32
    %dma_start3A_16 = arith.constant 0 : i32
    %dma_start3A_17 = arith.constant 0 : i32
    %dma_start3A_18 = tpu.memref_slice %arg9[%dma_start3A_15, %dma_start3A_16, %dma_start3A_17] : memref<2x128x128xf32, #tpu.memory_space<vmem>> -> memref<1x128x128xf32, #tpu.memory_space<vmem>>
    %dma_start3A_19 = tpu.memref_squeeze %dma_start3A_18 : memref<1x128x128xf32, #tpu.memory_space<vmem>> -> memref<128x128xf32, #tpu.memory_space<vmem>>
    %dma_start3A_20 = arith.constant 0 : i32
    %dma_start3A_21 = tpu.memref_slice %arg7[%dma_start3A_14, %dma_start3A_20] : memref<80x128xi32, #tpu.memory_space<vmem>> -> memref<1x128xi32, #tpu.memory_space<vmem>>
    %dma_start3A_22 = tpu.memref_squeeze %dma_start3A_21 : memref<1x128xi32, #tpu.memory_space<vmem>> -> memref<128xi32, #tpu.memory_space<vmem>>
    %dma_start3A_23 = arith.constant 0 : i32
    %dma_start3A_24 = arith.constant 0 : i32
    %dma_start3A_25 = tpu.memref_slice %arg2[%dma_start3A_23, %dma_start3A_24] : memref<10000x128xf32, #tpu.memory_space<hbm>> -> memref<10000x128xf32, #tpu.memory_space<hbm>>
    tpu.enqueue_indirect_dma source(%dma_start3A_25 : memref<10000x128xf32, #tpu.memory_space<hbm>>) target(%dma_start3A_19 : memref<128x128xf32, #tpu.memory_space<vmem>>) offsets(%dma_start3A_22 : memref<128xi32, #tpu.memory_space<vmem>>) semaphore(%arg11 : memref<!tpu.dma_semaphore, #tpu.memory_space<semaphore_mem>>)
    %dma_start3A_26 = arith.constant 1 : i32
    %dma_start3A_27 = arith.constant 1 : i32
    %dma_start3A_28 = arith.constant 0 : i32
    %dma_start3A_29 = tpu.memref_slice %arg8[%dma_start3A_27, %dma_start3A_28] : memref<2x128xi32, #tpu.memory_space<vmem>> -> memref<1x128xi32, #tpu.memory_space<vmem>>
    %dma_start3A_30 = tpu.memref_squeeze %dma_start3A_29 : memref<1x128xi32, #tpu.memory_space<vmem>> -> memref<128xi32, #tpu.memory_space<vmem>>
    %dma_start3A_31 = arith.constant 0 : i32
    %dma_start3A_32 = tpu.memref_slice %arg4[%add3A, %dma_start3A_26, %dma_start3A_31] : memref<32x80x128xi32, #tpu.memory_space<hbm>> -> memref<1x1x128xi32, #tpu.memory_space<hbm>>
    %dma_start3A_33 = tpu.memref_squeeze %dma_start3A_32 : memref<1x1x128xi32, #tpu.memory_space<hbm>> -> memref<128xi32, #tpu.memory_space<hbm>>
    %dma_start3A_34 = arith.constant 0 : i32
    %dma_start3A_35 = tpu.memref_slice %arg8[%dma_start3A_27, %dma_start3A_34] : memref<2x128xi32, #tpu.memory_space<vmem>> -> memref<1x128xi32, #tpu.memory_space<vmem>>
    %dma_start3A_36 = tpu.memref_squeeze %dma_start3A_35 : memref<1x128xi32, #tpu.memory_space<vmem>> -> memref<128xi32, #tpu.memory_space<vmem>>
    %dma_start3A_37 = arith.constant 0 : i32
    %dma_start3A_38 = tpu.memref_slice %arg4[%add3A, %dma_start3A_26, %dma_start3A_37] : memref<32x80x128xi32, #tpu.memory_space<hbm>> -> memref<1x1x128xi32, #tpu.memory_space<hbm>>
    %dma_start3A_39 = tpu.memref_squeeze %dma_start3A_38 : memref<1x1x128xi32, #tpu.memory_space<hbm>> -> memref<128xi32, #tpu.memory_space<hbm>>
    tpu.enqueue_dma source(%dma_start3A_39 : memref<128xi32, #tpu.memory_space<hbm>>) target(%dma_start3A_36 : memref<128xi32, #tpu.memory_space<vmem>>) target_semaphore(%arg14 : memref<!tpu.dma_semaphore, #tpu.memory_space<semaphore_mem>>)
    %dma_start3A_40 = arith.constant 1 : i32
    %dma_start3A_41 = arith.constant 1 : i32
    %dma_start3A_42 = arith.constant 0 : i32
    %dma_start3A_43 = arith.constant 0 : i32
    %dma_start3A_44 = tpu.memref_slice %arg9[%dma_start3A_41, %dma_start3A_42, %dma_start3A_43] : memref<2x128x128xf32, #tpu.memory_space<vmem>> -> memref<1x128x128xf32, #tpu.memory_space<vmem>>
    %dma_start3A_45 = tpu.memref_squeeze %dma_start3A_44 : memref<1x128x128xf32, #tpu.memory_space<vmem>> -> memref<128x128xf32, #tpu.memory_space<vmem>>
    %dma_start3A_46 = arith.constant 0 : i32
    %dma_start3A_47 = tpu.memref_slice %arg7[%dma_start3A_40, %dma_start3A_46] : memref<80x128xi32, #tpu.memory_space<vmem>> -> memref<1x128xi32, #tpu.memory_space<vmem>>
    %dma_start3A_48 = tpu.memref_squeeze %dma_start3A_47 : memref<1x128xi32, #tpu.memory_space<vmem>> -> memref<128xi32, #tpu.memory_space<vmem>>
    %dma_start3A_49 = arith.constant 0 : i32
    %dma_start3A_50 = arith.constant 0 : i32
    %dma_start3A_51 = tpu.memref_slice %arg2[%dma_start3A_49, %dma_start3A_50] : memref<10000x128xf32, #tpu.memory_space<hbm>> -> memref<10000x128xf32, #tpu.memory_space<hbm>>
    tpu.enqueue_indirect_dma source(%dma_start3A_51 : memref<10000x128xf32, #tpu.memory_space<hbm>>) target(%dma_start3A_45 : memref<128x128xf32, #tpu.memory_space<vmem>>) offsets(%dma_start3A_48 : memref<128xi32, #tpu.memory_space<vmem>>) semaphore(%arg12 : memref<!tpu.dma_semaphore, #tpu.memory_space<semaphore_mem>>)
    %mul3A_52 = arith.constant 640 : i32
    %mul3A_53 = arith.muli %arg1, %mul3A_52 : i32
    %eq3A = arith.constant 0 : i32
    %eq3A_54 = arith.cmpi eq, %arg0, %eq3A : i32
    %lt3A = arith.constant 15 : i32
    %lt3A_55 = arith.cmpi slt, %arg1, %lt3A : i32
    %and3A = arith.andi %eq3A_54, %lt3A_55 : i1
    %convert_element_type3A = arith.extui %and3A : i1 to i32
    %cond3A = arith.constant 0 : i32
    %cond3A_56 = arith.cmpi ne, %convert_element_type3A, %cond3A : i32
    scf.if %cond3A_56 {
      "tpu.region"() ({
        %run_scoped3A = tpu.sem_alloc : memref<!tpu.dma_semaphore, #tpu.memory_space<semaphore_mem>>
        %dma_start3A_79 = arith.constant 0 : i32
        %dma_start3A_80 = tpu.memref_slice %arg10[%mul3A_53, %dma_start3A_79] : memref<10240x128xf32, #tpu.memory_space<vmem_shared>> -> memref<640x128xf32, #tpu.memory_space<vmem_shared>>
        %dma_start3A_81 = arith.constant 0 : i32
        %dma_start3A_82 = tpu.memref_slice %arg2[%mul3A_53, %dma_start3A_81] : memref<10000x128xf32, #tpu.memory_space<hbm>> -> memref<640x128xf32, #tpu.memory_space<hbm>>
        tpu.enqueue_dma source(%dma_start3A_82 : memref<640x128xf32, #tpu.memory_space<hbm>>) target(%dma_start3A_80 : memref<640x128xf32, #tpu.memory_space<vmem_shared>>) target_semaphore(%run_scoped3A : memref<!tpu.dma_semaphore, #tpu.memory_space<semaphore_mem>>)
        %dma_wait3A = arith.constant 0 : i32
        %dma_wait3A_83 = tpu.memref_slice %arg10[%mul3A_53, %dma_wait3A] : memref<10240x128xf32, #tpu.memory_space<vmem_shared>> -> memref<640x128xf32, #tpu.memory_space<vmem_shared>>
        %dma_wait3A_84 = arith.constant 0 : i32
        %dma_wait3A_85 = tpu.memref_slice %arg2[%mul3A_53, %dma_wait3A_84] : memref<10000x128xf32, #tpu.memory_space<hbm>> -> memref<640x128xf32, #tpu.memory_space<hbm>>
        tpu.wait_dma2 semaphore(%run_scoped3A : memref<!tpu.dma_semaphore, #tpu.memory_space<semaphore_mem>>) src(%dma_wait3A_85 : memref<640x128xf32, #tpu.memory_space<hbm>>) dst(%dma_wait3A_83 : memref<640x128xf32, #tpu.memory_space<vmem_shared>>)
        tpu.yield
      }) : () -> ()
    } else {
    }
    %eq3A_57 = arith.constant 0 : i32
    %eq3A_58 = arith.cmpi eq, %arg0, %eq3A_57 : i32
    %eq3A_59 = arith.constant 15 : i32
    %eq3A_60 = arith.cmpi eq, %arg1, %eq3A_59 : i32
    %and3A_61 = arith.andi %eq3A_58, %eq3A_60 : i1
    %convert_element_type3A_62 = arith.extui %and3A_61 : i1 to i32
    %cond3A_63 = arith.constant 0 : i32
    %cond3A_64 = arith.cmpi ne, %convert_element_type3A_62, %cond3A_63 : i32
    scf.if %cond3A_64 {
      "tpu.region"() ({
        %run_scoped3A = tpu.sem_alloc : memref<!tpu.dma_semaphore, #tpu.memory_space<semaphore_mem>>
        %dma_start3A_79 = arith.constant 9600 : i32
        %dma_start3A_80 = arith.constant 0 : i32
        %dma_start3A_81 = tpu.memref_slice %arg10[%dma_start3A_79, %dma_start3A_80] : memref<10240x128xf32, #tpu.memory_space<vmem_shared>> -> memref<400x128xf32, #tpu.memory_space<vmem_shared>>
        %dma_start3A_82 = arith.constant 9600 : i32
        %dma_start3A_83 = arith.constant 0 : i32
        %dma_start3A_84 = tpu.memref_slice %arg2[%dma_start3A_82, %dma_start3A_83] : memref<10000x128xf32, #tpu.memory_space<hbm>> -> memref<400x128xf32, #tpu.memory_space<hbm>>
        tpu.enqueue_dma source(%dma_start3A_84 : memref<400x128xf32, #tpu.memory_space<hbm>>) target(%dma_start3A_81 : memref<400x128xf32, #tpu.memory_space<vmem_shared>>) target_semaphore(%run_scoped3A : memref<!tpu.dma_semaphore, #tpu.memory_space<semaphore_mem>>)
        %dma_wait3A = arith.constant 9600 : i32
        %dma_wait3A_85 = arith.constant 0 : i32
        %dma_wait3A_86 = tpu.memref_slice %arg10[%dma_wait3A, %dma_wait3A_85] : memref<10240x128xf32, #tpu.memory_space<vmem_shared>> -> memref<400x128xf32, #tpu.memory_space<vmem_shared>>
        %dma_wait3A_87 = arith.constant 9600 : i32
        %dma_wait3A_88 = arith.constant 0 : i32
        %dma_wait3A_89 = tpu.memref_slice %arg2[%dma_wait3A_87, %dma_wait3A_88] : memref<10000x128xf32, #tpu.memory_space<hbm>> -> memref<400x128xf32, #tpu.memory_space<hbm>>
        tpu.wait_dma2 semaphore(%run_scoped3A : memref<!tpu.dma_semaphore, #tpu.memory_space<semaphore_mem>>) src(%dma_wait3A_89 : memref<400x128xf32, #tpu.memory_space<hbm>>) dst(%dma_wait3A_86 : memref<400x128xf32, #tpu.memory_space<vmem_shared>>)
        tpu.yield
      }) : () -> ()
      "tpu.region"() ({
        %run_scoped3A = tpu.sem_alloc : memref<!tpu.dma_semaphore, #tpu.memory_space<semaphore_mem>>
        %dma_start3A_79 = arith.constant 10000 : i32
        %dma_start3A_80 = arith.constant 0 : i32
        %dma_start3A_81 = tpu.memref_slice %arg10[%dma_start3A_79, %dma_start3A_80] : memref<10240x128xf32, #tpu.memory_space<vmem_shared>> -> memref<240x128xf32, #tpu.memory_space<vmem_shared>>
        %dma_start3A_82 = arith.constant 0 : i32
        %dma_start3A_83 = arith.constant 0 : i32
        %dma_start3A_84 = tpu.memref_slice %arg5[%dma_start3A_82, %dma_start3A_83] : memref<640x128xf32, #tpu.memory_space<hbm>> -> memref<240x128xf32, #tpu.memory_space<hbm>>
        tpu.enqueue_dma source(%dma_start3A_84 : memref<240x128xf32, #tpu.memory_space<hbm>>) target(%dma_start3A_81 : memref<240x128xf32, #tpu.memory_space<vmem_shared>>) target_semaphore(%run_scoped3A : memref<!tpu.dma_semaphore, #tpu.memory_space<semaphore_mem>>)
        %dma_wait3A = arith.constant 10000 : i32
        %dma_wait3A_85 = arith.constant 0 : i32
        %dma_wait3A_86 = tpu.memref_slice %arg10[%dma_wait3A, %dma_wait3A_85] : memref<10240x128xf32, #tpu.memory_space<vmem_shared>> -> memref<240x128xf32, #tpu.memory_space<vmem_shared>>
        %dma_wait3A_87 = arith.constant 0 : i32
        %dma_wait3A_88 = arith.constant 0 : i32
        %dma_wait3A_89 = tpu.memref_slice %arg5[%dma_wait3A_87, %dma_wait3A_88] : memref<640x128xf32, #tpu.memory_space<hbm>> -> memref<240x128xf32, #tpu.memory_space<hbm>>
        tpu.wait_dma2 semaphore(%run_scoped3A : memref<!tpu.dma_semaphore, #tpu.memory_space<semaphore_mem>>) src(%dma_wait3A_89 : memref<240x128xf32, #tpu.memory_space<hbm>>) dst(%dma_wait3A_86 : memref<240x128xf32, #tpu.memory_space<vmem_shared>>)
        tpu.yield
      }) : () -> ()
    } else {
    }
    %ne3A = arith.constant 0 : i32
    %ne3A_65 = arith.cmpi ne, %arg0, %ne3A : i32
    %convert_element_type3A_66 = arith.extui %ne3A_65 : i1 to i32
    %cond3A_67 = arith.constant 0 : i32
    %cond3A_68 = arith.cmpi ne, %convert_element_type3A_66, %cond3A_67 : i32
    scf.if %cond3A_68 {
      "tpu.region"() ({
        %run_scoped3A = tpu.sem_alloc : memref<!tpu.dma_semaphore, #tpu.memory_space<semaphore_mem>>
        %dma_start3A_79 = arith.constant 0 : i32
        %dma_start3A_80 = tpu.memref_slice %arg10[%mul3A_53, %dma_start3A_79] : memref<10240x128xf32, #tpu.memory_space<vmem_shared>> -> memref<640x128xf32, #tpu.memory_space<vmem_shared>>
        tpu.enqueue_dma source(%arg5 : memref<640x128xf32, #tpu.memory_space<hbm>>) target(%dma_start3A_80 : memref<640x128xf32, #tpu.memory_space<vmem_shared>>) target_semaphore(%run_scoped3A : memref<!tpu.dma_semaphore, #tpu.memory_space<semaphore_mem>>)
        %dma_wait3A = arith.constant 0 : i32
        %dma_wait3A_81 = tpu.memref_slice %arg10[%mul3A_53, %dma_wait3A] : memref<10240x128xf32, #tpu.memory_space<vmem_shared>> -> memref<640x128xf32, #tpu.memory_space<vmem_shared>>
        tpu.wait_dma2 semaphore(%run_scoped3A : memref<!tpu.dma_semaphore, #tpu.memory_space<semaphore_mem>>) src(%arg5 : memref<640x128xf32, #tpu.memory_space<hbm>>) dst(%dma_wait3A_81 : memref<640x128xf32, #tpu.memory_space<vmem_shared>>)
        tpu.yield
      }) : () -> ()
    } else {
    }
    %barrier3A = arith.constant 0 : index
    tpu.barrier barrier_id(%barrier3A)
    %scan3A = arith.constant 0 : i32
    %scan3A_69 = arith.constant 0 : i32
    %scan3A_70 = arith.constant 40 : i32
    %scan3A_71 = arith.addi %scan3A_69, %scan3A_70 : i32
    %scan3A_72 = arith.constant 1 : i32
    scf.for %scan3A_79 = %scan3A_69 to %scan3A_71 step %scan3A_72  : i32 {
      %mul3A_80 = arith.constant 2 : i32
      %mul3A_81 = arith.muli %scan3A_79, %mul3A_80 : i32
      %add3A_82 = arith.constant 0 : i32
      %add3A_83 = arith.addi %mul3A_81, %add3A_82 : i32
      %dma_wait3A = arith.constant 0 : i32
      %dma_wait3A_84 = arith.constant 0 : i32
      %dma_wait3A_85 = tpu.memref_slice %arg8[%dma_wait3A, %dma_wait3A_84] : memref<2x128xi32, #tpu.memory_space<vmem>> -> memref<1x128xi32, #tpu.memory_space<vmem>>
      %dma_wait3A_86 = tpu.memref_squeeze %dma_wait3A_85 : memref<1x128xi32, #tpu.memory_space<vmem>> -> memref<128xi32, #tpu.memory_space<vmem>>
      %dma_wait3A_87 = arith.constant 0 : i32
      %dma_wait3A_88 = tpu.memref_slice %arg4[%add3A, %add3A_83, %dma_wait3A_87] : memref<32x80x128xi32, #tpu.memory_space<hbm>> -> memref<1x1x128xi32, #tpu.memory_space<hbm>>
      %dma_wait3A_89 = tpu.memref_squeeze %dma_wait3A_88 : memref<1x1x128xi32, #tpu.memory_space<hbm>> -> memref<128xi32, #tpu.memory_space<hbm>>
      %dma_wait3A_90 = arith.constant 0 : i32
      %dma_wait3A_91 = tpu.memref_slice %arg8[%dma_wait3A, %dma_wait3A_90] : memref<2x128xi32, #tpu.memory_space<vmem>> -> memref<1x128xi32, #tpu.memory_space<vmem>>
      %dma_wait3A_92 = tpu.memref_squeeze %dma_wait3A_91 : memref<1x128xi32, #tpu.memory_space<vmem>> -> memref<128xi32, #tpu.memory_space<vmem>>
      %dma_wait3A_93 = arith.constant 0 : i32
      %dma_wait3A_94 = tpu.memref_slice %arg4[%add3A, %add3A_83, %dma_wait3A_93] : memref<32x80x128xi32, #tpu.memory_space<hbm>> -> memref<1x1x128xi32, #tpu.memory_space<hbm>>
      %dma_wait3A_95 = tpu.memref_squeeze %dma_wait3A_94 : memref<1x1x128xi32, #tpu.memory_space<hbm>> -> memref<128xi32, #tpu.memory_space<hbm>>
      tpu.wait_dma2 semaphore(%arg13 : memref<!tpu.dma_semaphore, #tpu.memory_space<semaphore_mem>>) src(%dma_wait3A_95 : memref<128xi32, #tpu.memory_space<hbm>>) dst(%dma_wait3A_92 : memref<128xi32, #tpu.memory_space<vmem>>)
      %dma_wait3A_96 = arith.constant 0 : i32
      %dma_wait3A_97 = arith.constant 0 : i32
      %dma_wait3A_98 = arith.constant 0 : i32
      %dma_wait3A_99 = tpu.memref_slice %arg9[%dma_wait3A_96, %dma_wait3A_97, %dma_wait3A_98] : memref<2x128x128xf32, #tpu.memory_space<vmem>> -> memref<1x128x128xf32, #tpu.memory_space<vmem>>
      %dma_wait3A_100 = tpu.memref_squeeze %dma_wait3A_99 : memref<1x128x128xf32, #tpu.memory_space<vmem>> -> memref<128x128xf32, #tpu.memory_space<vmem>>
      %dma_wait3A_101 = arith.constant 0 : i32
      %dma_wait3A_102 = tpu.memref_slice %arg7[%add3A_83, %dma_wait3A_101] : memref<80x128xi32, #tpu.memory_space<vmem>> -> memref<1x128xi32, #tpu.memory_space<vmem>>
      %dma_wait3A_103 = tpu.memref_squeeze %dma_wait3A_102 : memref<1x128xi32, #tpu.memory_space<vmem>> -> memref<128xi32, #tpu.memory_space<vmem>>
      %dma_wait3A_104 = arith.constant 0 : i32
      %dma_wait3A_105 = arith.constant 0 : i32
      %dma_wait3A_106 = tpu.memref_slice %arg2[%dma_wait3A_104, %dma_wait3A_105] : memref<10000x128xf32, #tpu.memory_space<hbm>> -> memref<10000x128xf32, #tpu.memory_space<hbm>>
      tpu.wait_indirect_dma semaphore(%arg11 : memref<!tpu.dma_semaphore, #tpu.memory_space<semaphore_mem>>) src(%dma_wait3A_106 : memref<10000x128xf32, #tpu.memory_space<hbm>>) dst(%dma_wait3A_100 : memref<128x128xf32, #tpu.memory_space<vmem>>)
      %run_scoped3A = arith.constant 0 : i32
      %run_scoped3A_107 = arith.constant 0 : i32
      "tpu.region"() ({
        %run_scoped3A_152 = tpu.sem_alloc : memref<!tpu.dma_semaphore, #tpu.memory_space<semaphore_mem>>
        %dma_start3A_153 = arith.constant 0 : i32
        %dma_start3A_154 = arith.constant 0 : i32
        %dma_start3A_155 = tpu.memref_slice %arg9[%run_scoped3A, %dma_start3A_153, %dma_start3A_154] : memref<2x128x128xf32, #tpu.memory_space<vmem>> -> memref<1x128x128xf32, #tpu.memory_space<vmem>>
        %dma_start3A_156 = tpu.memref_squeeze %dma_start3A_155 : memref<1x128x128xf32, #tpu.memory_space<vmem>> -> memref<128x128xf32, #tpu.memory_space<vmem>>
        %dma_start3A_157 = arith.constant 0 : i32
        %dma_start3A_158 = tpu.memref_slice %arg8[%run_scoped3A_107, %dma_start3A_157] : memref<2x128xi32, #tpu.memory_space<vmem>> -> memref<1x128xi32, #tpu.memory_space<vmem>>
        %dma_start3A_159 = tpu.memref_squeeze %dma_start3A_158 : memref<1x128xi32, #tpu.memory_space<vmem>> -> memref<128xi32, #tpu.memory_space<vmem>>
        %dma_start3A_160 = arith.constant 0 : i32
        %dma_start3A_161 = arith.constant 0 : i32
        %dma_start3A_162 = tpu.memref_slice %arg10[%dma_start3A_160, %dma_start3A_161] : memref<10240x128xf32, #tpu.memory_space<vmem_shared>> -> memref<10240x128xf32, #tpu.memory_space<vmem_shared>>
        tpu.enqueue_indirect_dma source(%dma_start3A_156 : memref<128x128xf32, #tpu.memory_space<vmem>>) target(%dma_start3A_162 : memref<10240x128xf32, #tpu.memory_space<vmem_shared>>) offsets(%dma_start3A_159 : memref<128xi32, #tpu.memory_space<vmem>>) semaphore(%run_scoped3A_152 : memref<!tpu.dma_semaphore, #tpu.memory_space<semaphore_mem>>) {add = true}
        %dma_wait3A_163 = arith.constant 0 : i32
        %dma_wait3A_164 = arith.constant 0 : i32
        %dma_wait3A_165 = tpu.memref_slice %arg9[%run_scoped3A, %dma_wait3A_163, %dma_wait3A_164] : memref<2x128x128xf32, #tpu.memory_space<vmem>> -> memref<1x128x128xf32, #tpu.memory_space<vmem>>
        %dma_wait3A_166 = tpu.memref_squeeze %dma_wait3A_165 : memref<1x128x128xf32, #tpu.memory_space<vmem>> -> memref<128x128xf32, #tpu.memory_space<vmem>>
        %dma_wait3A_167 = arith.constant 0 : i32
        %dma_wait3A_168 = tpu.memref_slice %arg8[%run_scoped3A_107, %dma_wait3A_167] : memref<2x128xi32, #tpu.memory_space<vmem>> -> memref<1x128xi32, #tpu.memory_space<vmem>>
        %dma_wait3A_169 = tpu.memref_squeeze %dma_wait3A_168 : memref<1x128xi32, #tpu.memory_space<vmem>> -> memref<128xi32, #tpu.memory_space<vmem>>
        %dma_wait3A_170 = arith.constant 0 : i32
        %dma_wait3A_171 = arith.constant 0 : i32
        %dma_wait3A_172 = tpu.memref_slice %arg10[%dma_wait3A_170, %dma_wait3A_171] : memref<10240x128xf32, #tpu.memory_space<vmem_shared>> -> memref<10240x128xf32, #tpu.memory_space<vmem_shared>>
        tpu.wait_indirect_dma semaphore(%run_scoped3A_152 : memref<!tpu.dma_semaphore, #tpu.memory_space<semaphore_mem>>) src(%dma_wait3A_166 : memref<128x128xf32, #tpu.memory_space<vmem>>) dst(%dma_wait3A_172 : memref<10240x128xf32, #tpu.memory_space<vmem_shared>>)
        tpu.yield
      }) : () -> ()
      %add3A_108 = arith.constant 2 : i32
      %add3A_109 = arith.addi %add3A_83, %add3A_108 : i32
      %lt3A_110 = arith.constant 80 : i32
      %lt3A_111 = arith.cmpi slt, %add3A_109, %lt3A_110 : i32
      %convert_element_type3A_112 = arith.extui %lt3A_111 : i1 to i32
      %cond3A_113 = arith.constant 0 : i32
      %cond3A_114 = arith.cmpi ne, %convert_element_type3A_112, %cond3A_113 : i32
      scf.if %cond3A_114 {
        %add3A_152 = arith.constant 2 : i32
        %add3A_153 = arith.addi %add3A_83, %add3A_152 : i32
        %dma_start3A_154 = arith.constant 0 : i32
        %dma_start3A_155 = arith.constant 0 : i32
        %dma_start3A_156 = tpu.memref_slice %arg8[%dma_start3A_154, %dma_start3A_155] : memref<2x128xi32, #tpu.memory_space<vmem>> -> memref<1x128xi32, #tpu.memory_space<vmem>>
        %dma_start3A_157 = tpu.memref_squeeze %dma_start3A_156 : memref<1x128xi32, #tpu.memory_space<vmem>> -> memref<128xi32, #tpu.memory_space<vmem>>
        %dma_start3A_158 = arith.constant 0 : i32
        %dma_start3A_159 = tpu.memref_slice %arg4[%add3A, %add3A_153, %dma_start3A_158] : memref<32x80x128xi32, #tpu.memory_space<hbm>> -> memref<1x1x128xi32, #tpu.memory_space<hbm>>
        %dma_start3A_160 = tpu.memref_squeeze %dma_start3A_159 : memref<1x1x128xi32, #tpu.memory_space<hbm>> -> memref<128xi32, #tpu.memory_space<hbm>>
        %dma_start3A_161 = arith.constant 0 : i32
        %dma_start3A_162 = tpu.memref_slice %arg8[%dma_start3A_154, %dma_start3A_161] : memref<2x128xi32, #tpu.memory_space<vmem>> -> memref<1x128xi32, #tpu.memory_space<vmem>>
        %dma_start3A_163 = tpu.memref_squeeze %dma_start3A_162 : memref<1x128xi32, #tpu.memory_space<vmem>> -> memref<128xi32, #tpu.memory_space<vmem>>
        %dma_start3A_164 = arith.constant 0 : i32
        %dma_start3A_165 = tpu.memref_slice %arg4[%add3A, %add3A_153, %dma_start3A_164] : memref<32x80x128xi32, #tpu.memory_space<hbm>> -> memref<1x1x128xi32, #tpu.memory_space<hbm>>
        %dma_start3A_166 = tpu.memref_squeeze %dma_start3A_165 : memref<1x1x128xi32, #tpu.memory_space<hbm>> -> memref<128xi32, #tpu.memory_space<hbm>>
        tpu.enqueue_dma source(%dma_start3A_166 : memref<128xi32, #tpu.memory_space<hbm>>) target(%dma_start3A_163 : memref<128xi32, #tpu.memory_space<vmem>>) target_semaphore(%arg13 : memref<!tpu.dma_semaphore, #tpu.memory_space<semaphore_mem>>)
        %add3A_167 = arith.constant 2 : i32
        %add3A_168 = arith.addi %add3A_83, %add3A_167 : i32
        %dma_start3A_169 = arith.constant 0 : i32
        %dma_start3A_170 = arith.constant 0 : i32
        %dma_start3A_171 = arith.constant 0 : i32
        %dma_start3A_172 = tpu.memref_slice %arg9[%dma_start3A_169, %dma_start3A_170, %dma_start3A_171] : memref<2x128x128xf32, #tpu.memory_space<vmem>> -> memref<1x128x128xf32, #tpu.memory_space<vmem>>
        %dma_start3A_173 = tpu.memref_squeeze %dma_start3A_172 : memref<1x128x128xf32, #tpu.memory_space<vmem>> -> memref<128x128xf32, #tpu.memory_space<vmem>>
        %dma_start3A_174 = arith.constant 0 : i32
        %dma_start3A_175 = tpu.memref_slice %arg7[%add3A_168, %dma_start3A_174] : memref<80x128xi32, #tpu.memory_space<vmem>> -> memref<1x128xi32, #tpu.memory_space<vmem>>
        %dma_start3A_176 = tpu.memref_squeeze %dma_start3A_175 : memref<1x128xi32, #tpu.memory_space<vmem>> -> memref<128xi32, #tpu.memory_space<vmem>>
        %dma_start3A_177 = arith.constant 0 : i32
        %dma_start3A_178 = arith.constant 0 : i32
        %dma_start3A_179 = tpu.memref_slice %arg2[%dma_start3A_177, %dma_start3A_178] : memref<10000x128xf32, #tpu.memory_space<hbm>> -> memref<10000x128xf32, #tpu.memory_space<hbm>>
        tpu.enqueue_indirect_dma source(%dma_start3A_179 : memref<10000x128xf32, #tpu.memory_space<hbm>>) target(%dma_start3A_173 : memref<128x128xf32, #tpu.memory_space<vmem>>) offsets(%dma_start3A_176 : memref<128xi32, #tpu.memory_space<vmem>>) semaphore(%arg11 : memref<!tpu.dma_semaphore, #tpu.memory_space<semaphore_mem>>)
      } else {
      }
      %mul3A_115 = arith.constant 2 : i32
      %mul3A_116 = arith.muli %scan3A_79, %mul3A_115 : i32
      %add3A_117 = arith.constant 1 : i32
      %add3A_118 = arith.addi %mul3A_116, %add3A_117 : i32
      %dma_wait3A_119 = arith.constant 1 : i32
      %dma_wait3A_120 = arith.constant 0 : i32
      %dma_wait3A_121 = tpu.memref_slice %arg8[%dma_wait3A_119, %dma_wait3A_120] : memref<2x128xi32, #tpu.memory_space<vmem>> -> memref<1x128xi32, #tpu.memory_space<vmem>>
      %dma_wait3A_122 = tpu.memref_squeeze %dma_wait3A_121 : memref<1x128xi32, #tpu.memory_space<vmem>> -> memref<128xi32, #tpu.memory_space<vmem>>
      %dma_wait3A_123 = arith.constant 0 : i32
      %dma_wait3A_124 = tpu.memref_slice %arg4[%add3A, %add3A_118, %dma_wait3A_123] : memref<32x80x128xi32, #tpu.memory_space<hbm>> -> memref<1x1x128xi32, #tpu.memory_space<hbm>>
      %dma_wait3A_125 = tpu.memref_squeeze %dma_wait3A_124 : memref<1x1x128xi32, #tpu.memory_space<hbm>> -> memref<128xi32, #tpu.memory_space<hbm>>
      %dma_wait3A_126 = arith.constant 0 : i32
      %dma_wait3A_127 = tpu.memref_slice %arg8[%dma_wait3A_119, %dma_wait3A_126] : memref<2x128xi32, #tpu.memory_space<vmem>> -> memref<1x128xi32, #tpu.memory_space<vmem>>
      %dma_wait3A_128 = tpu.memref_squeeze %dma_wait3A_127 : memref<1x128xi32, #tpu.memory_space<vmem>> -> memref<128xi32, #tpu.memory_space<vmem>>
      %dma_wait3A_129 = arith.constant 0 : i32
      %dma_wait3A_130 = tpu.memref_slice %arg4[%add3A, %add3A_118, %dma_wait3A_129] : memref<32x80x128xi32, #tpu.memory_space<hbm>> -> memref<1x1x128xi32, #tpu.memory_space<hbm>>
      %dma_wait3A_131 = tpu.memref_squeeze %dma_wait3A_130 : memref<1x1x128xi32, #tpu.memory_space<hbm>> -> memref<128xi32, #tpu.memory_space<hbm>>
      tpu.wait_dma2 semaphore(%arg14 : memref<!tpu.dma_semaphore, #tpu.memory_space<semaphore_mem>>) src(%dma_wait3A_131 : memref<128xi32, #tpu.memory_space<hbm>>) dst(%dma_wait3A_128 : memref<128xi32, #tpu.memory_space<vmem>>)
      %dma_wait3A_132 = arith.constant 1 : i32
      %dma_wait3A_133 = arith.constant 0 : i32
      %dma_wait3A_134 = arith.constant 0 : i32
      %dma_wait3A_135 = tpu.memref_slice %arg9[%dma_wait3A_132, %dma_wait3A_133, %dma_wait3A_134] : memref<2x128x128xf32, #tpu.memory_space<vmem>> -> memref<1x128x128xf32, #tpu.memory_space<vmem>>
      %dma_wait3A_136 = tpu.memref_squeeze %dma_wait3A_135 : memref<1x128x128xf32, #tpu.memory_space<vmem>> -> memref<128x128xf32, #tpu.memory_space<vmem>>
      %dma_wait3A_137 = arith.constant 0 : i32
      %dma_wait3A_138 = tpu.memref_slice %arg7[%add3A_118, %dma_wait3A_137] : memref<80x128xi32, #tpu.memory_space<vmem>> -> memref<1x128xi32, #tpu.memory_space<vmem>>
      %dma_wait3A_139 = tpu.memref_squeeze %dma_wait3A_138 : memref<1x128xi32, #tpu.memory_space<vmem>> -> memref<128xi32, #tpu.memory_space<vmem>>
      %dma_wait3A_140 = arith.constant 0 : i32
      %dma_wait3A_141 = arith.constant 0 : i32
      %dma_wait3A_142 = tpu.memref_slice %arg2[%dma_wait3A_140, %dma_wait3A_141] : memref<10000x128xf32, #tpu.memory_space<hbm>> -> memref<10000x128xf32, #tpu.memory_space<hbm>>
      tpu.wait_indirect_dma semaphore(%arg12 : memref<!tpu.dma_semaphore, #tpu.memory_space<semaphore_mem>>) src(%dma_wait3A_142 : memref<10000x128xf32, #tpu.memory_space<hbm>>) dst(%dma_wait3A_136 : memref<128x128xf32, #tpu.memory_space<vmem>>)
      %run_scoped3A_143 = arith.constant 1 : i32
      %run_scoped3A_144 = arith.constant 1 : i32
      "tpu.region"() ({
        %run_scoped3A_152 = tpu.sem_alloc : memref<!tpu.dma_semaphore, #tpu.memory_space<semaphore_mem>>
        %dma_start3A_153 = arith.constant 0 : i32
        %dma_start3A_154 = arith.constant 0 : i32
        %dma_start3A_155 = tpu.memref_slice %arg9[%run_scoped3A_143, %dma_start3A_153, %dma_start3A_154] : memref<2x128x128xf32, #tpu.memory_space<vmem>> -> memref<1x128x128xf32, #tpu.memory_space<vmem>>
        %dma_start3A_156 = tpu.memref_squeeze %dma_start3A_155 : memref<1x128x128xf32, #tpu.memory_space<vmem>> -> memref<128x128xf32, #tpu.memory_space<vmem>>
        %dma_start3A_157 = arith.constant 0 : i32
        %dma_start3A_158 = tpu.memref_slice %arg8[%run_scoped3A_144, %dma_start3A_157] : memref<2x128xi32, #tpu.memory_space<vmem>> -> memref<1x128xi32, #tpu.memory_space<vmem>>
        %dma_start3A_159 = tpu.memref_squeeze %dma_start3A_158 : memref<1x128xi32, #tpu.memory_space<vmem>> -> memref<128xi32, #tpu.memory_space<vmem>>
        %dma_start3A_160 = arith.constant 0 : i32
        %dma_start3A_161 = arith.constant 0 : i32
        %dma_start3A_162 = tpu.memref_slice %arg10[%dma_start3A_160, %dma_start3A_161] : memref<10240x128xf32, #tpu.memory_space<vmem_shared>> -> memref<10240x128xf32, #tpu.memory_space<vmem_shared>>
        tpu.enqueue_indirect_dma source(%dma_start3A_156 : memref<128x128xf32, #tpu.memory_space<vmem>>) target(%dma_start3A_162 : memref<10240x128xf32, #tpu.memory_space<vmem_shared>>) offsets(%dma_start3A_159 : memref<128xi32, #tpu.memory_space<vmem>>) semaphore(%run_scoped3A_152 : memref<!tpu.dma_semaphore, #tpu.memory_space<semaphore_mem>>) {add = true}
        %dma_wait3A_163 = arith.constant 0 : i32
        %dma_wait3A_164 = arith.constant 0 : i32
        %dma_wait3A_165 = tpu.memref_slice %arg9[%run_scoped3A_143, %dma_wait3A_163, %dma_wait3A_164] : memref<2x128x128xf32, #tpu.memory_space<vmem>> -> memref<1x128x128xf32, #tpu.memory_space<vmem>>
        %dma_wait3A_166 = tpu.memref_squeeze %dma_wait3A_165 : memref<1x128x128xf32, #tpu.memory_space<vmem>> -> memref<128x128xf32, #tpu.memory_space<vmem>>
        %dma_wait3A_167 = arith.constant 0 : i32
        %dma_wait3A_168 = tpu.memref_slice %arg8[%run_scoped3A_144, %dma_wait3A_167] : memref<2x128xi32, #tpu.memory_space<vmem>> -> memref<1x128xi32, #tpu.memory_space<vmem>>
        %dma_wait3A_169 = tpu.memref_squeeze %dma_wait3A_168 : memref<1x128xi32, #tpu.memory_space<vmem>> -> memref<128xi32, #tpu.memory_space<vmem>>
        %dma_wait3A_170 = arith.constant 0 : i32
        %dma_wait3A_171 = arith.constant 0 : i32
        %dma_wait3A_172 = tpu.memref_slice %arg10[%dma_wait3A_170, %dma_wait3A_171] : memref<10240x128xf32, #tpu.memory_space<vmem_shared>> -> memref<10240x128xf32, #tpu.memory_space<vmem_shared>>
        tpu.wait_indirect_dma semaphore(%run_scoped3A_152 : memref<!tpu.dma_semaphore, #tpu.memory_space<semaphore_mem>>) src(%dma_wait3A_166 : memref<128x128xf32, #tpu.memory_space<vmem>>) dst(%dma_wait3A_172 : memref<10240x128xf32, #tpu.memory_space<vmem_shared>>)
        tpu.yield
      }) : () -> ()
      %add3A_145 = arith.constant 2 : i32
      %add3A_146 = arith.addi %add3A_118, %add3A_145 : i32
      %lt3A_147 = arith.constant 80 : i32
      %lt3A_148 = arith.cmpi slt, %add3A_146, %lt3A_147 : i32
      %convert_element_type3A_149 = arith.extui %lt3A_148 : i1 to i32
      %cond3A_150 = arith.constant 0 : i32
      %cond3A_151 = arith.cmpi ne, %convert_element_type3A_149, %cond3A_150 : i32
      scf.if %cond3A_151 {
        %add3A_152 = arith.constant 2 : i32
        %add3A_153 = arith.addi %add3A_118, %add3A_152 : i32
        %dma_start3A_154 = arith.constant 1 : i32
        %dma_start3A_155 = arith.constant 0 : i32
        %dma_start3A_156 = tpu.memref_slice %arg8[%dma_start3A_154, %dma_start3A_155] : memref<2x128xi32, #tpu.memory_space<vmem>> -> memref<1x128xi32, #tpu.memory_space<vmem>>
        %dma_start3A_157 = tpu.memref_squeeze %dma_start3A_156 : memref<1x128xi32, #tpu.memory_space<vmem>> -> memref<128xi32, #tpu.memory_space<vmem>>
        %dma_start3A_158 = arith.constant 0 : i32
        %dma_start3A_159 = tpu.memref_slice %arg4[%add3A, %add3A_153, %dma_start3A_158] : memref<32x80x128xi32, #tpu.memory_space<hbm>> -> memref<1x1x128xi32, #tpu.memory_space<hbm>>
        %dma_start3A_160 = tpu.memref_squeeze %dma_start3A_159 : memref<1x1x128xi32, #tpu.memory_space<hbm>> -> memref<128xi32, #tpu.memory_space<hbm>>
        %dma_start3A_161 = arith.constant 0 : i32
        %dma_start3A_162 = tpu.memref_slice %arg8[%dma_start3A_154, %dma_start3A_161] : memref<2x128xi32, #tpu.memory_space<vmem>> -> memref<1x128xi32, #tpu.memory_space<vmem>>
        %dma_start3A_163 = tpu.memref_squeeze %dma_start3A_162 : memref<1x128xi32, #tpu.memory_space<vmem>> -> memref<128xi32, #tpu.memory_space<vmem>>
        %dma_start3A_164 = arith.constant 0 : i32
        %dma_start3A_165 = tpu.memref_slice %arg4[%add3A, %add3A_153, %dma_start3A_164] : memref<32x80x128xi32, #tpu.memory_space<hbm>> -> memref<1x1x128xi32, #tpu.memory_space<hbm>>
        %dma_start3A_166 = tpu.memref_squeeze %dma_start3A_165 : memref<1x1x128xi32, #tpu.memory_space<hbm>> -> memref<128xi32, #tpu.memory_space<hbm>>
        tpu.enqueue_dma source(%dma_start3A_166 : memref<128xi32, #tpu.memory_space<hbm>>) target(%dma_start3A_163 : memref<128xi32, #tpu.memory_space<vmem>>) target_semaphore(%arg14 : memref<!tpu.dma_semaphore, #tpu.memory_space<semaphore_mem>>)
        %add3A_167 = arith.constant 2 : i32
        %add3A_168 = arith.addi %add3A_118, %add3A_167 : i32
        %dma_start3A_169 = arith.constant 1 : i32
        %dma_start3A_170 = arith.constant 0 : i32
        %dma_start3A_171 = arith.constant 0 : i32
        %dma_start3A_172 = tpu.memref_slice %arg9[%dma_start3A_169, %dma_start3A_170, %dma_start3A_171] : memref<2x128x128xf32, #tpu.memory_space<vmem>> -> memref<1x128x128xf32, #tpu.memory_space<vmem>>
        %dma_start3A_173 = tpu.memref_squeeze %dma_start3A_172 : memref<1x128x128xf32, #tpu.memory_space<vmem>> -> memref<128x128xf32, #tpu.memory_space<vmem>>
        %dma_start3A_174 = arith.constant 0 : i32
        %dma_start3A_175 = tpu.memref_slice %arg7[%add3A_168, %dma_start3A_174] : memref<80x128xi32, #tpu.memory_space<vmem>> -> memref<1x128xi32, #tpu.memory_space<vmem>>
        %dma_start3A_176 = tpu.memref_squeeze %dma_start3A_175 : memref<1x128xi32, #tpu.memory_space<vmem>> -> memref<128xi32, #tpu.memory_space<vmem>>
        %dma_start3A_177 = arith.constant 0 : i32
        %dma_start3A_178 = arith.constant 0 : i32
        %dma_start3A_179 = tpu.memref_slice %arg2[%dma_start3A_177, %dma_start3A_178] : memref<10000x128xf32, #tpu.memory_space<hbm>> -> memref<10000x128xf32, #tpu.memory_space<hbm>>
        tpu.enqueue_indirect_dma source(%dma_start3A_179 : memref<10000x128xf32, #tpu.memory_space<hbm>>) target(%dma_start3A_173 : memref<128x128xf32, #tpu.memory_space<vmem>>) offsets(%dma_start3A_176 : memref<128xi32, #tpu.memory_space<vmem>>) semaphore(%arg12 : memref<!tpu.dma_semaphore, #tpu.memory_space<semaphore_mem>>)
      } else {
      }
    }
    %scan3A_73 = arith.constant 40 : i32
    %barrier3A_74 = arith.constant 0 : index
    tpu.barrier barrier_id(%barrier3A_74)
    %mul3A_75 = arith.constant 640 : i32
    %mul3A_76 = arith.muli %arg1, %mul3A_75 : i32
    %mul3A_77 = arith.constant 640 : i32
    %mul3A_78 = arith.muli %arg1, %mul3A_77 : i32
    "tpu.region"() ({
      %run_scoped3A = tpu.sem_alloc : memref<!tpu.dma_semaphore, #tpu.memory_space<semaphore_mem>>
      %dma_start3A_79 = arith.constant 0 : i32
      %dma_start3A_80 = tpu.memref_slice %arg6[%arg0, %mul3A_78, %dma_start3A_79] : memref<2x10240x128xf32, #tpu.memory_space<hbm>> -> memref<1x640x128xf32, #tpu.memory_space<hbm>>
      %dma_start3A_81 = tpu.memref_squeeze %dma_start3A_80 : memref<1x640x128xf32, #tpu.memory_space<hbm>> -> memref<640x128xf32, #tpu.memory_space<hbm>>
      %dma_start3A_82 = arith.constant 0 : i32
      %dma_start3A_83 = tpu.memref_slice %arg10[%mul3A_76, %dma_start3A_82] : memref<10240x128xf32, #tpu.memory_space<vmem_shared>> -> memref<640x128xf32, #tpu.memory_space<vmem_shared>>
      tpu.enqueue_dma source(%dma_start3A_83 : memref<640x128xf32, #tpu.memory_space<vmem_shared>>) target(%dma_start3A_81 : memref<640x128xf32, #tpu.memory_space<hbm>>) target_semaphore(%run_scoped3A : memref<!tpu.dma_semaphore, #tpu.memory_space<semaphore_mem>>)
      %dma_wait3A = arith.constant 0 : i32
      %dma_wait3A_84 = tpu.memref_slice %arg6[%arg0, %mul3A_78, %dma_wait3A] : memref<2x10240x128xf32, #tpu.memory_space<hbm>> -> memref<1x640x128xf32, #tpu.memory_space<hbm>>
      %dma_wait3A_85 = tpu.memref_squeeze %dma_wait3A_84 : memref<1x640x128xf32, #tpu.memory_space<hbm>> -> memref<640x128xf32, #tpu.memory_space<hbm>>
      %dma_wait3A_86 = arith.constant 0 : i32
      %dma_wait3A_87 = tpu.memref_slice %arg10[%mul3A_76, %dma_wait3A_86] : memref<10240x128xf32, #tpu.memory_space<vmem_shared>> -> memref<640x128xf32, #tpu.memory_space<vmem_shared>>
      tpu.wait_dma2 semaphore(%run_scoped3A : memref<!tpu.dma_semaphore, #tpu.memory_space<semaphore_mem>>) src(%dma_wait3A_87 : memref<640x128xf32, #tpu.memory_space<vmem_shared>>) dst(%dma_wait3A_85 : memref<640x128xf32, #tpu.memory_space<hbm>>)
      tpu.yield
    }) : () -> ()
    return
  }
}

#map = affine_map<(d0, d1) -> (0, 0)>
#map1 = affine_map<(d0, d1) -> (0, 0, 0)>
module attributes {stable_mosaic.version = 14 : i64} {
  func.func @sc_agg(%arg0: i32, %arg1: i32, %arg2: memref<10240x128xf32, #tpu.memory_space<hbm>>, %arg3: memref<32x80x128xi32, #tpu.memory_space<hbm>>, %arg4: memref<32x80x128xi32, #tpu.memory_space<hbm>>, %arg5: memref<640x128xf32, #tpu.memory_space<hbm>>, %arg6: memref<2x10240x128xf32, #tpu.memory_space<hbm>>, %arg7: memref<80x128xi32, #tpu.memory_space<vmem>>, %arg8: memref<2x128xi32, #tpu.memory_space<vmem>>, %arg9: memref<2x128x128xf32, #tpu.memory_space<vmem>>, %arg10: memref<10240x128xf32, #tpu.memory_space<vmem_shared>>, %arg11: memref<!tpu.dma_semaphore, #tpu.memory_space<semaphore_mem>>, %arg12: memref<!tpu.dma_semaphore, #tpu.memory_space<semaphore_mem>>, %arg13: memref<!tpu.dma_semaphore, #tpu.memory_space<semaphore_mem>>, %arg14: memref<!tpu.dma_semaphore, #tpu.memory_space<semaphore_mem>>) attributes {dimension_semantics = [#tpu.dimension_semantics<core_parallel>, #tpu.dimension_semantics<subcore_parallel>], iteration_bounds = array<i64: 2, 16>, scalar_prefetch = 0 : i64, scratch_operands = 8 : i64, tpu.core_type = #tpu.core_type<sc_vector_subcore>, window_params = [{transform_indices = #map}, {transform_indices = #map1}, {transform_indices = #map1}, {transform_indices = #map}, {transform_indices = #map1}]} {
    %mul3A = arith.constant 2 : i32
    %mul3A_0 = arith.muli %arg1, %mul3A : i32
    %add3A = arith.addi %mul3A_0, %arg0 : i32
    "tpu.region"() ({
      %run_scoped3A = tpu.sem_alloc : memref<!tpu.dma_semaphore, #tpu.memory_space<semaphore_mem>>
      %dma_start3A_71 = arith.constant 0 : i32
      %dma_start3A_72 = arith.constant 0 : i32
      %dma_start3A_73 = tpu.memref_slice %arg3[%add3A, %dma_start3A_71, %dma_start3A_72] : memref<32x80x128xi32, #tpu.memory_space<hbm>> -> memref<1x80x128xi32, #tpu.memory_space<hbm>>
      %dma_start3A_74 = tpu.memref_squeeze %dma_start3A_73 : memref<1x80x128xi32, #tpu.memory_space<hbm>> -> memref<80x128xi32, #tpu.memory_space<hbm>>
      %dma_start3A_75 = arith.constant 0 : i32
      %dma_start3A_76 = arith.constant 0 : i32
      %dma_start3A_77 = tpu.memref_slice %arg3[%add3A, %dma_start3A_75, %dma_start3A_76] : memref<32x80x128xi32, #tpu.memory_space<hbm>> -> memref<1x80x128xi32, #tpu.memory_space<hbm>>
      %dma_start3A_78 = tpu.memref_squeeze %dma_start3A_77 : memref<1x80x128xi32, #tpu.memory_space<hbm>> -> memref<80x128xi32, #tpu.memory_space<hbm>>
      tpu.enqueue_dma source(%dma_start3A_78 : memref<80x128xi32, #tpu.memory_space<hbm>>) target(%arg7 : memref<80x128xi32, #tpu.memory_space<vmem>>) target_semaphore(%run_scoped3A : memref<!tpu.dma_semaphore, #tpu.memory_space<semaphore_mem>>)
      %dma_wait3A = arith.constant 0 : i32
      %dma_wait3A_79 = arith.constant 0 : i32
      %dma_wait3A_80 = tpu.memref_slice %arg3[%add3A, %dma_wait3A, %dma_wait3A_79] : memref<32x80x128xi32, #tpu.memory_space<hbm>> -> memref<1x80x128xi32, #tpu.memory_space<hbm>>
      %dma_wait3A_81 = tpu.memref_squeeze %dma_wait3A_80 : memref<1x80x128xi32, #tpu.memory_space<hbm>> -> memref<80x128xi32, #tpu.memory_space<hbm>>
      %dma_wait3A_82 = arith.constant 0 : i32
      %dma_wait3A_83 = arith.constant 0 : i32
      %dma_wait3A_84 = tpu.memref_slice %arg3[%add3A, %dma_wait3A_82, %dma_wait3A_83] : memref<32x80x128xi32, #tpu.memory_space<hbm>> -> memref<1x80x128xi32, #tpu.memory_space<hbm>>
      %dma_wait3A_85 = tpu.memref_squeeze %dma_wait3A_84 : memref<1x80x128xi32, #tpu.memory_space<hbm>> -> memref<80x128xi32, #tpu.memory_space<hbm>>
      tpu.wait_dma2 semaphore(%run_scoped3A : memref<!tpu.dma_semaphore, #tpu.memory_space<semaphore_mem>>) src(%dma_wait3A_85 : memref<80x128xi32, #tpu.memory_space<hbm>>) dst(%arg7 : memref<80x128xi32, #tpu.memory_space<vmem>>)
      tpu.yield
    }) : () -> ()
    %dma_start3A = arith.constant 0 : i32
    %dma_start3A_1 = arith.constant 0 : i32
    %dma_start3A_2 = arith.constant 0 : i32
    %dma_start3A_3 = tpu.memref_slice %arg8[%dma_start3A_1, %dma_start3A_2] : memref<2x128xi32, #tpu.memory_space<vmem>> -> memref<1x128xi32, #tpu.memory_space<vmem>>
    %dma_start3A_4 = tpu.memref_squeeze %dma_start3A_3 : memref<1x128xi32, #tpu.memory_space<vmem>> -> memref<128xi32, #tpu.memory_space<vmem>>
    %dma_start3A_5 = arith.constant 0 : i32
    %dma_start3A_6 = tpu.memref_slice %arg4[%add3A, %dma_start3A, %dma_start3A_5] : memref<32x80x128xi32, #tpu.memory_space<hbm>> -> memref<1x1x128xi32, #tpu.memory_space<hbm>>
    %dma_start3A_7 = tpu.memref_squeeze %dma_start3A_6 : memref<1x1x128xi32, #tpu.memory_space<hbm>> -> memref<128xi32, #tpu.memory_space<hbm>>
    %dma_start3A_8 = arith.constant 0 : i32
    %dma_start3A_9 = tpu.memref_slice %arg8[%dma_start3A_1, %dma_start3A_8] : memref<2x128xi32, #tpu.memory_space<vmem>> -> memref<1x128xi32, #tpu.memory_space<vmem>>
    %dma_start3A_10 = tpu.memref_squeeze %dma_start3A_9 : memref<1x128xi32, #tpu.memory_space<vmem>> -> memref<128xi32, #tpu.memory_space<vmem>>
    %dma_start3A_11 = arith.constant 0 : i32
    %dma_start3A_12 = tpu.memref_slice %arg4[%add3A, %dma_start3A, %dma_start3A_11] : memref<32x80x128xi32, #tpu.memory_space<hbm>> -> memref<1x1x128xi32, #tpu.memory_space<hbm>>
    %dma_start3A_13 = tpu.memref_squeeze %dma_start3A_12 : memref<1x1x128xi32, #tpu.memory_space<hbm>> -> memref<128xi32, #tpu.memory_space<hbm>>
    tpu.enqueue_dma source(%dma_start3A_13 : memref<128xi32, #tpu.memory_space<hbm>>) target(%dma_start3A_10 : memref<128xi32, #tpu.memory_space<vmem>>) target_semaphore(%arg13 : memref<!tpu.dma_semaphore, #tpu.memory_space<semaphore_mem>>)
    %dma_start3A_14 = arith.constant 0 : i32
    %dma_start3A_15 = arith.constant 0 : i32
    %dma_start3A_16 = arith.constant 0 : i32
    %dma_start3A_17 = arith.constant 0 : i32
    %dma_start3A_18 = tpu.memref_slice %arg9[%dma_start3A_15, %dma_start3A_16, %dma_start3A_17] : memref<2x128x128xf32, #tpu.memory_space<vmem>> -> memref<1x128x128xf32, #tpu.memory_space<vmem>>
    %dma_start3A_19 = tpu.memref_squeeze %dma_start3A_18 : memref<1x128x128xf32, #tpu.memory_space<vmem>> -> memref<128x128xf32, #tpu.memory_space<vmem>>
    %dma_start3A_20 = arith.constant 0 : i32
    %dma_start3A_21 = tpu.memref_slice %arg7[%dma_start3A_14, %dma_start3A_20] : memref<80x128xi32, #tpu.memory_space<vmem>> -> memref<1x128xi32, #tpu.memory_space<vmem>>
    %dma_start3A_22 = tpu.memref_squeeze %dma_start3A_21 : memref<1x128xi32, #tpu.memory_space<vmem>> -> memref<128xi32, #tpu.memory_space<vmem>>
    %dma_start3A_23 = arith.constant 0 : i32
    %dma_start3A_24 = arith.constant 0 : i32
    %dma_start3A_25 = tpu.memref_slice %arg2[%dma_start3A_23, %dma_start3A_24] : memref<10240x128xf32, #tpu.memory_space<hbm>> -> memref<10240x128xf32, #tpu.memory_space<hbm>>
    tpu.enqueue_indirect_dma source(%dma_start3A_25 : memref<10240x128xf32, #tpu.memory_space<hbm>>) target(%dma_start3A_19 : memref<128x128xf32, #tpu.memory_space<vmem>>) offsets(%dma_start3A_22 : memref<128xi32, #tpu.memory_space<vmem>>) semaphore(%arg11 : memref<!tpu.dma_semaphore, #tpu.memory_space<semaphore_mem>>)
    %dma_start3A_26 = arith.constant 1 : i32
    %dma_start3A_27 = arith.constant 1 : i32
    %dma_start3A_28 = arith.constant 0 : i32
    %dma_start3A_29 = tpu.memref_slice %arg8[%dma_start3A_27, %dma_start3A_28] : memref<2x128xi32, #tpu.memory_space<vmem>> -> memref<1x128xi32, #tpu.memory_space<vmem>>
    %dma_start3A_30 = tpu.memref_squeeze %dma_start3A_29 : memref<1x128xi32, #tpu.memory_space<vmem>> -> memref<128xi32, #tpu.memory_space<vmem>>
    %dma_start3A_31 = arith.constant 0 : i32
    %dma_start3A_32 = tpu.memref_slice %arg4[%add3A, %dma_start3A_26, %dma_start3A_31] : memref<32x80x128xi32, #tpu.memory_space<hbm>> -> memref<1x1x128xi32, #tpu.memory_space<hbm>>
    %dma_start3A_33 = tpu.memref_squeeze %dma_start3A_32 : memref<1x1x128xi32, #tpu.memory_space<hbm>> -> memref<128xi32, #tpu.memory_space<hbm>>
    %dma_start3A_34 = arith.constant 0 : i32
    %dma_start3A_35 = tpu.memref_slice %arg8[%dma_start3A_27, %dma_start3A_34] : memref<2x128xi32, #tpu.memory_space<vmem>> -> memref<1x128xi32, #tpu.memory_space<vmem>>
    %dma_start3A_36 = tpu.memref_squeeze %dma_start3A_35 : memref<1x128xi32, #tpu.memory_space<vmem>> -> memref<128xi32, #tpu.memory_space<vmem>>
    %dma_start3A_37 = arith.constant 0 : i32
    %dma_start3A_38 = tpu.memref_slice %arg4[%add3A, %dma_start3A_26, %dma_start3A_37] : memref<32x80x128xi32, #tpu.memory_space<hbm>> -> memref<1x1x128xi32, #tpu.memory_space<hbm>>
    %dma_start3A_39 = tpu.memref_squeeze %dma_start3A_38 : memref<1x1x128xi32, #tpu.memory_space<hbm>> -> memref<128xi32, #tpu.memory_space<hbm>>
    tpu.enqueue_dma source(%dma_start3A_39 : memref<128xi32, #tpu.memory_space<hbm>>) target(%dma_start3A_36 : memref<128xi32, #tpu.memory_space<vmem>>) target_semaphore(%arg14 : memref<!tpu.dma_semaphore, #tpu.memory_space<semaphore_mem>>)
    %dma_start3A_40 = arith.constant 1 : i32
    %dma_start3A_41 = arith.constant 1 : i32
    %dma_start3A_42 = arith.constant 0 : i32
    %dma_start3A_43 = arith.constant 0 : i32
    %dma_start3A_44 = tpu.memref_slice %arg9[%dma_start3A_41, %dma_start3A_42, %dma_start3A_43] : memref<2x128x128xf32, #tpu.memory_space<vmem>> -> memref<1x128x128xf32, #tpu.memory_space<vmem>>
    %dma_start3A_45 = tpu.memref_squeeze %dma_start3A_44 : memref<1x128x128xf32, #tpu.memory_space<vmem>> -> memref<128x128xf32, #tpu.memory_space<vmem>>
    %dma_start3A_46 = arith.constant 0 : i32
    %dma_start3A_47 = tpu.memref_slice %arg7[%dma_start3A_40, %dma_start3A_46] : memref<80x128xi32, #tpu.memory_space<vmem>> -> memref<1x128xi32, #tpu.memory_space<vmem>>
    %dma_start3A_48 = tpu.memref_squeeze %dma_start3A_47 : memref<1x128xi32, #tpu.memory_space<vmem>> -> memref<128xi32, #tpu.memory_space<vmem>>
    %dma_start3A_49 = arith.constant 0 : i32
    %dma_start3A_50 = arith.constant 0 : i32
    %dma_start3A_51 = tpu.memref_slice %arg2[%dma_start3A_49, %dma_start3A_50] : memref<10240x128xf32, #tpu.memory_space<hbm>> -> memref<10240x128xf32, #tpu.memory_space<hbm>>
    tpu.enqueue_indirect_dma source(%dma_start3A_51 : memref<10240x128xf32, #tpu.memory_space<hbm>>) target(%dma_start3A_45 : memref<128x128xf32, #tpu.memory_space<vmem>>) offsets(%dma_start3A_48 : memref<128xi32, #tpu.memory_space<vmem>>) semaphore(%arg12 : memref<!tpu.dma_semaphore, #tpu.memory_space<semaphore_mem>>)
    %mul3A_52 = arith.constant 640 : i32
    %mul3A_53 = arith.muli %arg1, %mul3A_52 : i32
    %eq3A = arith.constant 0 : i32
    %eq3A_54 = arith.cmpi eq, %arg0, %eq3A : i32
    %lt3A = arith.constant 16 : i32
    %lt3A_55 = arith.cmpi slt, %arg1, %lt3A : i32
    %and3A = arith.andi %eq3A_54, %lt3A_55 : i1
    %convert_element_type3A = arith.extui %and3A : i1 to i32
    %cond3A = arith.constant 0 : i32
    %cond3A_56 = arith.cmpi ne, %convert_element_type3A, %cond3A : i32
    scf.if %cond3A_56 {
      "tpu.region"() ({
        %run_scoped3A = tpu.sem_alloc : memref<!tpu.dma_semaphore, #tpu.memory_space<semaphore_mem>>
        %dma_start3A_71 = arith.constant 0 : i32
        %dma_start3A_72 = tpu.memref_slice %arg10[%mul3A_53, %dma_start3A_71] : memref<10240x128xf32, #tpu.memory_space<vmem_shared>> -> memref<640x128xf32, #tpu.memory_space<vmem_shared>>
        %dma_start3A_73 = arith.constant 0 : i32
        %dma_start3A_74 = tpu.memref_slice %arg2[%mul3A_53, %dma_start3A_73] : memref<10240x128xf32, #tpu.memory_space<hbm>> -> memref<640x128xf32, #tpu.memory_space<hbm>>
        tpu.enqueue_dma source(%dma_start3A_74 : memref<640x128xf32, #tpu.memory_space<hbm>>) target(%dma_start3A_72 : memref<640x128xf32, #tpu.memory_space<vmem_shared>>) target_semaphore(%run_scoped3A : memref<!tpu.dma_semaphore, #tpu.memory_space<semaphore_mem>>)
        %dma_wait3A = arith.constant 0 : i32
        %dma_wait3A_75 = tpu.memref_slice %arg10[%mul3A_53, %dma_wait3A] : memref<10240x128xf32, #tpu.memory_space<vmem_shared>> -> memref<640x128xf32, #tpu.memory_space<vmem_shared>>
        %dma_wait3A_76 = arith.constant 0 : i32
        %dma_wait3A_77 = tpu.memref_slice %arg2[%mul3A_53, %dma_wait3A_76] : memref<10240x128xf32, #tpu.memory_space<hbm>> -> memref<640x128xf32, #tpu.memory_space<hbm>>
        tpu.wait_dma2 semaphore(%run_scoped3A : memref<!tpu.dma_semaphore, #tpu.memory_space<semaphore_mem>>) src(%dma_wait3A_77 : memref<640x128xf32, #tpu.memory_space<hbm>>) dst(%dma_wait3A_75 : memref<640x128xf32, #tpu.memory_space<vmem_shared>>)
        tpu.yield
      }) : () -> ()
    } else {
    }
    %ne3A = arith.constant 0 : i32
    %ne3A_57 = arith.cmpi ne, %arg0, %ne3A : i32
    %convert_element_type3A_58 = arith.extui %ne3A_57 : i1 to i32
    %cond3A_59 = arith.constant 0 : i32
    %cond3A_60 = arith.cmpi ne, %convert_element_type3A_58, %cond3A_59 : i32
    scf.if %cond3A_60 {
      "tpu.region"() ({
        %run_scoped3A = tpu.sem_alloc : memref<!tpu.dma_semaphore, #tpu.memory_space<semaphore_mem>>
        %dma_start3A_71 = arith.constant 0 : i32
        %dma_start3A_72 = tpu.memref_slice %arg10[%mul3A_53, %dma_start3A_71] : memref<10240x128xf32, #tpu.memory_space<vmem_shared>> -> memref<640x128xf32, #tpu.memory_space<vmem_shared>>
        tpu.enqueue_dma source(%arg5 : memref<640x128xf32, #tpu.memory_space<hbm>>) target(%dma_start3A_72 : memref<640x128xf32, #tpu.memory_space<vmem_shared>>) target_semaphore(%run_scoped3A : memref<!tpu.dma_semaphore, #tpu.memory_space<semaphore_mem>>)
        %dma_wait3A = arith.constant 0 : i32
        %dma_wait3A_73 = tpu.memref_slice %arg10[%mul3A_53, %dma_wait3A] : memref<10240x128xf32, #tpu.memory_space<vmem_shared>> -> memref<640x128xf32, #tpu.memory_space<vmem_shared>>
        tpu.wait_dma2 semaphore(%run_scoped3A : memref<!tpu.dma_semaphore, #tpu.memory_space<semaphore_mem>>) src(%arg5 : memref<640x128xf32, #tpu.memory_space<hbm>>) dst(%dma_wait3A_73 : memref<640x128xf32, #tpu.memory_space<vmem_shared>>)
        tpu.yield
      }) : () -> ()
    } else {
    }
    %barrier3A = arith.constant 0 : index
    tpu.barrier barrier_id(%barrier3A)
    %scan3A = arith.constant 0 : i32
    %scan3A_61 = arith.constant 0 : i32
    %scan3A_62 = arith.constant 40 : i32
    %scan3A_63 = arith.addi %scan3A_61, %scan3A_62 : i32
    %scan3A_64 = arith.constant 1 : i32
    scf.for %scan3A_71 = %scan3A_61 to %scan3A_63 step %scan3A_64  : i32 {
      %mul3A_72 = arith.constant 2 : i32
      %mul3A_73 = arith.muli %scan3A_71, %mul3A_72 : i32
      %add3A_74 = arith.constant 0 : i32
      %add3A_75 = arith.addi %mul3A_73, %add3A_74 : i32
      %dma_wait3A = arith.constant 0 : i32
      %dma_wait3A_76 = arith.constant 0 : i32
      %dma_wait3A_77 = tpu.memref_slice %arg8[%dma_wait3A, %dma_wait3A_76] : memref<2x128xi32, #tpu.memory_space<vmem>> -> memref<1x128xi32, #tpu.memory_space<vmem>>
      %dma_wait3A_78 = tpu.memref_squeeze %dma_wait3A_77 : memref<1x128xi32, #tpu.memory_space<vmem>> -> memref<128xi32, #tpu.memory_space<vmem>>
      %dma_wait3A_79 = arith.constant 0 : i32
      %dma_wait3A_80 = tpu.memref_slice %arg4[%add3A, %add3A_75, %dma_wait3A_79] : memref<32x80x128xi32, #tpu.memory_space<hbm>> -> memref<1x1x128xi32, #tpu.memory_space<hbm>>
      %dma_wait3A_81 = tpu.memref_squeeze %dma_wait3A_80 : memref<1x1x128xi32, #tpu.memory_space<hbm>> -> memref<128xi32, #tpu.memory_space<hbm>>
      %dma_wait3A_82 = arith.constant 0 : i32
      %dma_wait3A_83 = tpu.memref_slice %arg8[%dma_wait3A, %dma_wait3A_82] : memref<2x128xi32, #tpu.memory_space<vmem>> -> memref<1x128xi32, #tpu.memory_space<vmem>>
      %dma_wait3A_84 = tpu.memref_squeeze %dma_wait3A_83 : memref<1x128xi32, #tpu.memory_space<vmem>> -> memref<128xi32, #tpu.memory_space<vmem>>
      %dma_wait3A_85 = arith.constant 0 : i32
      %dma_wait3A_86 = tpu.memref_slice %arg4[%add3A, %add3A_75, %dma_wait3A_85] : memref<32x80x128xi32, #tpu.memory_space<hbm>> -> memref<1x1x128xi32, #tpu.memory_space<hbm>>
      %dma_wait3A_87 = tpu.memref_squeeze %dma_wait3A_86 : memref<1x1x128xi32, #tpu.memory_space<hbm>> -> memref<128xi32, #tpu.memory_space<hbm>>
      tpu.wait_dma2 semaphore(%arg13 : memref<!tpu.dma_semaphore, #tpu.memory_space<semaphore_mem>>) src(%dma_wait3A_87 : memref<128xi32, #tpu.memory_space<hbm>>) dst(%dma_wait3A_84 : memref<128xi32, #tpu.memory_space<vmem>>)
      %dma_wait3A_88 = arith.constant 0 : i32
      %dma_wait3A_89 = arith.constant 0 : i32
      %dma_wait3A_90 = arith.constant 0 : i32
      %dma_wait3A_91 = tpu.memref_slice %arg9[%dma_wait3A_88, %dma_wait3A_89, %dma_wait3A_90] : memref<2x128x128xf32, #tpu.memory_space<vmem>> -> memref<1x128x128xf32, #tpu.memory_space<vmem>>
      %dma_wait3A_92 = tpu.memref_squeeze %dma_wait3A_91 : memref<1x128x128xf32, #tpu.memory_space<vmem>> -> memref<128x128xf32, #tpu.memory_space<vmem>>
      %dma_wait3A_93 = arith.constant 0 : i32
      %dma_wait3A_94 = tpu.memref_slice %arg7[%add3A_75, %dma_wait3A_93] : memref<80x128xi32, #tpu.memory_space<vmem>> -> memref<1x128xi32, #tpu.memory_space<vmem>>
      %dma_wait3A_95 = tpu.memref_squeeze %dma_wait3A_94 : memref<1x128xi32, #tpu.memory_space<vmem>> -> memref<128xi32, #tpu.memory_space<vmem>>
      %dma_wait3A_96 = arith.constant 0 : i32
      %dma_wait3A_97 = arith.constant 0 : i32
      %dma_wait3A_98 = tpu.memref_slice %arg2[%dma_wait3A_96, %dma_wait3A_97] : memref<10240x128xf32, #tpu.memory_space<hbm>> -> memref<10240x128xf32, #tpu.memory_space<hbm>>
      tpu.wait_indirect_dma semaphore(%arg11 : memref<!tpu.dma_semaphore, #tpu.memory_space<semaphore_mem>>) src(%dma_wait3A_98 : memref<10240x128xf32, #tpu.memory_space<hbm>>) dst(%dma_wait3A_92 : memref<128x128xf32, #tpu.memory_space<vmem>>)
      %run_scoped3A = arith.constant 0 : i32
      %run_scoped3A_99 = arith.constant 0 : i32
      "tpu.region"() ({
        %run_scoped3A_144 = tpu.sem_alloc : memref<!tpu.dma_semaphore, #tpu.memory_space<semaphore_mem>>
        %dma_start3A_145 = arith.constant 0 : i32
        %dma_start3A_146 = arith.constant 0 : i32
        %dma_start3A_147 = tpu.memref_slice %arg9[%run_scoped3A, %dma_start3A_145, %dma_start3A_146] : memref<2x128x128xf32, #tpu.memory_space<vmem>> -> memref<1x128x128xf32, #tpu.memory_space<vmem>>
        %dma_start3A_148 = tpu.memref_squeeze %dma_start3A_147 : memref<1x128x128xf32, #tpu.memory_space<vmem>> -> memref<128x128xf32, #tpu.memory_space<vmem>>
        %dma_start3A_149 = arith.constant 0 : i32
        %dma_start3A_150 = tpu.memref_slice %arg8[%run_scoped3A_99, %dma_start3A_149] : memref<2x128xi32, #tpu.memory_space<vmem>> -> memref<1x128xi32, #tpu.memory_space<vmem>>
        %dma_start3A_151 = tpu.memref_squeeze %dma_start3A_150 : memref<1x128xi32, #tpu.memory_space<vmem>> -> memref<128xi32, #tpu.memory_space<vmem>>
        %dma_start3A_152 = arith.constant 0 : i32
        %dma_start3A_153 = arith.constant 0 : i32
        %dma_start3A_154 = tpu.memref_slice %arg10[%dma_start3A_152, %dma_start3A_153] : memref<10240x128xf32, #tpu.memory_space<vmem_shared>> -> memref<10240x128xf32, #tpu.memory_space<vmem_shared>>
        tpu.enqueue_indirect_dma source(%dma_start3A_148 : memref<128x128xf32, #tpu.memory_space<vmem>>) target(%dma_start3A_154 : memref<10240x128xf32, #tpu.memory_space<vmem_shared>>) offsets(%dma_start3A_151 : memref<128xi32, #tpu.memory_space<vmem>>) semaphore(%run_scoped3A_144 : memref<!tpu.dma_semaphore, #tpu.memory_space<semaphore_mem>>) {add = true}
        %dma_wait3A_155 = arith.constant 0 : i32
        %dma_wait3A_156 = arith.constant 0 : i32
        %dma_wait3A_157 = tpu.memref_slice %arg9[%run_scoped3A, %dma_wait3A_155, %dma_wait3A_156] : memref<2x128x128xf32, #tpu.memory_space<vmem>> -> memref<1x128x128xf32, #tpu.memory_space<vmem>>
        %dma_wait3A_158 = tpu.memref_squeeze %dma_wait3A_157 : memref<1x128x128xf32, #tpu.memory_space<vmem>> -> memref<128x128xf32, #tpu.memory_space<vmem>>
        %dma_wait3A_159 = arith.constant 0 : i32
        %dma_wait3A_160 = tpu.memref_slice %arg8[%run_scoped3A_99, %dma_wait3A_159] : memref<2x128xi32, #tpu.memory_space<vmem>> -> memref<1x128xi32, #tpu.memory_space<vmem>>
        %dma_wait3A_161 = tpu.memref_squeeze %dma_wait3A_160 : memref<1x128xi32, #tpu.memory_space<vmem>> -> memref<128xi32, #tpu.memory_space<vmem>>
        %dma_wait3A_162 = arith.constant 0 : i32
        %dma_wait3A_163 = arith.constant 0 : i32
        %dma_wait3A_164 = tpu.memref_slice %arg10[%dma_wait3A_162, %dma_wait3A_163] : memref<10240x128xf32, #tpu.memory_space<vmem_shared>> -> memref<10240x128xf32, #tpu.memory_space<vmem_shared>>
        tpu.wait_indirect_dma semaphore(%run_scoped3A_144 : memref<!tpu.dma_semaphore, #tpu.memory_space<semaphore_mem>>) src(%dma_wait3A_158 : memref<128x128xf32, #tpu.memory_space<vmem>>) dst(%dma_wait3A_164 : memref<10240x128xf32, #tpu.memory_space<vmem_shared>>)
        tpu.yield
      }) : () -> ()
      %add3A_100 = arith.constant 2 : i32
      %add3A_101 = arith.addi %add3A_75, %add3A_100 : i32
      %lt3A_102 = arith.constant 80 : i32
      %lt3A_103 = arith.cmpi slt, %add3A_101, %lt3A_102 : i32
      %convert_element_type3A_104 = arith.extui %lt3A_103 : i1 to i32
      %cond3A_105 = arith.constant 0 : i32
      %cond3A_106 = arith.cmpi ne, %convert_element_type3A_104, %cond3A_105 : i32
      scf.if %cond3A_106 {
        %add3A_144 = arith.constant 2 : i32
        %add3A_145 = arith.addi %add3A_75, %add3A_144 : i32
        %dma_start3A_146 = arith.constant 0 : i32
        %dma_start3A_147 = arith.constant 0 : i32
        %dma_start3A_148 = tpu.memref_slice %arg8[%dma_start3A_146, %dma_start3A_147] : memref<2x128xi32, #tpu.memory_space<vmem>> -> memref<1x128xi32, #tpu.memory_space<vmem>>
        %dma_start3A_149 = tpu.memref_squeeze %dma_start3A_148 : memref<1x128xi32, #tpu.memory_space<vmem>> -> memref<128xi32, #tpu.memory_space<vmem>>
        %dma_start3A_150 = arith.constant 0 : i32
        %dma_start3A_151 = tpu.memref_slice %arg4[%add3A, %add3A_145, %dma_start3A_150] : memref<32x80x128xi32, #tpu.memory_space<hbm>> -> memref<1x1x128xi32, #tpu.memory_space<hbm>>
        %dma_start3A_152 = tpu.memref_squeeze %dma_start3A_151 : memref<1x1x128xi32, #tpu.memory_space<hbm>> -> memref<128xi32, #tpu.memory_space<hbm>>
        %dma_start3A_153 = arith.constant 0 : i32
        %dma_start3A_154 = tpu.memref_slice %arg8[%dma_start3A_146, %dma_start3A_153] : memref<2x128xi32, #tpu.memory_space<vmem>> -> memref<1x128xi32, #tpu.memory_space<vmem>>
        %dma_start3A_155 = tpu.memref_squeeze %dma_start3A_154 : memref<1x128xi32, #tpu.memory_space<vmem>> -> memref<128xi32, #tpu.memory_space<vmem>>
        %dma_start3A_156 = arith.constant 0 : i32
        %dma_start3A_157 = tpu.memref_slice %arg4[%add3A, %add3A_145, %dma_start3A_156] : memref<32x80x128xi32, #tpu.memory_space<hbm>> -> memref<1x1x128xi32, #tpu.memory_space<hbm>>
        %dma_start3A_158 = tpu.memref_squeeze %dma_start3A_157 : memref<1x1x128xi32, #tpu.memory_space<hbm>> -> memref<128xi32, #tpu.memory_space<hbm>>
        tpu.enqueue_dma source(%dma_start3A_158 : memref<128xi32, #tpu.memory_space<hbm>>) target(%dma_start3A_155 : memref<128xi32, #tpu.memory_space<vmem>>) target_semaphore(%arg13 : memref<!tpu.dma_semaphore, #tpu.memory_space<semaphore_mem>>)
        %add3A_159 = arith.constant 2 : i32
        %add3A_160 = arith.addi %add3A_75, %add3A_159 : i32
        %dma_start3A_161 = arith.constant 0 : i32
        %dma_start3A_162 = arith.constant 0 : i32
        %dma_start3A_163 = arith.constant 0 : i32
        %dma_start3A_164 = tpu.memref_slice %arg9[%dma_start3A_161, %dma_start3A_162, %dma_start3A_163] : memref<2x128x128xf32, #tpu.memory_space<vmem>> -> memref<1x128x128xf32, #tpu.memory_space<vmem>>
        %dma_start3A_165 = tpu.memref_squeeze %dma_start3A_164 : memref<1x128x128xf32, #tpu.memory_space<vmem>> -> memref<128x128xf32, #tpu.memory_space<vmem>>
        %dma_start3A_166 = arith.constant 0 : i32
        %dma_start3A_167 = tpu.memref_slice %arg7[%add3A_160, %dma_start3A_166] : memref<80x128xi32, #tpu.memory_space<vmem>> -> memref<1x128xi32, #tpu.memory_space<vmem>>
        %dma_start3A_168 = tpu.memref_squeeze %dma_start3A_167 : memref<1x128xi32, #tpu.memory_space<vmem>> -> memref<128xi32, #tpu.memory_space<vmem>>
        %dma_start3A_169 = arith.constant 0 : i32
        %dma_start3A_170 = arith.constant 0 : i32
        %dma_start3A_171 = tpu.memref_slice %arg2[%dma_start3A_169, %dma_start3A_170] : memref<10240x128xf32, #tpu.memory_space<hbm>> -> memref<10240x128xf32, #tpu.memory_space<hbm>>
        tpu.enqueue_indirect_dma source(%dma_start3A_171 : memref<10240x128xf32, #tpu.memory_space<hbm>>) target(%dma_start3A_165 : memref<128x128xf32, #tpu.memory_space<vmem>>) offsets(%dma_start3A_168 : memref<128xi32, #tpu.memory_space<vmem>>) semaphore(%arg11 : memref<!tpu.dma_semaphore, #tpu.memory_space<semaphore_mem>>)
      } else {
      }
      %mul3A_107 = arith.constant 2 : i32
      %mul3A_108 = arith.muli %scan3A_71, %mul3A_107 : i32
      %add3A_109 = arith.constant 1 : i32
      %add3A_110 = arith.addi %mul3A_108, %add3A_109 : i32
      %dma_wait3A_111 = arith.constant 1 : i32
      %dma_wait3A_112 = arith.constant 0 : i32
      %dma_wait3A_113 = tpu.memref_slice %arg8[%dma_wait3A_111, %dma_wait3A_112] : memref<2x128xi32, #tpu.memory_space<vmem>> -> memref<1x128xi32, #tpu.memory_space<vmem>>
      %dma_wait3A_114 = tpu.memref_squeeze %dma_wait3A_113 : memref<1x128xi32, #tpu.memory_space<vmem>> -> memref<128xi32, #tpu.memory_space<vmem>>
      %dma_wait3A_115 = arith.constant 0 : i32
      %dma_wait3A_116 = tpu.memref_slice %arg4[%add3A, %add3A_110, %dma_wait3A_115] : memref<32x80x128xi32, #tpu.memory_space<hbm>> -> memref<1x1x128xi32, #tpu.memory_space<hbm>>
      %dma_wait3A_117 = tpu.memref_squeeze %dma_wait3A_116 : memref<1x1x128xi32, #tpu.memory_space<hbm>> -> memref<128xi32, #tpu.memory_space<hbm>>
      %dma_wait3A_118 = arith.constant 0 : i32
      %dma_wait3A_119 = tpu.memref_slice %arg8[%dma_wait3A_111, %dma_wait3A_118] : memref<2x128xi32, #tpu.memory_space<vmem>> -> memref<1x128xi32, #tpu.memory_space<vmem>>
      %dma_wait3A_120 = tpu.memref_squeeze %dma_wait3A_119 : memref<1x128xi32, #tpu.memory_space<vmem>> -> memref<128xi32, #tpu.memory_space<vmem>>
      %dma_wait3A_121 = arith.constant 0 : i32
      %dma_wait3A_122 = tpu.memref_slice %arg4[%add3A, %add3A_110, %dma_wait3A_121] : memref<32x80x128xi32, #tpu.memory_space<hbm>> -> memref<1x1x128xi32, #tpu.memory_space<hbm>>
      %dma_wait3A_123 = tpu.memref_squeeze %dma_wait3A_122 : memref<1x1x128xi32, #tpu.memory_space<hbm>> -> memref<128xi32, #tpu.memory_space<hbm>>
      tpu.wait_dma2 semaphore(%arg14 : memref<!tpu.dma_semaphore, #tpu.memory_space<semaphore_mem>>) src(%dma_wait3A_123 : memref<128xi32, #tpu.memory_space<hbm>>) dst(%dma_wait3A_120 : memref<128xi32, #tpu.memory_space<vmem>>)
      %dma_wait3A_124 = arith.constant 1 : i32
      %dma_wait3A_125 = arith.constant 0 : i32
      %dma_wait3A_126 = arith.constant 0 : i32
      %dma_wait3A_127 = tpu.memref_slice %arg9[%dma_wait3A_124, %dma_wait3A_125, %dma_wait3A_126] : memref<2x128x128xf32, #tpu.memory_space<vmem>> -> memref<1x128x128xf32, #tpu.memory_space<vmem>>
      %dma_wait3A_128 = tpu.memref_squeeze %dma_wait3A_127 : memref<1x128x128xf32, #tpu.memory_space<vmem>> -> memref<128x128xf32, #tpu.memory_space<vmem>>
      %dma_wait3A_129 = arith.constant 0 : i32
      %dma_wait3A_130 = tpu.memref_slice %arg7[%add3A_110, %dma_wait3A_129] : memref<80x128xi32, #tpu.memory_space<vmem>> -> memref<1x128xi32, #tpu.memory_space<vmem>>
      %dma_wait3A_131 = tpu.memref_squeeze %dma_wait3A_130 : memref<1x128xi32, #tpu.memory_space<vmem>> -> memref<128xi32, #tpu.memory_space<vmem>>
      %dma_wait3A_132 = arith.constant 0 : i32
      %dma_wait3A_133 = arith.constant 0 : i32
      %dma_wait3A_134 = tpu.memref_slice %arg2[%dma_wait3A_132, %dma_wait3A_133] : memref<10240x128xf32, #tpu.memory_space<hbm>> -> memref<10240x128xf32, #tpu.memory_space<hbm>>
      tpu.wait_indirect_dma semaphore(%arg12 : memref<!tpu.dma_semaphore, #tpu.memory_space<semaphore_mem>>) src(%dma_wait3A_134 : memref<10240x128xf32, #tpu.memory_space<hbm>>) dst(%dma_wait3A_128 : memref<128x128xf32, #tpu.memory_space<vmem>>)
      %run_scoped3A_135 = arith.constant 1 : i32
      %run_scoped3A_136 = arith.constant 1 : i32
      "tpu.region"() ({
        %run_scoped3A_144 = tpu.sem_alloc : memref<!tpu.dma_semaphore, #tpu.memory_space<semaphore_mem>>
        %dma_start3A_145 = arith.constant 0 : i32
        %dma_start3A_146 = arith.constant 0 : i32
        %dma_start3A_147 = tpu.memref_slice %arg9[%run_scoped3A_135, %dma_start3A_145, %dma_start3A_146] : memref<2x128x128xf32, #tpu.memory_space<vmem>> -> memref<1x128x128xf32, #tpu.memory_space<vmem>>
        %dma_start3A_148 = tpu.memref_squeeze %dma_start3A_147 : memref<1x128x128xf32, #tpu.memory_space<vmem>> -> memref<128x128xf32, #tpu.memory_space<vmem>>
        %dma_start3A_149 = arith.constant 0 : i32
        %dma_start3A_150 = tpu.memref_slice %arg8[%run_scoped3A_136, %dma_start3A_149] : memref<2x128xi32, #tpu.memory_space<vmem>> -> memref<1x128xi32, #tpu.memory_space<vmem>>
        %dma_start3A_151 = tpu.memref_squeeze %dma_start3A_150 : memref<1x128xi32, #tpu.memory_space<vmem>> -> memref<128xi32, #tpu.memory_space<vmem>>
        %dma_start3A_152 = arith.constant 0 : i32
        %dma_start3A_153 = arith.constant 0 : i32
        %dma_start3A_154 = tpu.memref_slice %arg10[%dma_start3A_152, %dma_start3A_153] : memref<10240x128xf32, #tpu.memory_space<vmem_shared>> -> memref<10240x128xf32, #tpu.memory_space<vmem_shared>>
        tpu.enqueue_indirect_dma source(%dma_start3A_148 : memref<128x128xf32, #tpu.memory_space<vmem>>) target(%dma_start3A_154 : memref<10240x128xf32, #tpu.memory_space<vmem_shared>>) offsets(%dma_start3A_151 : memref<128xi32, #tpu.memory_space<vmem>>) semaphore(%run_scoped3A_144 : memref<!tpu.dma_semaphore, #tpu.memory_space<semaphore_mem>>) {add = true}
        %dma_wait3A_155 = arith.constant 0 : i32
        %dma_wait3A_156 = arith.constant 0 : i32
        %dma_wait3A_157 = tpu.memref_slice %arg9[%run_scoped3A_135, %dma_wait3A_155, %dma_wait3A_156] : memref<2x128x128xf32, #tpu.memory_space<vmem>> -> memref<1x128x128xf32, #tpu.memory_space<vmem>>
        %dma_wait3A_158 = tpu.memref_squeeze %dma_wait3A_157 : memref<1x128x128xf32, #tpu.memory_space<vmem>> -> memref<128x128xf32, #tpu.memory_space<vmem>>
        %dma_wait3A_159 = arith.constant 0 : i32
        %dma_wait3A_160 = tpu.memref_slice %arg8[%run_scoped3A_136, %dma_wait3A_159] : memref<2x128xi32, #tpu.memory_space<vmem>> -> memref<1x128xi32, #tpu.memory_space<vmem>>
        %dma_wait3A_161 = tpu.memref_squeeze %dma_wait3A_160 : memref<1x128xi32, #tpu.memory_space<vmem>> -> memref<128xi32, #tpu.memory_space<vmem>>
        %dma_wait3A_162 = arith.constant 0 : i32
        %dma_wait3A_163 = arith.constant 0 : i32
        %dma_wait3A_164 = tpu.memref_slice %arg10[%dma_wait3A_162, %dma_wait3A_163] : memref<10240x128xf32, #tpu.memory_space<vmem_shared>> -> memref<10240x128xf32, #tpu.memory_space<vmem_shared>>
        tpu.wait_indirect_dma semaphore(%run_scoped3A_144 : memref<!tpu.dma_semaphore, #tpu.memory_space<semaphore_mem>>) src(%dma_wait3A_158 : memref<128x128xf32, #tpu.memory_space<vmem>>) dst(%dma_wait3A_164 : memref<10240x128xf32, #tpu.memory_space<vmem_shared>>)
        tpu.yield
      }) : () -> ()
      %add3A_137 = arith.constant 2 : i32
      %add3A_138 = arith.addi %add3A_110, %add3A_137 : i32
      %lt3A_139 = arith.constant 80 : i32
      %lt3A_140 = arith.cmpi slt, %add3A_138, %lt3A_139 : i32
      %convert_element_type3A_141 = arith.extui %lt3A_140 : i1 to i32
      %cond3A_142 = arith.constant 0 : i32
      %cond3A_143 = arith.cmpi ne, %convert_element_type3A_141, %cond3A_142 : i32
      scf.if %cond3A_143 {
        %add3A_144 = arith.constant 2 : i32
        %add3A_145 = arith.addi %add3A_110, %add3A_144 : i32
        %dma_start3A_146 = arith.constant 1 : i32
        %dma_start3A_147 = arith.constant 0 : i32
        %dma_start3A_148 = tpu.memref_slice %arg8[%dma_start3A_146, %dma_start3A_147] : memref<2x128xi32, #tpu.memory_space<vmem>> -> memref<1x128xi32, #tpu.memory_space<vmem>>
        %dma_start3A_149 = tpu.memref_squeeze %dma_start3A_148 : memref<1x128xi32, #tpu.memory_space<vmem>> -> memref<128xi32, #tpu.memory_space<vmem>>
        %dma_start3A_150 = arith.constant 0 : i32
        %dma_start3A_151 = tpu.memref_slice %arg4[%add3A, %add3A_145, %dma_start3A_150] : memref<32x80x128xi32, #tpu.memory_space<hbm>> -> memref<1x1x128xi32, #tpu.memory_space<hbm>>
        %dma_start3A_152 = tpu.memref_squeeze %dma_start3A_151 : memref<1x1x128xi32, #tpu.memory_space<hbm>> -> memref<128xi32, #tpu.memory_space<hbm>>
        %dma_start3A_153 = arith.constant 0 : i32
        %dma_start3A_154 = tpu.memref_slice %arg8[%dma_start3A_146, %dma_start3A_153] : memref<2x128xi32, #tpu.memory_space<vmem>> -> memref<1x128xi32, #tpu.memory_space<vmem>>
        %dma_start3A_155 = tpu.memref_squeeze %dma_start3A_154 : memref<1x128xi32, #tpu.memory_space<vmem>> -> memref<128xi32, #tpu.memory_space<vmem>>
        %dma_start3A_156 = arith.constant 0 : i32
        %dma_start3A_157 = tpu.memref_slice %arg4[%add3A, %add3A_145, %dma_start3A_156] : memref<32x80x128xi32, #tpu.memory_space<hbm>> -> memref<1x1x128xi32, #tpu.memory_space<hbm>>
        %dma_start3A_158 = tpu.memref_squeeze %dma_start3A_157 : memref<1x1x128xi32, #tpu.memory_space<hbm>> -> memref<128xi32, #tpu.memory_space<hbm>>
        tpu.enqueue_dma source(%dma_start3A_158 : memref<128xi32, #tpu.memory_space<hbm>>) target(%dma_start3A_155 : memref<128xi32, #tpu.memory_space<vmem>>) target_semaphore(%arg14 : memref<!tpu.dma_semaphore, #tpu.memory_space<semaphore_mem>>)
        %add3A_159 = arith.constant 2 : i32
        %add3A_160 = arith.addi %add3A_110, %add3A_159 : i32
        %dma_start3A_161 = arith.constant 1 : i32
        %dma_start3A_162 = arith.constant 0 : i32
        %dma_start3A_163 = arith.constant 0 : i32
        %dma_start3A_164 = tpu.memref_slice %arg9[%dma_start3A_161, %dma_start3A_162, %dma_start3A_163] : memref<2x128x128xf32, #tpu.memory_space<vmem>> -> memref<1x128x128xf32, #tpu.memory_space<vmem>>
        %dma_start3A_165 = tpu.memref_squeeze %dma_start3A_164 : memref<1x128x128xf32, #tpu.memory_space<vmem>> -> memref<128x128xf32, #tpu.memory_space<vmem>>
        %dma_start3A_166 = arith.constant 0 : i32
        %dma_start3A_167 = tpu.memref_slice %arg7[%add3A_160, %dma_start3A_166] : memref<80x128xi32, #tpu.memory_space<vmem>> -> memref<1x128xi32, #tpu.memory_space<vmem>>
        %dma_start3A_168 = tpu.memref_squeeze %dma_start3A_167 : memref<1x128xi32, #tpu.memory_space<vmem>> -> memref<128xi32, #tpu.memory_space<vmem>>
        %dma_start3A_169 = arith.constant 0 : i32
        %dma_start3A_170 = arith.constant 0 : i32
        %dma_start3A_171 = tpu.memref_slice %arg2[%dma_start3A_169, %dma_start3A_170] : memref<10240x128xf32, #tpu.memory_space<hbm>> -> memref<10240x128xf32, #tpu.memory_space<hbm>>
        tpu.enqueue_indirect_dma source(%dma_start3A_171 : memref<10240x128xf32, #tpu.memory_space<hbm>>) target(%dma_start3A_165 : memref<128x128xf32, #tpu.memory_space<vmem>>) offsets(%dma_start3A_168 : memref<128xi32, #tpu.memory_space<vmem>>) semaphore(%arg12 : memref<!tpu.dma_semaphore, #tpu.memory_space<semaphore_mem>>)
      } else {
      }
    }
    %scan3A_65 = arith.constant 40 : i32
    %barrier3A_66 = arith.constant 0 : index
    tpu.barrier barrier_id(%barrier3A_66)
    %mul3A_67 = arith.constant 640 : i32
    %mul3A_68 = arith.muli %arg1, %mul3A_67 : i32
    %mul3A_69 = arith.constant 640 : i32
    %mul3A_70 = arith.muli %arg1, %mul3A_69 : i32
    "tpu.region"() ({
      %run_scoped3A = tpu.sem_alloc : memref<!tpu.dma_semaphore, #tpu.memory_space<semaphore_mem>>
      %dma_start3A_71 = arith.constant 0 : i32
      %dma_start3A_72 = tpu.memref_slice %arg6[%arg0, %mul3A_70, %dma_start3A_71] : memref<2x10240x128xf32, #tpu.memory_space<hbm>> -> memref<1x640x128xf32, #tpu.memory_space<hbm>>
      %dma_start3A_73 = tpu.memref_squeeze %dma_start3A_72 : memref<1x640x128xf32, #tpu.memory_space<hbm>> -> memref<640x128xf32, #tpu.memory_space<hbm>>
      %dma_start3A_74 = arith.constant 0 : i32
      %dma_start3A_75 = tpu.memref_slice %arg10[%mul3A_68, %dma_start3A_74] : memref<10240x128xf32, #tpu.memory_space<vmem_shared>> -> memref<640x128xf32, #tpu.memory_space<vmem_shared>>
      tpu.enqueue_dma source(%dma_start3A_75 : memref<640x128xf32, #tpu.memory_space<vmem_shared>>) target(%dma_start3A_73 : memref<640x128xf32, #tpu.memory_space<hbm>>) target_semaphore(%run_scoped3A : memref<!tpu.dma_semaphore, #tpu.memory_space<semaphore_mem>>)
      %dma_wait3A = arith.constant 0 : i32
      %dma_wait3A_76 = tpu.memref_slice %arg6[%arg0, %mul3A_70, %dma_wait3A] : memref<2x10240x128xf32, #tpu.memory_space<hbm>> -> memref<1x640x128xf32, #tpu.memory_space<hbm>>
      %dma_wait3A_77 = tpu.memref_squeeze %dma_wait3A_76 : memref<1x640x128xf32, #tpu.memory_space<hbm>> -> memref<640x128xf32, #tpu.memory_space<hbm>>
      %dma_wait3A_78 = arith.constant 0 : i32
      %dma_wait3A_79 = tpu.memref_slice %arg10[%mul3A_68, %dma_wait3A_78] : memref<10240x128xf32, #tpu.memory_space<vmem_shared>> -> memref<640x128xf32, #tpu.memory_space<vmem_shared>>
      tpu.wait_dma2 semaphore(%run_scoped3A : memref<!tpu.dma_semaphore, #tpu.memory_space<semaphore_mem>>) src(%dma_wait3A_79 : memref<640x128xf32, #tpu.memory_space<vmem_shared>>) dst(%dma_wait3A_77 : memref<640x128xf32, #tpu.memory_space<hbm>>)
      tpu.yield
    }) : () -> ()
    return
  }
}

module attributes {stable_mosaic.version = 14 : i64} {
  func.func @_mlp_body(%arg0: i32, %arg1: memref<1x2048x128xf32, #tpu.memory_space<vmem>>, %arg2: memref<1x2048x128xf32, #tpu.memory_space<vmem>>, %arg3: memref<128x128xf32, #tpu.memory_space<vmem>>, %arg4: memref<1x128xf32, #tpu.memory_space<vmem>>, %arg5: memref<128x128xf32, #tpu.memory_space<vmem>>, %arg6: memref<1x128xf32, #tpu.memory_space<vmem>>, %arg7: memref<2048x128xf32, #tpu.memory_space<vmem>>) attributes {dimension_semantics = [#tpu.dimension_semantics<arbitrary>], iteration_bounds = array<i64: 5>, scalar_prefetch = 0 : i64, scratch_operands = 0 : i64, tpu.core_type = #tpu.core_type<tc>, window_params = [{transform_indices = @transform_0, window_bounds = array<i64: 1, 2048, 128>}, {transform_indices = @transform_1, window_bounds = array<i64: 1, 2048, 128>}, {pipeline_mode = #tpu.pipeline_mode<synchronous>, transform_indices = @transform_2, window_bounds = array<i64: 128, 128>}, {pipeline_mode = #tpu.pipeline_mode<synchronous>, transform_indices = @transform_3, window_bounds = array<i64: 1, 128>}, {pipeline_mode = #tpu.pipeline_mode<synchronous>, transform_indices = @transform_4, window_bounds = array<i64: 128, 128>}, {pipeline_mode = #tpu.pipeline_mode<synchronous>, transform_indices = @transform_5, window_bounds = array<i64: 1, 128>}, {transform_indices = @transform_6, window_bounds = array<i64: 2048, 128>}]} {
    %get3A = arith.constant 0 : index
    %get3A_0 = arith.constant 0 : index
    %get3A_1 = arith.constant 0 : index
    %get3A_2 = vector.load %arg1[%get3A, %get3A_0, %get3A_1] : memref<1x2048x128xf32, #tpu.memory_space<vmem>>, vector<1x2048x128xf32>
    %get3A_3 = vector.shape_cast %get3A_2 : vector<1x2048x128xf32> to vector<2048x128xf32>
    %get3A_4 = arith.constant 0 : index
    %get3A_5 = arith.constant 0 : index
    %get3A_6 = arith.constant 0 : index
    %get3A_7 = vector.load %arg2[%get3A_4, %get3A_5, %get3A_6] : memref<1x2048x128xf32, #tpu.memory_space<vmem>>, vector<1x2048x128xf32>
    %get3A_8 = vector.shape_cast %get3A_7 : vector<1x2048x128xf32> to vector<2048x128xf32>
    %add3A = arith.addf %get3A_3, %get3A_8 : vector<2048x128xf32>
    %get3A_9 = arith.constant 0 : index
    %get3A_10 = arith.constant 0 : index
    %get3A_11 = vector.load %arg3[%get3A_9, %get3A_10] : memref<128x128xf32, #tpu.memory_space<vmem>>, vector<128x128xf32>
    %dot_general3A = arith.constant dense<0.000000e+00> : vector<2048x128xf32>
    %dot_general3A_12 = tpu.matmul %add3A, %get3A_11, %dot_general3A {dimension_numbers = #tpu.dot_dimension_numbers<[1], [0], [0], [1], [0, 0, 1, 1], [], []>, transpose_lhs_hint = false} : vector<2048x128xf32>, vector<128x128xf32>, vector<2048x128xf32> -> vector<2048x128xf32>
    %get3A_13 = arith.constant 0 : index
    %get3A_14 = arith.constant 0 : index
    %get3A_15 = vector.load %arg4[%get3A_13, %get3A_14] : memref<1x128xf32, #tpu.memory_space<vmem>>, vector<1x128xf32>
    %add3A_16 = vector.broadcast %get3A_15 : vector<1x128xf32> to vector<2048x128xf32>
    %add3A_17 = arith.addf %dot_general3A_12, %add3A_16 : vector<2048x128xf32>
    %max3A = arith.constant 0.000000e+00 : f32
    %max3A_18 = vector.broadcast %max3A : f32 to vector<2048x128xf32>
    %max3A_19 = arith.maximumf %add3A_17, %max3A_18 : vector<2048x128xf32>
    %get3A_20 = arith.constant 0 : index
    %get3A_21 = arith.constant 0 : index
    %get3A_22 = vector.load %arg5[%get3A_20, %get3A_21] : memref<128x128xf32, #tpu.memory_space<vmem>>, vector<128x128xf32>
    %dot_general3A_23 = arith.constant dense<0.000000e+00> : vector<2048x128xf32>
    %dot_general3A_24 = tpu.matmul %max3A_19, %get3A_22, %dot_general3A_23 {dimension_numbers = #tpu.dot_dimension_numbers<[1], [0], [0], [1], [0, 0, 1, 1], [], []>, transpose_lhs_hint = false} : vector<2048x128xf32>, vector<128x128xf32>, vector<2048x128xf32> -> vector<2048x128xf32>
    %get3A_25 = arith.constant 0 : index
    %get3A_26 = arith.constant 0 : index
    %get3A_27 = vector.load %arg6[%get3A_25, %get3A_26] : memref<1x128xf32, #tpu.memory_space<vmem>>, vector<1x128xf32>
    %add3A_28 = vector.broadcast %get3A_27 : vector<1x128xf32> to vector<2048x128xf32>
    %add3A_29 = arith.addf %dot_general3A_24, %add3A_28 : vector<2048x128xf32>
    %max3A_30 = arith.constant 0.000000e+00 : f32
    %max3A_31 = vector.broadcast %max3A_30 : f32 to vector<2048x128xf32>
    %max3A_32 = arith.maximumf %add3A_29, %max3A_31 : vector<2048x128xf32>
    %swap3A = arith.constant 0 : index
    %swap3A_33 = arith.constant 0 : index
    %swap3A_34 = vector.load %arg7[%swap3A, %swap3A_33] : memref<2048x128xf32, #tpu.memory_space<vmem>>, vector<2048x128xf32>
    tpu.vector_store %arg7[%swap3A, %swap3A_33], %max3A_32 {strides = array<i32>} : memref<2048x128xf32, #tpu.memory_space<vmem>>, vector<2048x128xf32>,
    return
  }
  func.func @transform_0(%arg0: i32) -> (i32, i32, i32) {
    %c0_i32 = arith.constant 0 : i32
    %c0_i32_0 = arith.constant 0 : i32
    %c0_i32_1 = arith.constant 0 : i32
    return %c0_i32, %arg0, %c0_i32_0 : i32, i32, i32
  }
  func.func @transform_1(%arg0: i32) -> (i32, i32, i32) {
    %c1_i32 = arith.constant 1 : i32
    %c0_i32 = arith.constant 0 : i32
    %c0_i32_0 = arith.constant 0 : i32
    return %c1_i32, %arg0, %c0_i32 : i32, i32, i32
  }
  func.func @transform_2(%arg0: i32) -> (i32, i32) {
    %c0_i32 = arith.constant 0 : i32
    %c0_i32_0 = arith.constant 0 : i32
    %c0_i32_1 = arith.constant 0 : i32
    return %c0_i32, %c0_i32_0 : i32, i32
  }
  func.func @transform_3(%arg0: i32) -> (i32, i32) {
    %c0_i32 = arith.constant 0 : i32
    %c0_i32_0 = arith.constant 0 : i32
    %c0_i32_1 = arith.constant 0 : i32
    return %c0_i32, %c0_i32_0 : i32, i32
  }
  func.func @transform_4(%arg0: i32) -> (i32, i32) {
    %c0_i32 = arith.constant 0 : i32
    %c0_i32_0 = arith.constant 0 : i32
    %c0_i32_1 = arith.constant 0 : i32
    return %c0_i32, %c0_i32_0 : i32, i32
  }
  func.func @transform_5(%arg0: i32) -> (i32, i32) {
    %c0_i32 = arith.constant 0 : i32
    %c0_i32_0 = arith.constant 0 : i32
    %c0_i32_1 = arith.constant 0 : i32
    return %c0_i32, %c0_i32_0 : i32, i32
  }
  func.func @transform_6(%arg0: i32) -> (i32, i32) {
    %c0_i32 = arith.constant 0 : i32
    %c0_i32_0 = arith.constant 0 : i32
    return %arg0, %c0_i32 : i32, i32
  }
}

module attributes {stable_mosaic.version = 14 : i64} {
  func.func @_mlp_pool_body(%arg0: i32, %arg1: memref<1x2048x128xf32, #tpu.memory_space<vmem>>, %arg2: memref<1x2048x128xf32, #tpu.memory_space<vmem>>, %arg3: memref<128x128xf32, #tpu.memory_space<vmem>>, %arg4: memref<1x128xf32, #tpu.memory_space<vmem>>, %arg5: memref<128x128xf32, #tpu.memory_space<vmem>>, %arg6: memref<1x128xf32, #tpu.memory_space<vmem>>, %arg7: memref<1x1x2048xi32, #tpu.memory_space<vmem>>, %arg8: memref<128x128xf32, #tpu.memory_space<vmem>>, %arg9: memref<1x128xf32, #tpu.memory_space<vmem>>, %arg10: memref<128x128xf32, #tpu.memory_space<vmem>>, %arg11: memref<1x128xf32, #tpu.memory_space<vmem>>, %arg12: memref<2048x128xf32, #tpu.memory_space<vmem>>, %arg13: memref<64x10xf32, #tpu.memory_space<vmem>>, %arg14: memref<64x128xf32, #tpu.memory_space<vmem>>, %arg15: memref<64x128xf32, #tpu.memory_space<vmem>>) attributes {dimension_semantics = [#tpu.dimension_semantics<arbitrary>], iteration_bounds = array<i64: 5>, scalar_prefetch = 0 : i64, scratch_operands = 2 : i64, tpu.core_type = #tpu.core_type<tc>, window_params = [{transform_indices = @transform_0, window_bounds = array<i64: 1, 2048, 128>}, {transform_indices = @transform_1, window_bounds = array<i64: 1, 2048, 128>}, {pipeline_mode = #tpu.pipeline_mode<synchronous>, transform_indices = @transform_2, window_bounds = array<i64: 128, 128>}, {pipeline_mode = #tpu.pipeline_mode<synchronous>, transform_indices = @transform_3, window_bounds = array<i64: 1, 128>}, {pipeline_mode = #tpu.pipeline_mode<synchronous>, transform_indices = @transform_4, window_bounds = array<i64: 128, 128>}, {pipeline_mode = #tpu.pipeline_mode<synchronous>, transform_indices = @transform_5, window_bounds = array<i64: 1, 128>}, {transform_indices = @transform_6, window_bounds = array<i64: 1, 1, 2048>}, {pipeline_mode = #tpu.pipeline_mode<synchronous>, transform_indices = @transform_7, window_bounds = array<i64: 128, 128>}, {pipeline_mode = #tpu.pipeline_mode<synchronous>, transform_indices = @transform_8, window_bounds = array<i64: 1, 128>}, {pipeline_mode = #tpu.pipeline_mode<synchronous>, transform_indices = @transform_9, window_bounds = array<i64: 128, 128>}, {pipeline_mode = #tpu.pipeline_mode<synchronous>, transform_indices = @transform_10, window_bounds = array<i64: 1, 128>}, {transform_indices = @transform_11, window_bounds = array<i64: 2048, 128>}, {pipeline_mode = #tpu.pipeline_mode<synchronous>, transform_indices = @transform_12, window_bounds = array<i64: 64, 10>}]} {
    %eq3A = arith.constant 0 : i32
    %eq3A_0 = arith.cmpi eq, %arg0, %eq3A : i32
    %convert_element_type3A = arith.extui %eq3A_0 : i1 to i32
    %cond3A = arith.constant 0 : i32
    %cond3A_1 = arith.cmpi ne, %convert_element_type3A, %cond3A : i32
    scf.if %cond3A_1 {
      %broadcast_in_dim3A_70 = arith.constant 0.000000e+00 : f32
      %broadcast_in_dim3A_71 = vector.broadcast %broadcast_in_dim3A_70 : f32 to vector<64x128xf32>
      %swap3A_72 = arith.constant 0 : index
      %swap3A_73 = arith.constant 0 : index
      %swap3A_74 = vector.load %arg14[%swap3A_72, %swap3A_73] : memref<64x128xf32, #tpu.memory_space<vmem>>, vector<64x128xf32>
      tpu.vector_store %arg14[%swap3A_72, %swap3A_73], %broadcast_in_dim3A_71 {strides = array<i32>} : memref<64x128xf32, #tpu.memory_space<vmem>>, vector<64x128xf32>,
      %broadcast_in_dim3A_75 = arith.constant 0.000000e+00 : f32
      %broadcast_in_dim3A_76 = vector.broadcast %broadcast_in_dim3A_75 : f32 to vector<64x128xf32>
      %swap3A_77 = arith.constant 0 : index
      %swap3A_78 = arith.constant 0 : index
      %swap3A_79 = vector.load %arg15[%swap3A_77, %swap3A_78] : memref<64x128xf32, #tpu.memory_space<vmem>>, vector<64x128xf32>
      tpu.vector_store %arg15[%swap3A_77, %swap3A_78], %broadcast_in_dim3A_76 {strides = array<i32>} : memref<64x128xf32, #tpu.memory_space<vmem>>, vector<64x128xf32>,
    } else {
    }
    %get3A = arith.constant 0 : index
    %get3A_2 = arith.constant 0 : index
    %get3A_3 = arith.constant 0 : index
    %get3A_4 = vector.load %arg1[%get3A, %get3A_2, %get3A_3] : memref<1x2048x128xf32, #tpu.memory_space<vmem>>, vector<1x2048x128xf32>
    %get3A_5 = vector.shape_cast %get3A_4 : vector<1x2048x128xf32> to vector<2048x128xf32>
    %get3A_6 = arith.constant 0 : index
    %get3A_7 = arith.constant 0 : index
    %get3A_8 = arith.constant 0 : index
    %get3A_9 = vector.load %arg2[%get3A_6, %get3A_7, %get3A_8] : memref<1x2048x128xf32, #tpu.memory_space<vmem>>, vector<1x2048x128xf32>
    %get3A_10 = vector.shape_cast %get3A_9 : vector<1x2048x128xf32> to vector<2048x128xf32>
    %add3A = arith.addf %get3A_5, %get3A_10 : vector<2048x128xf32>
    %get3A_11 = arith.constant 0 : index
    %get3A_12 = arith.constant 0 : index
    %get3A_13 = vector.load %arg3[%get3A_11, %get3A_12] : memref<128x128xf32, #tpu.memory_space<vmem>>, vector<128x128xf32>
    %dot_general3A = arith.constant dense<0.000000e+00> : vector<2048x128xf32>
    %dot_general3A_14 = tpu.matmul %add3A, %get3A_13, %dot_general3A {dimension_numbers = #tpu.dot_dimension_numbers<[1], [0], [0], [1], [0, 0, 1, 1], [], []>, transpose_lhs_hint = false} : vector<2048x128xf32>, vector<128x128xf32>, vector<2048x128xf32> -> vector<2048x128xf32>
    %get3A_15 = arith.constant 0 : index
    %get3A_16 = arith.constant 0 : index
    %get3A_17 = vector.load %arg4[%get3A_15, %get3A_16] : memref<1x128xf32, #tpu.memory_space<vmem>>, vector<1x128xf32>
    %add3A_18 = vector.broadcast %get3A_17 : vector<1x128xf32> to vector<2048x128xf32>
    %add3A_19 = arith.addf %dot_general3A_14, %add3A_18 : vector<2048x128xf32>
    %max3A = arith.constant 0.000000e+00 : f32
    %max3A_20 = vector.broadcast %max3A : f32 to vector<2048x128xf32>
    %max3A_21 = arith.maximumf %add3A_19, %max3A_20 : vector<2048x128xf32>
    %get3A_22 = arith.constant 0 : index
    %get3A_23 = arith.constant 0 : index
    %get3A_24 = vector.load %arg5[%get3A_22, %get3A_23] : memref<128x128xf32, #tpu.memory_space<vmem>>, vector<128x128xf32>
    %dot_general3A_25 = arith.constant dense<0.000000e+00> : vector<2048x128xf32>
    %dot_general3A_26 = tpu.matmul %max3A_21, %get3A_24, %dot_general3A_25 {dimension_numbers = #tpu.dot_dimension_numbers<[1], [0], [0], [1], [0, 0, 1, 1], [], []>, transpose_lhs_hint = false} : vector<2048x128xf32>, vector<128x128xf32>, vector<2048x128xf32> -> vector<2048x128xf32>
    %get3A_27 = arith.constant 0 : index
    %get3A_28 = arith.constant 0 : index
    %get3A_29 = vector.load %arg6[%get3A_27, %get3A_28] : memref<1x128xf32, #tpu.memory_space<vmem>>, vector<1x128xf32>
    %add3A_30 = vector.broadcast %get3A_29 : vector<1x128xf32> to vector<2048x128xf32>
    %add3A_31 = arith.addf %dot_general3A_26, %add3A_30 : vector<2048x128xf32>
    %swap3A = arith.constant 0 : index
    %swap3A_32 = arith.constant 0 : index
    %swap3A_33 = vector.load %arg12[%swap3A, %swap3A_32] : memref<2048x128xf32, #tpu.memory_space<vmem>>, vector<2048x128xf32>
    tpu.vector_store %arg12[%swap3A, %swap3A_32], %add3A_31 {strides = array<i32>} : memref<2048x128xf32, #tpu.memory_space<vmem>>, vector<2048x128xf32>,
    %max3A_34 = arith.constant 0.000000e+00 : f32
    %max3A_35 = vector.broadcast %max3A_34 : f32 to vector<2048x128xf32>
    %max3A_36 = arith.maximumf %add3A_31, %max3A_35 : vector<2048x128xf32>
    %get3A_37 = arith.constant 0 : index
    %get3A_38 = arith.constant 0 : index
    %get3A_39 = arith.constant 0 : index
    %get3A_40 = vector.load %arg7[%get3A_37, %get3A_38, %get3A_39] : memref<1x1x2048xi32, #tpu.memory_space<vmem>>, vector<1x1x2048xi32>
    %get3A_41 = vector.shape_cast %get3A_40 : vector<1x1x2048xi32> to vector<1x2048xi32>
    %iota3A = tpu.iota {dimensions = array<i32: 0>} : vector<64x2048xi32>
    %eq3A_42 = vector.broadcast %get3A_41 : vector<1x2048xi32> to vector<64x2048xi32>
    %eq3A_43 = arith.cmpi eq, %iota3A, %eq3A_42 : vector<64x2048xi32>
    %convert_element_type3A_44 = arith.extui %eq3A_43 : vector<64x2048xi1> to vector<64x2048xi32>
    %convert_element_type3A_45 = arith.sitofp %convert_element_type3A_44 : vector<64x2048xi32> to vector<64x2048xf32>
    %get3A_46 = arith.constant 0 : index
    %get3A_47 = arith.constant 0 : index
    %get3A_48 = vector.load %arg14[%get3A_46, %get3A_47] : memref<64x128xf32, #tpu.memory_space<vmem>>, vector<64x128xf32>
    %dot_general3A_49 = arith.constant dense<0.000000e+00> : vector<64x128xf32>
    %dot_general3A_50 = tpu.matmul %convert_element_type3A_45, %max3A_36, %dot_general3A_49 {dimension_numbers = #tpu.dot_dimension_numbers<[1], [0], [0], [1], [0, 0, 1, 1], [], []>, transpose_lhs_hint = false} : vector<64x2048xf32>, vector<2048x128xf32>, vector<64x128xf32> -> vector<64x128xf32>
    %add3A_51 = arith.addf %get3A_48, %dot_general3A_50 : vector<64x128xf32>
    %swap3A_52 = arith.constant 0 : index
    %swap3A_53 = arith.constant 0 : index
    %swap3A_54 = vector.load %arg14[%swap3A_52, %swap3A_53] : memref<64x128xf32, #tpu.memory_space<vmem>>, vector<64x128xf32>
    tpu.vector_store %arg14[%swap3A_52, %swap3A_53], %add3A_51 {strides = array<i32>} : memref<64x128xf32, #tpu.memory_space<vmem>>, vector<64x128xf32>,
    %get3A_55 = arith.constant 0 : index
    %get3A_56 = arith.constant 0 : index
    %get3A_57 = vector.load %arg15[%get3A_55, %get3A_56] : memref<64x128xf32, #tpu.memory_space<vmem>>, vector<64x128xf32>
    %broadcast_in_dim3A = arith.constant 1.000000e+00 : f32
    %broadcast_in_dim3A_58 = vector.broadcast %broadcast_in_dim3A : f32 to vector<2048x128xf32>
    %dot_general3A_59 = arith.constant dense<0.000000e+00> : vector<64x128xf32>
    %dot_general3A_60 = tpu.matmul %convert_element_type3A_45, %broadcast_in_dim3A_58, %dot_general3A_59 {dimension_numbers = #tpu.dot_dimension_numbers<[1], [0], [0], [1], [0, 0, 1, 1], [], []>, transpose_lhs_hint = false} : vector<64x2048xf32>, vector<2048x128xf32>, vector<64x128xf32> -> vector<64x128xf32>
    %add3A_61 = arith.addf %get3A_57, %dot_general3A_60 : vector<64x128xf32>
    %swap3A_62 = arith.constant 0 : index
    %swap3A_63 = arith.constant 0 : index
    %swap3A_64 = vector.load %arg15[%swap3A_62, %swap3A_63] : memref<64x128xf32, #tpu.memory_space<vmem>>, vector<64x128xf32>
    tpu.vector_store %arg15[%swap3A_62, %swap3A_63], %add3A_61 {strides = array<i32>} : memref<64x128xf32, #tpu.memory_space<vmem>>, vector<64x128xf32>,
    %eq3A_65 = arith.constant 4 : i32
    %eq3A_66 = arith.cmpi eq, %arg0, %eq3A_65 : i32
    %convert_element_type3A_67 = arith.extui %eq3A_66 : i1 to i32
    %cond3A_68 = arith.constant 0 : i32
    %cond3A_69 = arith.cmpi ne, %convert_element_type3A_67, %cond3A_68 : i32
    scf.if %cond3A_69 {
      %get3A_70 = arith.constant 0 : index
      %get3A_71 = arith.constant 0 : index
      %get3A_72 = vector.load %arg14[%get3A_70, %get3A_71] : memref<64x128xf32, #tpu.memory_space<vmem>>, vector<64x128xf32>
      %get3A_73 = arith.constant 0 : index
      %get3A_74 = arith.constant 0 : index
      %get3A_75 = vector.load %arg15[%get3A_73, %get3A_74] : memref<64x128xf32, #tpu.memory_space<vmem>>, vector<64x128xf32>
      %max3A_76 = arith.constant 1.000000e+00 : f32
      %max3A_77 = vector.broadcast %max3A_76 : f32 to vector<64x128xf32>
      %max3A_78 = arith.maximumf %get3A_75, %max3A_77 : vector<64x128xf32>
      %div3A = arith.divf %get3A_72, %max3A_78 : vector<64x128xf32>
      %get3A_79 = arith.constant 0 : index
      %get3A_80 = arith.constant 0 : index
      %get3A_81 = vector.load %arg8[%get3A_79, %get3A_80] : memref<128x128xf32, #tpu.memory_space<vmem>>, vector<128x128xf32>
      %dot_general3A_82 = arith.constant dense<0.000000e+00> : vector<64x128xf32>
      %dot_general3A_83 = tpu.matmul %div3A, %get3A_81, %dot_general3A_82 {dimension_numbers = #tpu.dot_dimension_numbers<[1], [0], [0], [1], [0, 0, 1, 1], [], []>, precision = #tpu.contract_precision<fp32>, transpose_lhs_hint = false} : vector<64x128xf32>, vector<128x128xf32>, vector<64x128xf32> -> vector<64x128xf32>
      %get3A_84 = arith.constant 0 : index
      %get3A_85 = arith.constant 0 : index
      %get3A_86 = vector.load %arg9[%get3A_84, %get3A_85] : memref<1x128xf32, #tpu.memory_space<vmem>>, vector<1x128xf32>
      %add3A_87 = vector.broadcast %get3A_86 : vector<1x128xf32> to vector<64x128xf32>
      %add3A_88 = arith.addf %dot_general3A_83, %add3A_87 : vector<64x128xf32>
      %get3A_89 = arith.constant 0 : index
      %get3A_90 = arith.constant 0 : index
      %get3A_91 = vector.load %arg10[%get3A_89, %get3A_90] : memref<128x128xf32, #tpu.memory_space<vmem>>, vector<128x128xf32>
      %dot_general3A_92 = arith.constant dense<0.000000e+00> : vector<64x128xf32>
      %dot_general3A_93 = tpu.matmul %add3A_88, %get3A_91, %dot_general3A_92 {dimension_numbers = #tpu.dot_dimension_numbers<[1], [0], [0], [1], [0, 0, 1, 1], [], []>, precision = #tpu.contract_precision<fp32>, transpose_lhs_hint = false} : vector<64x128xf32>, vector<128x128xf32>, vector<64x128xf32> -> vector<64x128xf32>
      %get3A_94 = arith.constant 0 : index
      %get3A_95 = arith.constant 0 : index
      %get3A_96 = vector.load %arg11[%get3A_94, %get3A_95] : memref<1x128xf32, #tpu.memory_space<vmem>>, vector<1x128xf32>
      %add3A_97 = vector.broadcast %get3A_96 : vector<1x128xf32> to vector<64x128xf32>
      %add3A_98 = arith.addf %dot_general3A_93, %add3A_97 : vector<64x128xf32>
      %reduce_max3A = arith.constant dense<0xFF800000> : vector<64xf32>
      %reduce_max3A_99 = vector.multi_reduction <maximumf>, %add3A_98, %reduce_max3A [1] : vector<64x128xf32> to vector<64xf32>
      %broadcast_in_dim3A_100 = vector.shape_cast %reduce_max3A_99 : vector<64xf32> to vector<64x1xf32>
      %sub3A = vector.broadcast %broadcast_in_dim3A_100 : vector<64x1xf32> to vector<64x128xf32>
      %sub3A_101 = arith.subf %add3A_98, %sub3A : vector<64x128xf32>
      %exp3A = math.exp %sub3A_101 : vector<64x128xf32>
      %reduce_sum3A = arith.constant dense<0.000000e+00> : vector<64xf32>
      %reduce_sum3A_102 = vector.multi_reduction <add>, %exp3A, %reduce_sum3A [1] : vector<64x128xf32> to vector<64xf32>
      %broadcast_in_dim3A_103 = vector.shape_cast %reduce_sum3A_102 : vector<64xf32> to vector<64x1xf32>
      %log3A = math.log %broadcast_in_dim3A_103 : vector<64x1xf32>
      %add3A_104 = arith.addf %broadcast_in_dim3A_100, %log3A : vector<64x1xf32>
      %sub3A_105 = vector.broadcast %add3A_104 : vector<64x1xf32> to vector<64x128xf32>
      %sub3A_106 = arith.subf %add3A_98, %sub3A_105 : vector<64x128xf32>
      %slice3A = vector.extract_strided_slice %sub3A_106 {offsets = [0, 0], sizes = [64, 10], strides = [1, 1]} : vector<64x128xf32> to vector<64x10xf32>
      %swap3A_107 = arith.constant 0 : index
      %swap3A_108 = arith.constant 0 : index
      %swap3A_109 = vector.load %arg13[%swap3A_107, %swap3A_108] : memref<64x10xf32, #tpu.memory_space<vmem>>, vector<64x10xf32>
      tpu.vector_store %arg13[%swap3A_107, %swap3A_108], %slice3A {strides = array<i32>} : memref<64x10xf32, #tpu.memory_space<vmem>>, vector<64x10xf32>,
    } else {
    }
    return
  }
  func.func @transform_0(%arg0: i32) -> (i32, i32, i32) {
    %c0_i32 = arith.constant 0 : i32
    %c0_i32_0 = arith.constant 0 : i32
    %c0_i32_1 = arith.constant 0 : i32
    return %c0_i32, %arg0, %c0_i32_0 : i32, i32, i32
  }
  func.func @transform_1(%arg0: i32) -> (i32, i32, i32) {
    %c1_i32 = arith.constant 1 : i32
    %c0_i32 = arith.constant 0 : i32
    %c0_i32_0 = arith.constant 0 : i32
    return %c1_i32, %arg0, %c0_i32 : i32, i32, i32
  }
  func.func @transform_2(%arg0: i32) -> (i32, i32) {
    %c0_i32 = arith.constant 0 : i32
    %c0_i32_0 = arith.constant 0 : i32
    %c0_i32_1 = arith.constant 0 : i32
    return %c0_i32, %c0_i32_0 : i32, i32
  }
  func.func @transform_3(%arg0: i32) -> (i32, i32) {
    %c0_i32 = arith.constant 0 : i32
    %c0_i32_0 = arith.constant 0 : i32
    %c0_i32_1 = arith.constant 0 : i32
    return %c0_i32, %c0_i32_0 : i32, i32
  }
  func.func @transform_4(%arg0: i32) -> (i32, i32) {
    %c0_i32 = arith.constant 0 : i32
    %c0_i32_0 = arith.constant 0 : i32
    %c0_i32_1 = arith.constant 0 : i32
    return %c0_i32, %c0_i32_0 : i32, i32
  }
  func.func @transform_5(%arg0: i32) -> (i32, i32) {
    %c0_i32 = arith.constant 0 : i32
    %c0_i32_0 = arith.constant 0 : i32
    %c0_i32_1 = arith.constant 0 : i32
    return %c0_i32, %c0_i32_0 : i32, i32
  }
  func.func @transform_6(%arg0: i32) -> (i32, i32, i32) {
    %c0_i32 = arith.constant 0 : i32
    %c0_i32_0 = arith.constant 0 : i32
    %c0_i32_1 = arith.constant 0 : i32
    return %arg0, %c0_i32, %c0_i32_0 : i32, i32, i32
  }
  func.func @transform_7(%arg0: i32) -> (i32, i32) {
    %c0_i32 = arith.constant 0 : i32
    %c0_i32_0 = arith.constant 0 : i32
    %c0_i32_1 = arith.constant 0 : i32
    return %c0_i32, %c0_i32_0 : i32, i32
  }
  func.func @transform_8(%arg0: i32) -> (i32, i32) {
    %c0_i32 = arith.constant 0 : i32
    %c0_i32_0 = arith.constant 0 : i32
    %c0_i32_1 = arith.constant 0 : i32
    return %c0_i32, %c0_i32_0 : i32, i32
  }
  func.func @transform_9(%arg0: i32) -> (i32, i32) {
    %c0_i32 = arith.constant 0 : i32
    %c0_i32_0 = arith.constant 0 : i32
    %c0_i32_1 = arith.constant 0 : i32
    return %c0_i32, %c0_i32_0 : i32, i32
  }
  func.func @transform_10(%arg0: i32) -> (i32, i32) {
    %c0_i32 = arith.constant 0 : i32
    %c0_i32_0 = arith.constant 0 : i32
    %c0_i32_1 = arith.constant 0 : i32
    return %c0_i32, %c0_i32_0 : i32, i32
  }
  func.func @transform_11(%arg0: i32) -> (i32, i32) {
    %c0_i32 = arith.constant 0 : i32
    %c0_i32_0 = arith.constant 0 : i32
    return %arg0, %c0_i32 : i32, i32
  }
  func.func @transform_12(%arg0: i32) -> (i32, i32) {
    %c0_i32 = arith.constant 0 : i32
    %c0_i32_0 = arith.constant 0 : i32
    %c0_i32_1 = arith.constant 0 : i32
    return %c0_i32, %c0_i32_0 : i32, i32
  }
}

</mosaic_0001>

<sc_bundles>
// kernel: kernel.11.cloned.1.call-start
scs
__scs_entry_jumppad:
0x0: {  	(pc) =	sbr.rel $0x88, $3  }
0x1: {  	(tag) =	ssettag $0x0;
	lr =	simm.s32 $0x1  }
0x2: {  	[smem:$0x3F8E] =	sst lr;
	_ =	strace $0xD0000000  }
0x3: {  	_ = 	snop  }
0x4: {  	_ = 	snop  }
0x5: {  	_ = 	snop  }
0x6: {  	_ = 	snop  }
0x7: {  	_ = 	snop  }
__scs_overlays_trampoline_lowered:
0x8: {  	[smem:$0x3F9D] =	sst s0  }
0x9: {  	[smem:$0x3F9E] =	sst s1  }
0xa: {  	[smem:$0x3F9F] =	sst s2  }
0xb: {  	[smem:$0x3FA0] =	sst s3  }
0xc: {  	[smem:$0x3FA1] =	sst s4  }
0xd: {  	[smem:$0x3FA2] =	sst s5  }
0xe: {  	[smem:$0x3FA3] =	sst s6  }
0xf: {  	[smem:$0x3FA4] =	sst s7  }
0x10: {  	[smem:$0x3FA5] =	sst s8  }
0x11: {  	[smem:$0x3FA6] =	sst s9;
	s0 =	simm.s32 @!p0 $0x0  }
0x12: {  	s1 =	sld [smem:$0x3F8C];
	s0 =	simm.s32 @p0 $0x1  }
0x13: {  	[smem:$0x3FA7] =	sst s0;
	s0 =	simm.s32 @!p1 $0x0  }
0x14: {  	s2 =	sld [smem:$0x3F8B];
	s0 =	simm.s32 @p1 $0x1  }
0x15: {  	[smem:$0x3FA8] =	sst s0;
	s0 =	simm.s32 @!p2 $0x0  }
0x16: {  	s3 =	sld [smem:$0x3FDB];
	s0 =	simm.s32 @p2 $0x1  }
0x17: {  	s4 =	simm.s32 $0x1BF5;
	[smem:$0x3FAA] =	sst s0  }
0x18: {  	s0 =	sld [smem:$0x3F8D];
	_ =	swait.ge [sflag:s4], $0x0  }
0x19: {  	s7 =	sld [smem:$0x3F8E]  }
0x1a: {  	s8 =	sadd.s32 $0xFFFFE003, lr  }
0x1b: {  	s9 =	sadd.s32 $0xFFFFFEF7, lr;
	s5 =	simm.s32 $0xFFFFFFFF;
	p2 =	slt.u32 s8, $0xFFFFF086  }
0x1c: {  	p1 =	slt.u32 s9, $0xF7A;
	s5 =	simm.s32 @!p2 $0x0  }
0x1d: {  	s5 =	simm.s32 @p1 $0x1;
	p0 =	seq.s32 s7, s2  }
0x1e: {  	s7 =	smul.u32 @!p0 $0xF7A, s2;
	p2 =	seq.s32 @!p0 s5, $0x0  }
0x1f: {  	s9 =	smul.u32 $0xF7A, s1;
	s8 =	simm.s32 @!p0 $0x1BF5;
	p2 =	por !p2, p0  }
0x20: {  	[sflag:s8] =	ssyncset.s32 @!p0 $0xFFFFF086;
	s6 =	sadd.s32 @!p0 s3, s7;
	s7 =	simm.s32 @!p0 $0x108  }
0x21: {  	s3 =	sadd.s32 s3, s9;
	s6 =	sadd.s32 @!p0 $0x88, s6;
	s7 =	simm.s32 @p2 $0x1082  }
0x22: {  	[simem:s7], [sflag:s8] =	dma.local @!p0 [hbm:s6], $0xF7A  }
0x23: {  	s9 =	sor.u32 $0xD0000000, s2;
	s6 =	simm.s32 $0x108;
	_ =	swait.ge @!p0 [sflag:s8], $0x0  }
0x24: {  	s3 =	sadd.s32 $0x88, s3;
	s6 =	simm.s32 @!p1 $0x1082;
	[sflag:s4] =	ssyncset.s32 $0xFFFFF086  }
0x25: {  	[simem:s6], [sflag:s4] =	dma.local [hbm:s3], $0xF7A  }
0x26: {  	[smem:$0x3F8E] =	sst s1;
	(tag) =	ssettag s2;
	_ =	strace s9  }
0x27: {  	s1 =	sld [smem:$0x3F9E]  }
0x28: {  	s2 =	sld [smem:$0x3F9F]  }
0x29: {  	s4 =	sld [smem:$0x3FA1]  }
0x2a: {  	p0 =	seq.s32 s5, $0x0;
	s5 =	sld [smem:$0x3FA2]  }
0x2b: {  	s6 =	sld [smem:$0x3FA3]  }
0x2c: {  	s7 =	sld [smem:$0x3FA4]  }
0x2d: {  	s3 =	simm.s32 $0x108;
	s8 =	sld [smem:$0x3FA5]  }
0x2e: {  	s3 =	simm.s32 @!p0 $0x1082;
	s9 =	sld [smem:$0x3FA6]  }
0x2f: {  	lr =	sadd.s32 s0, s3;
	s0 =	sld [smem:$0x3F9D]  }
0x30: {  	s3 =	sld [smem:$0x3FA0]  }
0x31: {  	[smem:$0x3FA9] =	sst s10  }
0x32: {  	s10 =	sld [smem:$0x3FA7];
	_ =	sdelay $0x3  }
0x33: {  	p0 =	seq.s32 s10, $0x1;
	s10 =	sld [smem:$0x3FA9];
	_ =	sdelay $0x3  }
0x34: {  	[smem:$0x3FA9] =	sst s10  }
0x35: {  	s10 =	sld [smem:$0x3FA8];
	_ =	sdelay $0x3  }
0x36: {  	p1 =	seq.s32 s10, $0x1;
	s10 =	sld [smem:$0x3FA9];
	_ =	sdelay $0x3  }
0x37: {  	[smem:$0x3FA9] =	sst s10  }
0x38: {  	s10 =	sld [smem:$0x3FAA]  }
0x39: {  	_ = 	snop;
	(pc) =	sbr.ind lr, $3  }
0x3a: {  	_ = 	snop  }
0x3b: {  	_ = 	snop  }
0x3c: {  	p2 =	seq.s32 s10, $0x1;
	s10 =	sld [smem:$0x3FA9]  }
0x3d: {  	_ =	shalt  }
0x3e: {  	_ =	shalt  }
0x3f: {  	_ =	shalt  }
0x40: {  	_ =	shalt  }
0x41: {  	_ =	shalt  }
0x42: {  	_ =	shalt  }
0x43: {  	_ =	shalt  }
0x44: {  	_ =	shalt  }
0x45: {  	_ =	shalt  }
0x46: {  	_ =	shalt  }
0x47: {  	_ =	shalt  }
0x48: {  	_ =	shalt  }
0x49: {  	_ =	shalt  }
0x4a: {  	_ =	shalt  }
0x4b: {  	_ =	shalt  }
0x4c: {  	_ =	shalt  }
0x4d: {  	_ =	shalt  }
0x4e: {  	_ =	shalt  }
0x4f: {  	_ =	shalt  }
0x50: {  	_ =	shalt  }
0x51: {  	_ =	shalt  }
0x52: {  	_ =	shalt  }
0x53: {  	_ =	shalt  }
0x54: {  	_ =	shalt  }
0x55: {  	_ =	shalt  }
0x56: {  	_ =	shalt  }
0x57: {  	_ =	shalt  }
0x58: {  	_ =	shalt  }
0x59: {  	_ =	shalt  }
0x5a: {  	_ =	shalt  }
0x5b: {  	_ =	shalt  }
0x5c: {  	_ =	shalt  }
0x5d: {  	_ =	shalt  }
0x5e: {  	_ =	shalt  }
0x5f: {  	_ =	shalt  }
0x60: {  	_ =	shalt  }
0x61: {  	_ =	shalt  }
0x62: {  	_ =	shalt  }
0x63: {  	_ =	shalt  }
0x64: {  	_ =	shalt  }
0x65: {  	_ =	shalt  }
0x66: {  	_ =	shalt  }
0x67: {  	_ =	shalt  }
0x68: {  	_ =	shalt  }
0x69: {  	_ =	shalt  }
0x6a: {  	_ =	shalt  }
0x6b: {  	_ =	shalt  }
0x6c: {  	_ =	shalt  }
0x6d: {  	_ =	shalt  }
0x6e: {  	_ =	shalt  }
0x6f: {  	_ =	shalt  }
0x70: {  	_ =	shalt  }
0x71: {  	_ =	shalt  }
0x72: {  	_ =	shalt  }
0x73: {  	_ =	shalt  }
0x74: {  	_ =	shalt  }
0x75: {  	_ =	shalt  }
0x76: {  	_ =	shalt  }
0x77: {  	_ =	shalt  }
0x78: {  	_ =	shalt  }
0x79: {  	_ =	shalt  }
0x7a: {  	_ =	shalt  }
0x7b: {  	_ =	shalt  }
0x7c: {  	_ =	shalt  }
0x7d: {  	_ =	shalt  }
0x7e: {  	_ =	shalt  }
0x7f: {  	_ =	shalt  }
0x80: {  	_ =	shalt  }
0x81: {  	_ =	shalt  }
0x82: {  	_ =	shalt  }
0x83: {  	_ =	shalt  }
0x84: {  	_ =	shalt  }
0x85: {  	_ =	shalt  }
0x86: {  	_ =	shalt  }
0x87: {  	_ =	shalt  }
.Lfunc_end0:
.L_simem_size_0:
called_computation.1_lowered:
.L_overlay_start_0:
0x88: {  	s2 =	sld [smem:$0x3FD9]  }
0x89: {  	s3 =	sld [smem:$0x3FFE];
	_ =	sdelay $0x1  }
0x8a: {  	s1 =	srdreg.scid  }
0x8b: {  	s0 =	sand.u32 $0x1, s1  }
0x8c: {  	s14 =	sshll.u32 s0, $0xA;
	s2 =	sadd.s32 s3, s2  }
0x8d: {  	s2 =	sadd.s32 s2, s14  }
0x8e: {  	[smem:$0x3FB5] =	sst s2  }
0x8f: {  	_ = 	snop  }
0x90: {  	s2 =	sld [smem:$0x3FD0];
	_ =	sdelay $0x2  }
0x91: {  	s15 =	simm.s32 $0xA;
	s4 =	simm.s32 $0x10  }
0x92: {  	[smem:s4], [sflag:s15] =	dma.local [hbm:s2], $0x1  }
0x93: {  	_ =	swait.eq [sflag:s15], $0x1  }
0x94: {  	[sflag:s15] =	ssyncset.done $0x0  }
0x95: {  	[sflag:s15] =	ssyncadd.s32 $0xFFFFFFFF  }
0x96: {  	s16 =	sld [smem:$0x10];
	(tm) =	ssettm $0x1  }
0x97: {  	s17 =	sld [smem:$0x3FFB];
	_ =	sdelay $0x3  }
0x98: {  	_ =	strace s17  }
0x99: {  	s3 =	sld [smem:$0x3FFC];
	_ =	sdelay $0x3  }
0x9a: {  	_ =	strace s3  }
0x9b: {  	s3 =	sld [smem:$0x3FFD];
	_ =	sdelay $0x3  }
0x9c: {  	_ =	strace s3  }
0x9d: {  	_ =	strace $0x8FFFFFFF  }
0x9e: {  	s18 =	sld [smem:$0x3FDB];
	_ =	sdelay $0x1  }
0x9f: {  	s19 =	simm.s32 $_scs_section_size  }
0xa0: {  	s5 =	simm.s32 $_size__tile_overlayer_lowered;
	s6 =	simm.s32 $_tile_overlayer_lowered  }
0xa1: {  	s22 =	simm.s32 $0x1BFF;
	s21 =	sshll.u32 s6, $0x1;
	s3 =	sadd.s32 s19, s18  }
0xa2: {  	s7 =	simm.s32 $0x0;
	s20 =	sshll.u32 s5, $0x1;
	s5 =	sadd.s32 s21, s3  }
0xa3: {  	[timem:s7], [sflag:s22] =	dma.local [hbm:s5], s20  }
0xa4: {  	_ =	swait.ge [sflag:s22], s20  }
0xa5: {  	s4 =	ssub.s32 $0x0, s20;
	[sflag:s22] =	ssyncset.done $0x0  }
0xa6: {  	[sflag:s22] =	ssyncadd.s32 s4;
	_ =	sdelay $0x1  }
0xa7: {  	s23 =	simm.s32 $0x1B8B  }
0xa8: {  	_ =	swait.ge [sflag:s23], $0x1  }
0xa9: {  	[sflag:s23] =	ssyncset.done $0x0  }
0xaa: {  	s25 =	simm.s32 $0x1B8E;
	s24 =	sld [smem:$0x3FFE];
	[sflag:s23] =	ssyncadd.s32 $0xFFFFFFFF  }
0xab: {  	s26 =	simm.s32 $execute0_lowered;
	[smem:$0x3FD2] =	sst s25  }
0xac: {  	s5 =	sshll.u32 s26, $0x1;
	_ =	strace $0x80000049;
	[dreg:$0x1] =	wrdreg $0xFFFFFFFF  }
0xad: {  	s28 =	simm.s32 $_size_execute0_lowered;
	s3 =	sadd.s32 s3, s5;
	[dreg:$0x0] =	wrdreg $0x0  }
0xae: {  	s5 =	sshll.u32 s28, $0x1;
	[dreg:$0x2] =	wrdreg s3  }
0xaf: {  	[dreg:$0x3] =	wrdreg s5  }
0xb0: {  	[dreg:$0x4] =	wrdreg $0xC0  }
0xb1: {  	_ =	task [dreg:s7], $0x5FFFF  }
0xb2: {  	[dreg:$0x1] =	wrdreg $0xFFFFFFFF  }
0xb3: {  	[dreg:$0x0] =	wrdreg $0x60  }
0xb4: {  	[dreg:$0x2] =	wrdreg s24  }
0xb5: {  	[dreg:$0x3] =	wrdreg s16  }
0xb6: {  	[dreg:$0x4] =	wrdreg $0xA9000  }
0xb7: {  	[dreg:$0x5] =	wrdreg $0x9  }
0xb8: {  	_ =	task.clear_ibuf [dreg:s7], $0x6FFFF;
	_ =	strace $0x90000049  }
0xb9: {  	s29 =	simm.s32 $0x9;
	_ =	strace $0x8000004B  }
0xba: {  	_ =	swait.ge [sflag:s29], $0x1  }
0xbb: {  	[sflag:s29] =	ssyncadd.s32 $0xFFFFFFFF  }
0xbc: {  	_ =	strace $0x9000004B  }
0xbd: {  	_ =	sfence  }
0xbe: {  	s30 =	sld [smem:$0x0];
	_ =	sdelay $0x2  }
0xbf: {  	s31 =	sshll.u32 s1, $0xD;
	s1 =	sshrl.u32 s1, $0x2  }
0xc0: {  	s3 =	sand.u32 $0x4000, s31;
	s1 =	sadd.s32 s1, s30  }
0xc1: {  	s0 =	sor.u32 s3, s0;
	s1 =	sshll.u32 s1, $0x11  }
0xc2: {  	s0 =	sor.u32 s1, s0  }
0xc3: {  	s0 =	sadd.s32 $0x8F2B, s0  }
0xc4: {  	[sflag:s0] =	ssyncadd.remote.s32 $0x1  }
0xc5: {  	_ =	sfence.sel $0xFFFF  }
0xc6: {  	[dreg:$0x0] =	wrdreg $0xFFFFFFFF;
	(pc) =	sbr.abs _section_cstart, $3  }
0xc7: {  	[dreg:$0x1] =	wrdreg $0xFFFFFFFF  }
0xc8: {  	_ =	task.clear_ibuf [dreg:s7], $0x2FFFF;
	_ =	strace $0x9FFFFFFF  }
0xc9: {  	(tm) =	ssettm $0x7FFFFFFF  }
tec
execute0_lowered:
.L_overlay_start_1:
0x0: {  	(tag) =	ssettag $0x1  }
0x1: {  	s7 =	rddreg [dreg:$0x0]  }
0x2: {  	s8 =	rddreg [dreg:$0x1]  }
0x3: {  	s1 =	rddreg [dreg:$0x2];
	s3 =	simm.s32 $0x0;
	s2 =	srdreg.scid  }
0x4: {  	s15 =	simm.s32 $0x80;
	s16 =	simm.s32 $0x2900;
	s17 =	simm.s32 $0x2880  }
0x5: {  	s18 =	simm.s32 $0x6900;
	s22 =	simm.s32 $0x1;
	s23 =	simm.s32 $0x4  }
0x6: {  	[smem:$0x7FF] =	sst s3;
	s13 =	sand.u32 $0x1, s2;
	s2 =	stileid.u32  }
0x7: {  	s4 =	sadd.s32 $0x10600, s7;
	s5 =	sadd.s32 $0x3E00, s7;
	s6 =	smul.u32 $0x140000, s13  }
0x8: {  	s19 =	sadd.s32 $0xDE00, s7;
	_ =	strace $0x8000004A;
	s9 =	smul.u32 $0x14000, s2  }
0x9: {  	s10 =	sshll.u32 s2, $0x1;
	s11 =	ssub.s32 $0x2, s13;
	s28 =	smul.u32 $0x50000, s2  }
0xa: {  	s30 =	smul.u32 $0x2800, s2;
	p0 =	sne.s32 s13, $0x0;
	s21 =	sshll.u32 s2, $0x6  }
0xb: {  	s24 =	sor.u32 s13, s10;
	s26 =	sshrl.u32 s11, $0x1;
	s13 =	simm.s32 $0x5  }
0xc: {  	s6 =	sadd.s32 s9, s6;
	s14 =	ssub.s32 s11, s26;
	s31 =	sshrl.u32 s28, $0x2  }
0xd: {  	s10 =	sadd.s32 s4, s30;
	s25 =	sshrl.u32 s6, $0x3;
	s6 =	smul.u32 $0x2800, s24  }
0xe: {  	s20 =	sadd.s32 s31, s1;
	s10 =	smov.u32 @p0 s19;
	s19 =	sor.u32 $0x1C05, s21  }
0xf: {  	s21 =	simm.s32 $0x3;
	s24 =	simm.s32 $0x2;
	s12 =	sadd.s32 s25, s7  }
0x10: {  	s20 =	sshrl.u32 s20, $0x3;
	s25 =	simm.s32 $0x0;
	s29 =	sshrl.u32 s6, $0x3  }
0x11: {  	s11 =	sadd.s32 $0x38600, s12;
	s7 =	sadd.s32 s8, s29;
	s8 =	sadd.s32 s5, s29  }
0x12: {  	s12 =	smax.u32 s14, $0x1;
	s14 =	simm.s32 $0x2800;
	s9 =	sadd.s32 $0x10, s8  }
.LBB2_1:
0x13: {  	[tilespmem:s3], [sflag:$0x5] =	stream.linear.gather [hbm4b:s7+s3], $0x2800, $0x38;
	[tilespmem:$0x1E900] =	vst v63  }
0x14: {  	_ =	swait.ge [sflag:s13], $0x2800  }
0x15: {  	[sflag:s13] =	ssyncset.done $0x0  }
0x16: {  	[sflag:s13] =	ssyncadd.s32 $0xFFFFD800  }
0x17: {  	[tilespmem:s14], [sflag:$0x3] =	stream.linear.gather [hbm4b:s8+s3], $0x80, $0x38;
	[tilespmem:$0x1E900] =	vst v63  }
0x18: {  	_ = 	snop  }
0x19: {  	[tilespmem:s16], [sflag:$0x1] =	stream.indirect.gather [hbm4b:s4+s15], $0x80, s3, s15, $0xb8;
	[tilespmem:$0x1E900] =	vst v63  }
0x1a: {  	_ = 	snop  }
0x1b: {  	[tilespmem:s17], [sflag:$0x4] =	stream.linear.gather [hbm4b:s9+s3], $0x80, $0x38;
	[tilespmem:$0x1E900] =	vst v63  }
0x1c: {  	_ = 	snop  }
0x1d: {  	[tilespmem:s18], [sflag:$0x2] =	stream.indirect.gather [hbm4b:s4+s15], $0x80, s15, s15, $0xb8;
	[tilespmem:$0x1E900] =	vst v63  }
0x1e: {  	[spmem:s20], [sflag:s19] =	dma.local [hbm:s10], $0x2800  }
0x1f: {  	_ =	swait.ge [sflag:s13], $0x2800  }
0x20: {  	[sflag:s13] =	ssyncset.done $0x0  }
0x21: {  	[sflag:s13] =	ssyncadd.s32 $0xFFFFD800  }
0x22: {  	[bflag:$0x0] =	sbarrier.arrive $0xFFFF  }
0x23: {  	_ =	swait.ge [sflag:s21], $0x80  }
0x24: {  	[sflag:s21] =	ssyncset.done $0x0  }
0x25: {  	[sflag:s21] =	ssyncadd.s32 $0xFFFFFF80  }
0x26: {  	s26 =	simm.s32 $0x100;
	_ =	swait.ge [sflag:s22], $0x4000  }
0x27: {  	s28 =	sand.u32 $0x7C00, s26;
	[sflag:s22] =	ssyncset.done $0x0  }
0x28: {  	s26 =	sand.u32 $0x300, s26;
	s28 =	sadd.s32 s6, s28;
	[sflag:s22] =	ssyncadd.s32 $0xFFFFC000  }
0x29: {  	[spmem:s1] =	stream.indirect.scatter.add.f32 [tilespmem:s16], [sflag:$0x5], $0x80, s14, s15, $0xb8;
	[tilespmem:$0x1E900] =	vst v63  }
0x2a: {  	s26 =	sor.u32 s26, s28;
	_ =	swait.ge [sflag:s13], $0x4000  }
0x2b: {  	s26 =	sshrl.u32 s26, $0x3;
	[sflag:s13] =	ssyncset.done $0x0  }
0x2c: {  	s26 =	sadd.s32 s5, s26;
	[sflag:s13] =	ssyncadd.s32 $0xFFFFC000  }
0x2d: {  	[tilespmem:s14], [sflag:$0x3] =	stream.linear.gather [hbm4b:s26+s3], $0x80, $0x38;
	[tilespmem:$0x1E900] =	vst v63  }
0x2e: {  	s30 =	simm.s32 $0x100  }
0x2f: {  	[tilespmem:s16], [sflag:$0x1] =	stream.indirect.gather [hbm4b:s4+s15], $0x80, s30, s15, $0xb8;
	[tilespmem:$0x1E900] =	vst v63  }
0x30: {  	_ =	swait.ge [sflag:s23], $0x80  }
0x31: {  	[sflag:s23] =	ssyncset.done $0x0  }
0x32: {  	[sflag:s23] =	ssyncadd.s32 $0xFFFFFF80  }
0x33: {  	s31 =	simm.s32 $0x180;
	_ =	swait.ge [sflag:s24], $0x4000  }
0x34: {  	s28 =	sand.u32 $0x7C00, s31;
	[sflag:s24] =	ssyncset.done $0x0  }
0x35: {  	s28 =	sadd.s32 s6, s28;
	s26 =	sand.u32 $0x380, s31;
	[sflag:s24] =	ssyncadd.s32 $0xFFFFC000  }
0x36: {  	[spmem:s1] =	stream.indirect.scatter.add.f32 [tilespmem:s18], [sflag:$0x5], $0x80, s17, s15, $0xb8;
	[tilespmem:$0x1E900] =	vst v63  }
0x37: {  	s26 =	sor.u32 s26, s28;
	_ =	swait.ge [sflag:s13], $0x4000  }
0x38: {  	s26 =	sshrl.u32 s26, $0x3;
	[sflag:s13] =	ssyncset.done $0x0  }
0x39: {  	s26 =	sadd.s32 s5, s26;
	[sflag:s13] =	ssyncadd.s32 $0xFFFFC000  }
0x3a: {  	[tilespmem:s17], [sflag:$0x4] =	stream.linear.gather [hbm4b:s26+s3], $0x80, $0x38;
	[tilespmem:$0x1E900] =	vst v63  }
0x3b: {  	s29 =	simm.s32 $0x200;
	s28 =	simm.s32 $0x180;
	s26 =	simm.s32 $0x280  }
.LBB2_2:
0x3c: {  	s30 =	sadd.s32 $0x80, s29  }
0x3d: {  	p0 =	sne.s32 s26, $0x2780;
	s31 =	smov.u32 s26;
	s26 =	sadd.s32 $0x100, s26  }
0x3e: {  	[tilespmem:s18], [sflag:$0x2] =	stream.indirect.gather [hbm4b:s4+s15], $0x80, s28, s15, $0xb8;
	[tilespmem:$0x1E900] =	vst v63  }
0x3f: {  	s28 =	smov.u32 s30;
	_ =	swait.ge [sflag:s21], $0x80  }
0x40: {  	[sflag:s21] =	ssyncset.done $0x0  }
0x41: {  	[sflag:s21] =	ssyncadd.s32 $0xFFFFFF80  }
0x42: {  	_ =	swait.ge [sflag:s22], $0x4000  }
0x43: {  	s30 =	sadd.s32 $0xFFFFFF80, s31;
	[sflag:s22] =	ssyncset.done $0x0  }
0x44: {  	s0 =	sand.u32 $0x7C00, s30;
	s30 =	sand.u32 $0x300, s30;
	[sflag:s22] =	ssyncadd.s32 $0xFFFFC000  }
0x45: {  	[spmem:s1] =	stream.indirect.scatter.add.f32 [tilespmem:s16], [sflag:$0x5], $0x80, s14, s15, $0xb8;
	[tilespmem:$0x1E900] =	vst v63  }
0x46: {  	s0 =	sadd.s32 s6, s0;
	_ =	swait.ge [sflag:s13], $0x4000  }
0x47: {  	s0 =	sor.u32 s30, s0;
	[sflag:s13] =	ssyncset.done $0x0  }
0x48: {  	s0 =	sshrl.u32 s0, $0x3;
	[sflag:s13] =	ssyncadd.s32 $0xFFFFC000  }
0x49: {  	s0 =	sadd.s32 s5, s0  }
0x4a: {  	[tilespmem:s14], [sflag:$0x3] =	stream.linear.gather [hbm4b:s0+s3], $0x80, $0x38;
	[tilespmem:$0x1E900] =	vst v63  }
0x4b: {  	_ = 	snop  }
0x4c: {  	[tilespmem:s16], [sflag:$0x1] =	stream.indirect.gather [hbm4b:s4+s15], $0x80, s29, s15, $0xb8;
	[tilespmem:$0x1E900] =	vst v63  }
0x4d: {  	_ =	swait.ge [sflag:s23], $0x80  }
0x4e: {  	[sflag:s23] =	ssyncset.done $0x0  }
0x4f: {  	[sflag:s23] =	ssyncadd.s32 $0xFFFFFF80  }
0x50: {  	_ =	swait.ge [sflag:s24], $0x4000  }
0x51: {  	s0 =	sand.u32 $0x7C00, s31;
	[sflag:s24] =	ssyncset.done $0x0  }
0x52: {  	s30 =	sand.u32 $0x380, s31;
	s0 =	sadd.s32 s6, s0;
	[sflag:s24] =	ssyncadd.s32 $0xFFFFC000  }
0x53: {  	[spmem:s1] =	stream.indirect.scatter.add.f32 [tilespmem:s18], [sflag:$0x5], $0x80, s17, s15, $0xb8;
	[tilespmem:$0x1E900] =	vst v63  }
.Ltmp0:
0x54: {  	_ = 	snop;
	(pc) =	sbr.rel @p0 .LBB2_2-.Ltmp0, $4  }
0x55: {  	s0 =	sor.u32 s30, s0;
	_ =	swait.ge [sflag:s13], $0x4000  }
0x56: {  	s0 =	sshrl.u32 s0, $0x3;
	[sflag:s13] =	ssyncset.done $0x0  }
0x57: {  	s29 =	sadd.s32 $0x100, s29;
	s0 =	sadd.s32 s5, s0;
	[sflag:s13] =	ssyncadd.s32 $0xFFFFC000  }
0x58: {  	[tilespmem:s17], [sflag:$0x4] =	stream.linear.gather [hbm4b:s0+s3], $0x80, $0x38;
	[tilespmem:$0x1E900] =	vst v63  }
0x59: {  	[tilespmem:s18], [sflag:$0x2] =	stream.indirect.gather [hbm4b:s4+s15], $0x80, s28, s15, $0xb8;
	[tilespmem:$0x1E900] =	vst v63  }
0x5a: {  	_ =	swait.ge [sflag:s21], $0x80  }
0x5b: {  	[sflag:s21] =	ssyncset.done $0x0  }
0x5c: {  	[sflag:s21] =	ssyncadd.s32 $0xFFFFFF80  }
0x5d: {  	_ =	swait.ge [sflag:s22], $0x4000  }
0x5e: {  	[sflag:s22] =	ssyncset.done $0x0  }
0x5f: {  	[sflag:s22] =	ssyncadd.s32 $0xFFFFC000  }
0x60: {  	[spmem:s1] =	stream.indirect.scatter.add.f32 [tilespmem:s16], [sflag:$0x5], $0x80, s14, s15, $0xb8;
	[tilespmem:$0x1E900] =	vst v63  }
0x61: {  	_ =	swait.ge [sflag:s13], $0x4000  }
0x62: {  	[sflag:s13] =	ssyncset.done $0x0  }
0x63: {  	[sflag:s13] =	ssyncadd.s32 $0xFFFFC000  }
0x64: {  	_ =	swait.ge [sflag:s23], $0x80  }
0x65: {  	[sflag:s23] =	ssyncset.done $0x0  }
0x66: {  	[sflag:s23] =	ssyncadd.s32 $0xFFFFFF80  }
0x67: {  	_ =	swait.ge [sflag:s24], $0x4000  }
0x68: {  	[sflag:s24] =	ssyncset.done $0x0  }
0x69: {  	[sflag:s24] =	ssyncadd.s32 $0xFFFFC000  }
0x6a: {  	[spmem:s1] =	stream.indirect.scatter.add.f32 [tilespmem:s18], [sflag:$0x5], $0x80, s17, s15, $0xb8;
	[tilespmem:$0x1E900] =	vst v63  }
0x6b: {  	_ =	swait.ge [sflag:s13], $0x4000  }
0x6c: {  	s25 =	sadd.s32 $0x1, s25;
	[sflag:s13] =	ssyncset.done $0x0  }
0x6d: {  	p0 =	sne.s32 s25, s12;
	[sflag:s13] =	ssyncadd.s32 $0xFFFFC000  }
.Ltmp1:
0x6e: {  	[bflag:$0x0] =	sbarrier.arrive $0xFFFF;
	(pc) =	sbr.rel @p0 .LBB2_1-.Ltmp1, $4  }
0x6f: {  	[hbm:s11], [sflag:s19] =	dma.local [spmem:s20], $0x2800  }
0x70: {  	_ =	swait.ge [sflag:s13], $0x2800  }
0x71: {  	[sflag:s13] =	ssyncset.done $0x0  }
0x72: {  	[sflag:s13] =	ssyncadd.s32 $0xFFFFD800  }
0x73: {  	_ =	sfence.sel $0x180000  }
0x74: {  	[bflag:$0x0] =	sbarrier.arrive $0xFFFF  }
0x75: {  	_ =	strace $0x9000004A  }
0x76: {  	[bflag:$0x2] =	sbarrier.arrive $0xFFFF  }
0x77: {  	p0 =	sne.s32 s2, $0x0;
	s0 =	rddreg [dreg:$0x3]  }
0x78: {  	s0 =	sadd.s32 @!p0 $0x100000, s0  }
0x79: {  	[sflag:s0] =	ssyncadd.tile.s32 @!p0 $0x1;
	_ =	shalt  }
.Lfunc_end2:
_tile_overlayer_lowered:
.L_overlay_start_2:
0x7a: {  	(tag) =	ssettag $0x2  }
0x7b: {  	s0 =	rddreg [dreg:$0x0];
	s2 =	stileid.u32  }
0x7c: {  	s1 =	rddreg [dreg:$0x1];
	p0 =	sne.s32 s2, $0x0  }
0x7d: {  	s3 =	rddreg [dreg:$0x2];
	[bflag:$0x3] =	sbarrier.arrive $0xFFFF;
	s2 =	simm.s32 @!p0 $0x1C05  }
0x7e: {  	[timem:s3], [sflag:s2] =	dma.local @!p0 [hbm:s0], s1  }
0x7f: {  	s0 =	simm.s32 @!p0 $0x5  }
0x80: {  	_ =	swait.ge @!p0 [sflag:s0], s1  }
0x81: {  	s1 =	ssub.s32 @!p0 $0x0, s1;
	[sflag:s0] =	ssyncset.done @!p0 $0x0  }
0x82: {  	[sflag:s0] =	ssyncadd.s32 @!p0 s1  }
0x83: {  	[bflag:$0x3] =	sbarrier.arrive $0xFFFF  }
0x84: {  	_ =	shalt  }

// kernel: kernel.14.cloned.1.call-start
scs
__scs_entry_jumppad:
0x0: {  	(pc) =	sbr.rel $0x88, $3  }
0x1: {  	(tag) =	ssettag $0x0;
	lr =	simm.s32 $0x1  }
0x2: {  	[smem:$0x3F8E] =	sst lr;
	_ =	strace $0xD0000000  }
0x3: {  	_ = 	snop  }
0x4: {  	_ = 	snop  }
0x5: {  	_ = 	snop  }
0x6: {  	_ = 	snop  }
0x7: {  	_ = 	snop  }
__scs_overlays_trampoline_lowered:
0x8: {  	[smem:$0x3F9D] =	sst s0  }
0x9: {  	[smem:$0x3F9E] =	sst s1  }
0xa: {  	[smem:$0x3F9F] =	sst s2  }
0xb: {  	[smem:$0x3FA0] =	sst s3  }
0xc: {  	[smem:$0x3FA1] =	sst s4  }
0xd: {  	[smem:$0x3FA2] =	sst s5  }
0xe: {  	[smem:$0x3FA3] =	sst s6  }
0xf: {  	[smem:$0x3FA4] =	sst s7  }
0x10: {  	[smem:$0x3FA5] =	sst s8  }
0x11: {  	[smem:$0x3FA6] =	sst s9;
	s0 =	simm.s32 @!p0 $0x0  }
0x12: {  	s1 =	sld [smem:$0x3F8C];
	s0 =	simm.s32 @p0 $0x1  }
0x13: {  	[smem:$0x3FA7] =	sst s0;
	s0 =	simm.s32 @!p1 $0x0  }
0x14: {  	s2 =	sld [smem:$0x3F8B];
	s0 =	simm.s32 @p1 $0x1  }
0x15: {  	[smem:$0x3FA8] =	sst s0;
	s0 =	simm.s32 @!p2 $0x0  }
0x16: {  	s3 =	sld [smem:$0x3FDB];
	s0 =	simm.s32 @p2 $0x1  }
0x17: {  	s4 =	simm.s32 $0x1BF5;
	[smem:$0x3FAA] =	sst s0  }
0x18: {  	s0 =	sld [smem:$0x3F8D];
	_ =	swait.ge [sflag:s4], $0x0  }
0x19: {  	s7 =	sld [smem:$0x3F8E]  }
0x1a: {  	s8 =	sadd.s32 $0xFFFFE003, lr  }
0x1b: {  	s9 =	sadd.s32 $0xFFFFFEF7, lr;
	s5 =	simm.s32 $0xFFFFFFFF;
	p2 =	slt.u32 s8, $0xFFFFF086  }
0x1c: {  	p1 =	slt.u32 s9, $0xF7A;
	s5 =	simm.s32 @!p2 $0x0  }
0x1d: {  	s5 =	simm.s32 @p1 $0x1;
	p0 =	seq.s32 s7, s2  }
0x1e: {  	s7 =	smul.u32 @!p0 $0xF7A, s2;
	p2 =	seq.s32 @!p0 s5, $0x0  }
0x1f: {  	s9 =	smul.u32 $0xF7A, s1;
	s8 =	simm.s32 @!p0 $0x1BF5;
	p2 =	por !p2, p0  }
0x20: {  	[sflag:s8] =	ssyncset.s32 @!p0 $0xFFFFF086;
	s6 =	sadd.s32 @!p0 s3, s7;
	s7 =	simm.s32 @!p0 $0x108  }
0x21: {  	s3 =	sadd.s32 s3, s9;
	s6 =	sadd.s32 @!p0 $0x88, s6;
	s7 =	simm.s32 @p2 $0x1082  }
0x22: {  	[simem:s7], [sflag:s8] =	dma.local @!p0 [hbm:s6], $0xF7A  }
0x23: {  	s9 =	sor.u32 $0xD0000000, s2;
	s6 =	simm.s32 $0x108;
	_ =	swait.ge @!p0 [sflag:s8], $0x0  }
0x24: {  	s3 =	sadd.s32 $0x88, s3;
	s6 =	simm.s32 @!p1 $0x1082;
	[sflag:s4] =	ssyncset.s32 $0xFFFFF086  }
0x25: {  	[simem:s6], [sflag:s4] =	dma.local [hbm:s3], $0xF7A  }
0x26: {  	[smem:$0x3F8E] =	sst s1;
	(tag) =	ssettag s2;
	_ =	strace s9  }
0x27: {  	s1 =	sld [smem:$0x3F9E]  }
0x28: {  	s2 =	sld [smem:$0x3F9F]  }
0x29: {  	s4 =	sld [smem:$0x3FA1]  }
0x2a: {  	p0 =	seq.s32 s5, $0x0;
	s5 =	sld [smem:$0x3FA2]  }
0x2b: {  	s6 =	sld [smem:$0x3FA3]  }
0x2c: {  	s7 =	sld [smem:$0x3FA4]  }
0x2d: {  	s3 =	simm.s32 $0x108;
	s8 =	sld [smem:$0x3FA5]  }
0x2e: {  	s3 =	simm.s32 @!p0 $0x1082;
	s9 =	sld [smem:$0x3FA6]  }
0x2f: {  	lr =	sadd.s32 s0, s3;
	s0 =	sld [smem:$0x3F9D]  }
0x30: {  	s3 =	sld [smem:$0x3FA0]  }
0x31: {  	[smem:$0x3FA9] =	sst s10  }
0x32: {  	s10 =	sld [smem:$0x3FA7];
	_ =	sdelay $0x3  }
0x33: {  	p0 =	seq.s32 s10, $0x1;
	s10 =	sld [smem:$0x3FA9];
	_ =	sdelay $0x3  }
0x34: {  	[smem:$0x3FA9] =	sst s10  }
0x35: {  	s10 =	sld [smem:$0x3FA8];
	_ =	sdelay $0x3  }
0x36: {  	p1 =	seq.s32 s10, $0x1;
	s10 =	sld [smem:$0x3FA9];
	_ =	sdelay $0x3  }
0x37: {  	[smem:$0x3FA9] =	sst s10  }
0x38: {  	s10 =	sld [smem:$0x3FAA]  }
0x39: {  	_ = 	snop;
	(pc) =	sbr.ind lr, $3  }
0x3a: {  	_ = 	snop  }
0x3b: {  	_ = 	snop  }
0x3c: {  	p2 =	seq.s32 s10, $0x1;
	s10 =	sld [smem:$0x3FA9]  }
0x3d: {  	_ =	shalt  }
0x3e: {  	_ =	shalt  }
0x3f: {  	_ =	shalt  }
0x40: {  	_ =	shalt  }
0x41: {  	_ =	shalt  }
0x42: {  	_ =	shalt  }
0x43: {  	_ =	shalt  }
0x44: {  	_ =	shalt  }
0x45: {  	_ =	shalt  }
0x46: {  	_ =	shalt  }
0x47: {  	_ =	shalt  }
0x48: {  	_ =	shalt  }
0x49: {  	_ =	shalt  }
0x4a: {  	_ =	shalt  }
0x4b: {  	_ =	shalt  }
0x4c: {  	_ =	shalt  }
0x4d: {  	_ =	shalt  }
0x4e: {  	_ =	shalt  }
0x4f: {  	_ =	shalt  }
0x50: {  	_ =	shalt  }
0x51: {  	_ =	shalt  }
0x52: {  	_ =	shalt  }
0x53: {  	_ =	shalt  }
0x54: {  	_ =	shalt  }
0x55: {  	_ =	shalt  }
0x56: {  	_ =	shalt  }
0x57: {  	_ =	shalt  }
0x58: {  	_ =	shalt  }
0x59: {  	_ =	shalt  }
0x5a: {  	_ =	shalt  }
0x5b: {  	_ =	shalt  }
0x5c: {  	_ =	shalt  }
0x5d: {  	_ =	shalt  }
0x5e: {  	_ =	shalt  }
0x5f: {  	_ =	shalt  }
0x60: {  	_ =	shalt  }
0x61: {  	_ =	shalt  }
0x62: {  	_ =	shalt  }
0x63: {  	_ =	shalt  }
0x64: {  	_ =	shalt  }
0x65: {  	_ =	shalt  }
0x66: {  	_ =	shalt  }
0x67: {  	_ =	shalt  }
0x68: {  	_ =	shalt  }
0x69: {  	_ =	shalt  }
0x6a: {  	_ =	shalt  }
0x6b: {  	_ =	shalt  }
0x6c: {  	_ =	shalt  }
0x6d: {  	_ =	shalt  }
0x6e: {  	_ =	shalt  }
0x6f: {  	_ =	shalt  }
0x70: {  	_ =	shalt  }
0x71: {  	_ =	shalt  }
0x72: {  	_ =	shalt  }
0x73: {  	_ =	shalt  }
0x74: {  	_ =	shalt  }
0x75: {  	_ =	shalt  }
0x76: {  	_ =	shalt  }
0x77: {  	_ =	shalt  }
0x78: {  	_ =	shalt  }
0x79: {  	_ =	shalt  }
0x7a: {  	_ =	shalt  }
0x7b: {  	_ =	shalt  }
0x7c: {  	_ =	shalt  }
0x7d: {  	_ =	shalt  }
0x7e: {  	_ =	shalt  }
0x7f: {  	_ =	shalt  }
0x80: {  	_ =	shalt  }
0x81: {  	_ =	shalt  }
0x82: {  	_ =	shalt  }
0x83: {  	_ =	shalt  }
0x84: {  	_ =	shalt  }
0x85: {  	_ =	shalt  }
0x86: {  	_ =	shalt  }
0x87: {  	_ =	shalt  }
.Lfunc_end0:
.L_simem_size_0:
called_computation.2_lowered:
.L_overlay_start_0:
0x88: {  	s2 =	sld [smem:$0x3FD9]  }
0x89: {  	s3 =	sld [smem:$0x3FFE];
	_ =	sdelay $0x1  }
0x8a: {  	s1 =	srdreg.scid  }
0x8b: {  	s0 =	sand.u32 $0x1, s1  }
0x8c: {  	s14 =	sshll.u32 s0, $0xA;
	s2 =	sadd.s32 s3, s2  }
0x8d: {  	s2 =	sadd.s32 s2, s14  }
0x8e: {  	[smem:$0x3FB5] =	sst s2  }
0x8f: {  	_ = 	snop  }
0x90: {  	s2 =	sld [smem:$0x3FD0];
	_ =	sdelay $0x2  }
0x91: {  	s15 =	simm.s32 $0xA;
	s4 =	simm.s32 $0x10  }
0x92: {  	[smem:s4], [sflag:s15] =	dma.local [hbm:s2], $0x1  }
0x93: {  	_ =	swait.eq [sflag:s15], $0x1  }
0x94: {  	[sflag:s15] =	ssyncset.done $0x0  }
0x95: {  	[sflag:s15] =	ssyncadd.s32 $0xFFFFFFFF  }
0x96: {  	s16 =	sld [smem:$0x10];
	(tm) =	ssettm $0x1  }
0x97: {  	s17 =	sld [smem:$0x3FFB];
	_ =	sdelay $0x3  }
0x98: {  	_ =	strace s17  }
0x99: {  	s3 =	sld [smem:$0x3FFC];
	_ =	sdelay $0x3  }
0x9a: {  	_ =	strace s3  }
0x9b: {  	s3 =	sld [smem:$0x3FFD];
	_ =	sdelay $0x3  }
0x9c: {  	_ =	strace s3  }
0x9d: {  	_ =	strace $0x8FFFFFFF  }
0x9e: {  	s18 =	sld [smem:$0x3FDB];
	_ =	sdelay $0x1  }
0x9f: {  	s19 =	simm.s32 $_scs_section_size  }
0xa0: {  	s5 =	simm.s32 $_size__tile_overlayer_lowered;
	s6 =	simm.s32 $_tile_overlayer_lowered  }
0xa1: {  	s22 =	simm.s32 $0x1BFF;
	s21 =	sshll.u32 s6, $0x1;
	s3 =	sadd.s32 s19, s18  }
0xa2: {  	s7 =	simm.s32 $0x0;
	s20 =	sshll.u32 s5, $0x1;
	s5 =	sadd.s32 s21, s3  }
0xa3: {  	[timem:s7], [sflag:s22] =	dma.local [hbm:s5], s20  }
0xa4: {  	_ =	swait.ge [sflag:s22], s20  }
0xa5: {  	s4 =	ssub.s32 $0x0, s20;
	[sflag:s22] =	ssyncset.done $0x0  }
0xa6: {  	[sflag:s22] =	ssyncadd.s32 s4;
	_ =	sdelay $0x1  }
0xa7: {  	s23 =	simm.s32 $0x1B8B  }
0xa8: {  	_ =	swait.ge [sflag:s23], $0x1  }
0xa9: {  	[sflag:s23] =	ssyncset.done $0x0  }
0xaa: {  	s25 =	simm.s32 $0x1B8E;
	s24 =	sld [smem:$0x3FFE];
	[sflag:s23] =	ssyncadd.s32 $0xFFFFFFFF  }
0xab: {  	s26 =	simm.s32 $execute0_lowered;
	[smem:$0x3FD2] =	sst s25  }
0xac: {  	s5 =	sshll.u32 s26, $0x1;
	_ =	strace $0x8000004C;
	[dreg:$0x1] =	wrdreg $0xFFFFFFFF  }
0xad: {  	s28 =	simm.s32 $_size_execute0_lowered;
	s3 =	sadd.s32 s3, s5;
	[dreg:$0x0] =	wrdreg $0x0  }
0xae: {  	s5 =	sshll.u32 s28, $0x1;
	[dreg:$0x2] =	wrdreg s3  }
0xaf: {  	[dreg:$0x3] =	wrdreg s5  }
0xb0: {  	[dreg:$0x4] =	wrdreg $0xC0  }
0xb1: {  	_ =	task [dreg:s7], $0x5FFFF  }
0xb2: {  	[dreg:$0x1] =	wrdreg $0xFFFFFFFF  }
0xb3: {  	[dreg:$0x0] =	wrdreg $0x60  }
0xb4: {  	[dreg:$0x2] =	wrdreg s24  }
0xb5: {  	[dreg:$0x3] =	wrdreg s16  }
0xb6: {  	[dreg:$0x4] =	wrdreg $0xA9000  }
0xb7: {  	[dreg:$0x5] =	wrdreg $0x9  }
0xb8: {  	_ =	task.clear_ibuf [dreg:s7], $0x6FFFF;
	_ =	strace $0x9000004C  }
0xb9: {  	s29 =	simm.s32 $0x9;
	_ =	strace $0x8000004E  }
0xba: {  	_ =	swait.ge [sflag:s29], $0x1  }
0xbb: {  	[sflag:s29] =	ssyncadd.s32 $0xFFFFFFFF  }
0xbc: {  	_ =	strace $0x9000004E  }
0xbd: {  	_ =	sfence  }
0xbe: {  	s30 =	sld [smem:$0x0];
	_ =	sdelay $0x2  }
0xbf: {  	s31 =	sshll.u32 s1, $0xD;
	s1 =	sshrl.u32 s1, $0x2  }
0xc0: {  	s3 =	sand.u32 $0x4000, s31;
	s1 =	sadd.s32 s1, s30  }
0xc1: {  	s0 =	sor.u32 s3, s0;
	s1 =	sshll.u32 s1, $0x11  }
0xc2: {  	s0 =	sor.u32 s1, s0  }
0xc3: {  	s0 =	sadd.s32 $0x8F2B, s0  }
0xc4: {  	[sflag:s0] =	ssyncadd.remote.s32 $0x1  }
0xc5: {  	_ =	sfence.sel $0xFFFF  }
0xc6: {  	[dreg:$0x0] =	wrdreg $0xFFFFFFFF;
	(pc) =	sbr.abs _section_cstart, $3  }
0xc7: {  	[dreg:$0x1] =	wrdreg $0xFFFFFFFF  }
0xc8: {  	_ =	task.clear_ibuf [dreg:s7], $0x2FFFF;
	_ =	strace $0x9FFFFFFF  }
0xc9: {  	(tm) =	ssettm $0x7FFFFFFF  }
tec
execute0_lowered:
.L_overlay_start_1:
0x0: {  	(tag) =	ssettag $0x1  }
0x1: {  	s7 =	rddreg [dreg:$0x0]  }
0x2: {  	s8 =	rddreg [dreg:$0x1]  }
0x3: {  	s1 =	rddreg [dreg:$0x2];
	s3 =	simm.s32 $0x0;
	s2 =	srdreg.scid  }
0x4: {  	s15 =	simm.s32 $0x80;
	s16 =	simm.s32 $0x2900;
	s17 =	simm.s32 $0x2880  }
0x5: {  	s18 =	simm.s32 $0x6900;
	s22 =	simm.s32 $0x1;
	s23 =	simm.s32 $0x4  }
0x6: {  	[smem:$0x7FF] =	sst s3;
	s13 =	sand.u32 $0x1, s2;
	s2 =	stileid.u32  }
0x7: {  	s4 =	sadd.s32 $0x10600, s7;
	s5 =	sadd.s32 $0x3E00, s7;
	s6 =	smul.u32 $0x140000, s13  }
0x8: {  	s19 =	sadd.s32 $0xDE00, s7;
	_ =	strace $0x8000004D;
	s9 =	smul.u32 $0x14000, s2  }
0x9: {  	s10 =	sshll.u32 s2, $0x1;
	s11 =	ssub.s32 $0x2, s13;
	s28 =	smul.u32 $0x50000, s2  }
0xa: {  	s30 =	smul.u32 $0x2800, s2;
	p0 =	sne.s32 s13, $0x0;
	s21 =	sshll.u32 s2, $0x6  }
0xb: {  	s24 =	sor.u32 s13, s10;
	s26 =	sshrl.u32 s11, $0x1;
	s13 =	simm.s32 $0x5  }
0xc: {  	s6 =	sadd.s32 s9, s6;
	s14 =	ssub.s32 s11, s26;
	s31 =	sshrl.u32 s28, $0x2  }
0xd: {  	s10 =	sadd.s32 s4, s30;
	s25 =	sshrl.u32 s6, $0x3;
	s6 =	smul.u32 $0x2800, s24  }
0xe: {  	s20 =	sadd.s32 s31, s1;
	s10 =	smov.u32 @p0 s19;
	s19 =	sor.u32 $0x1C05, s21  }
0xf: {  	s21 =	simm.s32 $0x3;
	s24 =	simm.s32 $0x2;
	s12 =	sadd.s32 s25, s7  }
0x10: {  	s20 =	sshrl.u32 s20, $0x3;
	s25 =	simm.s32 $0x0;
	s29 =	sshrl.u32 s6, $0x3  }
0x11: {  	s11 =	sadd.s32 $0x38600, s12;
	s7 =	sadd.s32 s8, s29;
	s8 =	sadd.s32 s5, s29  }
0x12: {  	s12 =	smax.u32 s14, $0x1;
	s14 =	simm.s32 $0x2800;
	s9 =	sadd.s32 $0x10, s8  }
.LBB2_1:
0x13: {  	[tilespmem:s3], [sflag:$0x5] =	stream.linear.gather [hbm4b:s7+s3], $0x2800, $0x38;
	[tilespmem:$0x1E900] =	vst v63  }
0x14: {  	_ =	swait.ge [sflag:s13], $0x2800  }
0x15: {  	[sflag:s13] =	ssyncset.done $0x0  }
0x16: {  	[sflag:s13] =	ssyncadd.s32 $0xFFFFD800  }
0x17: {  	[tilespmem:s14], [sflag:$0x3] =	stream.linear.gather [hbm4b:s8+s3], $0x80, $0x38;
	[tilespmem:$0x1E900] =	vst v63  }
0x18: {  	_ = 	snop  }
0x19: {  	[tilespmem:s16], [sflag:$0x1] =	stream.indirect.gather [hbm4b:s4+s15], $0x80, s3, s15, $0xb8;
	[tilespmem:$0x1E900] =	vst v63  }
0x1a: {  	_ = 	snop  }
0x1b: {  	[tilespmem:s17], [sflag:$0x4] =	stream.linear.gather [hbm4b:s9+s3], $0x80, $0x38;
	[tilespmem:$0x1E900] =	vst v63  }
0x1c: {  	_ = 	snop  }
0x1d: {  	[tilespmem:s18], [sflag:$0x2] =	stream.indirect.gather [hbm4b:s4+s15], $0x80, s15, s15, $0xb8;
	[tilespmem:$0x1E900] =	vst v63  }
0x1e: {  	[spmem:s20], [sflag:s19] =	dma.local [hbm:s10], $0x2800  }
0x1f: {  	_ =	swait.ge [sflag:s13], $0x2800  }
0x20: {  	[sflag:s13] =	ssyncset.done $0x0  }
0x21: {  	[sflag:s13] =	ssyncadd.s32 $0xFFFFD800  }
0x22: {  	[bflag:$0x0] =	sbarrier.arrive $0xFFFF  }
0x23: {  	_ =	swait.ge [sflag:s21], $0x80  }
0x24: {  	[sflag:s21] =	ssyncset.done $0x0  }
0x25: {  	[sflag:s21] =	ssyncadd.s32 $0xFFFFFF80  }
0x26: {  	s26 =	simm.s32 $0x100;
	_ =	swait.ge [sflag:s22], $0x4000  }
0x27: {  	s28 =	sand.u32 $0x7C00, s26;
	[sflag:s22] =	ssyncset.done $0x0  }
0x28: {  	s26 =	sand.u32 $0x300, s26;
	s28 =	sadd.s32 s6, s28;
	[sflag:s22] =	ssyncadd.s32 $0xFFFFC000  }
0x29: {  	[spmem:s1] =	stream.indirect.scatter.add.f32 [tilespmem:s16], [sflag:$0x5], $0x80, s14, s15, $0xb8;
	[tilespmem:$0x1E900] =	vst v63  }
0x2a: {  	s26 =	sor.u32 s26, s28;
	_ =	swait.ge [sflag:s13], $0x4000  }
0x2b: {  	s26 =	sshrl.u32 s26, $0x3;
	[sflag:s13] =	ssyncset.done $0x0  }
0x2c: {  	s26 =	sadd.s32 s5, s26;
	[sflag:s13] =	ssyncadd.s32 $0xFFFFC000  }
0x2d: {  	[tilespmem:s14], [sflag:$0x3] =	stream.linear.gather [hbm4b:s26+s3], $0x80, $0x38;
	[tilespmem:$0x1E900] =	vst v63  }
0x2e: {  	s30 =	simm.s32 $0x100  }
0x2f: {  	[tilespmem:s16], [sflag:$0x1] =	stream.indirect.gather [hbm4b:s4+s15], $0x80, s30, s15, $0xb8;
	[tilespmem:$0x1E900] =	vst v63  }
0x30: {  	_ =	swait.ge [sflag:s23], $0x80  }
0x31: {  	[sflag:s23] =	ssyncset.done $0x0  }
0x32: {  	[sflag:s23] =	ssyncadd.s32 $0xFFFFFF80  }
0x33: {  	s31 =	simm.s32 $0x180;
	_ =	swait.ge [sflag:s24], $0x4000  }
0x34: {  	s28 =	sand.u32 $0x7C00, s31;
	[sflag:s24] =	ssyncset.done $0x0  }
0x35: {  	s28 =	sadd.s32 s6, s28;
	s26 =	sand.u32 $0x380, s31;
	[sflag:s24] =	ssyncadd.s32 $0xFFFFC000  }
0x36: {  	[spmem:s1] =	stream.indirect.scatter.add.f32 [tilespmem:s18], [sflag:$0x5], $0x80, s17, s15, $0xb8;
	[tilespmem:$0x1E900] =	vst v63  }
0x37: {  	s26 =	sor.u32 s26, s28;
	_ =	swait.ge [sflag:s13], $0x4000  }
0x38: {  	s26 =	sshrl.u32 s26, $0x3;
	[sflag:s13] =	ssyncset.done $0x0  }
0x39: {  	s26 =	sadd.s32 s5, s26;
	[sflag:s13] =	ssyncadd.s32 $0xFFFFC000  }
0x3a: {  	[tilespmem:s17], [sflag:$0x4] =	stream.linear.gather [hbm4b:s26+s3], $0x80, $0x38;
	[tilespmem:$0x1E900] =	vst v63  }
0x3b: {  	s29 =	simm.s32 $0x200;
	s28 =	simm.s32 $0x180;
	s26 =	simm.s32 $0x280  }
.LBB2_2:
0x3c: {  	s30 =	sadd.s32 $0x80, s29  }
0x3d: {  	p0 =	sne.s32 s26, $0x2780;
	s31 =	smov.u32 s26;
	s26 =	sadd.s32 $0x100, s26  }
0x3e: {  	[tilespmem:s18], [sflag:$0x2] =	stream.indirect.gather [hbm4b:s4+s15], $0x80, s28, s15, $0xb8;
	[tilespmem:$0x1E900] =	vst v63  }
0x3f: {  	s28 =	smov.u32 s30;
	_ =	swait.ge [sflag:s21], $0x80  }
0x40: {  	[sflag:s21] =	ssyncset.done $0x0  }
0x41: {  	[sflag:s21] =	ssyncadd.s32 $0xFFFFFF80  }
0x42: {  	_ =	swait.ge [sflag:s22], $0x4000  }
0x43: {  	s30 =	sadd.s32 $0xFFFFFF80, s31;
	[sflag:s22] =	ssyncset.done $0x0  }
0x44: {  	s0 =	sand.u32 $0x7C00, s30;
	s30 =	sand.u32 $0x300, s30;
	[sflag:s22] =	ssyncadd.s32 $0xFFFFC000  }
0x45: {  	[spmem:s1] =	stream.indirect.scatter.add.f32 [tilespmem:s16], [sflag:$0x5], $0x80, s14, s15, $0xb8;
	[tilespmem:$0x1E900] =	vst v63  }
0x46: {  	s0 =	sadd.s32 s6, s0;
	_ =	swait.ge [sflag:s13], $0x4000  }
0x47: {  	s0 =	sor.u32 s30, s0;
	[sflag:s13] =	ssyncset.done $0x0  }
0x48: {  	s0 =	sshrl.u32 s0, $0x3;
	[sflag:s13] =	ssyncadd.s32 $0xFFFFC000  }
0x49: {  	s0 =	sadd.s32 s5, s0  }
0x4a: {  	[tilespmem:s14], [sflag:$0x3] =	stream.linear.gather [hbm4b:s0+s3], $0x80, $0x38;
	[tilespmem:$0x1E900] =	vst v63  }
0x4b: {  	_ = 	snop  }
0x4c: {  	[tilespmem:s16], [sflag:$0x1] =	stream.indirect.gather [hbm4b:s4+s15], $0x80, s29, s15, $0xb8;
	[tilespmem:$0x1E900] =	vst v63  }
0x4d: {  	_ =	swait.ge [sflag:s23], $0x80  }
0x4e: {  	[sflag:s23] =	ssyncset.done $0x0  }
0x4f: {  	[sflag:s23] =	ssyncadd.s32 $0xFFFFFF80  }
0x50: {  	_ =	swait.ge [sflag:s24], $0x4000  }
0x51: {  	s0 =	sand.u32 $0x7C00, s31;
	[sflag:s24] =	ssyncset.done $0x0  }
0x52: {  	s30 =	sand.u32 $0x380, s31;
	s0 =	sadd.s32 s6, s0;
	[sflag:s24] =	ssyncadd.s32 $0xFFFFC000  }
0x53: {  	[spmem:s1] =	stream.indirect.scatter.add.f32 [tilespmem:s18], [sflag:$0x5], $0x80, s17, s15, $0xb8;
	[tilespmem:$0x1E900] =	vst v63  }
.Ltmp0:
0x54: {  	_ = 	snop;
	(pc) =	sbr.rel @p0 .LBB2_2-.Ltmp0, $4  }
0x55: {  	s0 =	sor.u32 s30, s0;
	_ =	swait.ge [sflag:s13], $0x4000  }
0x56: {  	s0 =	sshrl.u32 s0, $0x3;
	[sflag:s13] =	ssyncset.done $0x0  }
0x57: {  	s29 =	sadd.s32 $0x100, s29;
	s0 =	sadd.s32 s5, s0;
	[sflag:s13] =	ssyncadd.s32 $0xFFFFC000  }
0x58: {  	[tilespmem:s17], [sflag:$0x4] =	stream.linear.gather [hbm4b:s0+s3], $0x80, $0x38;
	[tilespmem:$0x1E900] =	vst v63  }
0x59: {  	[tilespmem:s18], [sflag:$0x2] =	stream.indirect.gather [hbm4b:s4+s15], $0x80, s28, s15, $0xb8;
	[tilespmem:$0x1E900] =	vst v63  }
0x5a: {  	_ =	swait.ge [sflag:s21], $0x80  }
0x5b: {  	[sflag:s21] =	ssyncset.done $0x0  }
0x5c: {  	[sflag:s21] =	ssyncadd.s32 $0xFFFFFF80  }
0x5d: {  	_ =	swait.ge [sflag:s22], $0x4000  }
0x5e: {  	[sflag:s22] =	ssyncset.done $0x0  }
0x5f: {  	[sflag:s22] =	ssyncadd.s32 $0xFFFFC000  }
0x60: {  	[spmem:s1] =	stream.indirect.scatter.add.f32 [tilespmem:s16], [sflag:$0x5], $0x80, s14, s15, $0xb8;
	[tilespmem:$0x1E900] =	vst v63  }
0x61: {  	_ =	swait.ge [sflag:s13], $0x4000  }
0x62: {  	[sflag:s13] =	ssyncset.done $0x0  }
0x63: {  	[sflag:s13] =	ssyncadd.s32 $0xFFFFC000  }
0x64: {  	_ =	swait.ge [sflag:s23], $0x80  }
0x65: {  	[sflag:s23] =	ssyncset.done $0x0  }
0x66: {  	[sflag:s23] =	ssyncadd.s32 $0xFFFFFF80  }
0x67: {  	_ =	swait.ge [sflag:s24], $0x4000  }
0x68: {  	[sflag:s24] =	ssyncset.done $0x0  }
0x69: {  	[sflag:s24] =	ssyncadd.s32 $0xFFFFC000  }
0x6a: {  	[spmem:s1] =	stream.indirect.scatter.add.f32 [tilespmem:s18], [sflag:$0x5], $0x80, s17, s15, $0xb8;
	[tilespmem:$0x1E900] =	vst v63  }
0x6b: {  	_ =	swait.ge [sflag:s13], $0x4000  }
0x6c: {  	s25 =	sadd.s32 $0x1, s25;
	[sflag:s13] =	ssyncset.done $0x0  }
0x6d: {  	p0 =	sne.s32 s25, s12;
	[sflag:s13] =	ssyncadd.s32 $0xFFFFC000  }
.Ltmp1:
0x6e: {  	[bflag:$0x0] =	sbarrier.arrive $0xFFFF;
	(pc) =	sbr.rel @p0 .LBB2_1-.Ltmp1, $4  }
0x6f: {  	[hbm:s11], [sflag:s19] =	dma.local [spmem:s20], $0x2800  }
0x70: {  	_ =	swait.ge [sflag:s13], $0x2800  }
0x71: {  	[sflag:s13] =	ssyncset.done $0x0  }
0x72: {  	[sflag:s13] =	ssyncadd.s32 $0xFFFFD800  }
0x73: {  	_ =	sfence.sel $0x180000  }
0x74: {  	[bflag:$0x0] =	sbarrier.arrive $0xFFFF  }
0x75: {  	_ =	strace $0x9000004D  }
0x76: {  	[bflag:$0x2] =	sbarrier.arrive $0xFFFF  }
0x77: {  	p0 =	sne.s32 s2, $0x0;
	s0 =	rddreg [dreg:$0x3]  }
0x78: {  	s0 =	sadd.s32 @!p0 $0x100000, s0  }
0x79: {  	[sflag:s0] =	ssyncadd.tile.s32 @!p0 $0x1;
	_ =	shalt  }
.Lfunc_end2:
_tile_overlayer_lowered:
.L_overlay_start_2:
0x7a: {  	(tag) =	ssettag $0x2  }
0x7b: {  	s0 =	rddreg [dreg:$0x0];
	s2 =	stileid.u32  }
0x7c: {  	s1 =	rddreg [dreg:$0x1];
	p0 =	sne.s32 s2, $0x0  }
0x7d: {  	s3 =	rddreg [dreg:$0x2];
	[bflag:$0x3] =	sbarrier.arrive $0xFFFF;
	s2 =	simm.s32 @!p0 $0x1C05  }
0x7e: {  	[timem:s3], [sflag:s2] =	dma.local @!p0 [hbm:s0], s1  }
0x7f: {  	s0 =	simm.s32 @!p0 $0x5  }
0x80: {  	_ =	swait.ge @!p0 [sflag:s0], s1  }
0x81: {  	s1 =	ssub.s32 @!p0 $0x0, s1;
	[sflag:s0] =	ssyncset.done @!p0 $0x0  }
0x82: {  	[sflag:s0] =	ssyncadd.s32 @!p0 s1  }
0x83: {  	[bflag:$0x3] =	sbarrier.arrive $0xFFFF  }
0x84: {  	_ =	shalt  }

// kernel: kernel.8.cloned.1.call-start
scs
__scs_entry_jumppad:
0x0: {  	(pc) =	sbr.rel $0x88, $3  }
0x1: {  	(tag) =	ssettag $0x0;
	lr =	simm.s32 $0x1  }
0x2: {  	[smem:$0x3F8E] =	sst lr;
	_ =	strace $0xD0000000  }
0x3: {  	_ = 	snop  }
0x4: {  	_ = 	snop  }
0x5: {  	_ = 	snop  }
0x6: {  	_ = 	snop  }
0x7: {  	_ = 	snop  }
__scs_overlays_trampoline_lowered:
0x8: {  	[smem:$0x3F9D] =	sst s0  }
0x9: {  	[smem:$0x3F9E] =	sst s1  }
0xa: {  	[smem:$0x3F9F] =	sst s2  }
0xb: {  	[smem:$0x3FA0] =	sst s3  }
0xc: {  	[smem:$0x3FA1] =	sst s4  }
0xd: {  	[smem:$0x3FA2] =	sst s5  }
0xe: {  	[smem:$0x3FA3] =	sst s6  }
0xf: {  	[smem:$0x3FA4] =	sst s7  }
0x10: {  	[smem:$0x3FA5] =	sst s8  }
0x11: {  	[smem:$0x3FA6] =	sst s9;
	s0 =	simm.s32 @!p0 $0x0  }
0x12: {  	s1 =	sld [smem:$0x3F8C];
	s0 =	simm.s32 @p0 $0x1  }
0x13: {  	[smem:$0x3FA7] =	sst s0;
	s0 =	simm.s32 @!p1 $0x0  }
0x14: {  	s2 =	sld [smem:$0x3F8B];
	s0 =	simm.s32 @p1 $0x1  }
0x15: {  	[smem:$0x3FA8] =	sst s0;
	s0 =	simm.s32 @!p2 $0x0  }
0x16: {  	s3 =	sld [smem:$0x3FDB];
	s0 =	simm.s32 @p2 $0x1  }
0x17: {  	s4 =	simm.s32 $0x1BF5;
	[smem:$0x3FAA] =	sst s0  }
0x18: {  	s0 =	sld [smem:$0x3F8D];
	_ =	swait.ge [sflag:s4], $0x0  }
0x19: {  	s7 =	sld [smem:$0x3F8E]  }
0x1a: {  	s8 =	sadd.s32 $0xFFFFE003, lr  }
0x1b: {  	s9 =	sadd.s32 $0xFFFFFEF7, lr;
	s5 =	simm.s32 $0xFFFFFFFF;
	p2 =	slt.u32 s8, $0xFFFFF086  }
0x1c: {  	p1 =	slt.u32 s9, $0xF7A;
	s5 =	simm.s32 @!p2 $0x0  }
0x1d: {  	s5 =	simm.s32 @p1 $0x1;
	p0 =	seq.s32 s7, s2  }
0x1e: {  	s7 =	smul.u32 @!p0 $0xF7A, s2;
	p2 =	seq.s32 @!p0 s5, $0x0  }
0x1f: {  	s9 =	smul.u32 $0xF7A, s1;
	s8 =	simm.s32 @!p0 $0x1BF5;
	p2 =	por !p2, p0  }
0x20: {  	[sflag:s8] =	ssyncset.s32 @!p0 $0xFFFFF086;
	s6 =	sadd.s32 @!p0 s3, s7;
	s7 =	simm.s32 @!p0 $0x108  }
0x21: {  	s3 =	sadd.s32 s3, s9;
	s6 =	sadd.s32 @!p0 $0x88, s6;
	s7 =	simm.s32 @p2 $0x1082  }
0x22: {  	[simem:s7], [sflag:s8] =	dma.local @!p0 [hbm:s6], $0xF7A  }
0x23: {  	s9 =	sor.u32 $0xD0000000, s2;
	s6 =	simm.s32 $0x108;
	_ =	swait.ge @!p0 [sflag:s8], $0x0  }
0x24: {  	s3 =	sadd.s32 $0x88, s3;
	s6 =	simm.s32 @!p1 $0x1082;
	[sflag:s4] =	ssyncset.s32 $0xFFFFF086  }
0x25: {  	[simem:s6], [sflag:s4] =	dma.local [hbm:s3], $0xF7A  }
0x26: {  	[smem:$0x3F8E] =	sst s1;
	(tag) =	ssettag s2;
	_ =	strace s9  }
0x27: {  	s1 =	sld [smem:$0x3F9E]  }
0x28: {  	s2 =	sld [smem:$0x3F9F]  }
0x29: {  	s4 =	sld [smem:$0x3FA1]  }
0x2a: {  	p0 =	seq.s32 s5, $0x0;
	s5 =	sld [smem:$0x3FA2]  }
0x2b: {  	s6 =	sld [smem:$0x3FA3]  }
0x2c: {  	s7 =	sld [smem:$0x3FA4]  }
0x2d: {  	s3 =	simm.s32 $0x108;
	s8 =	sld [smem:$0x3FA5]  }
0x2e: {  	s3 =	simm.s32 @!p0 $0x1082;
	s9 =	sld [smem:$0x3FA6]  }
0x2f: {  	lr =	sadd.s32 s0, s3;
	s0 =	sld [smem:$0x3F9D]  }
0x30: {  	s3 =	sld [smem:$0x3FA0]  }
0x31: {  	[smem:$0x3FA9] =	sst s10  }
0x32: {  	s10 =	sld [smem:$0x3FA7];
	_ =	sdelay $0x3  }
0x33: {  	p0 =	seq.s32 s10, $0x1;
	s10 =	sld [smem:$0x3FA9];
	_ =	sdelay $0x3  }
0x34: {  	[smem:$0x3FA9] =	sst s10  }
0x35: {  	s10 =	sld [smem:$0x3FA8];
	_ =	sdelay $0x3  }
0x36: {  	p1 =	seq.s32 s10, $0x1;
	s10 =	sld [smem:$0x3FA9];
	_ =	sdelay $0x3  }
0x37: {  	[smem:$0x3FA9] =	sst s10  }
0x38: {  	s10 =	sld [smem:$0x3FAA]  }
0x39: {  	_ = 	snop;
	(pc) =	sbr.ind lr, $3  }
0x3a: {  	_ = 	snop  }
0x3b: {  	_ = 	snop  }
0x3c: {  	p2 =	seq.s32 s10, $0x1;
	s10 =	sld [smem:$0x3FA9]  }
0x3d: {  	_ =	shalt  }
0x3e: {  	_ =	shalt  }
0x3f: {  	_ =	shalt  }
0x40: {  	_ =	shalt  }
0x41: {  	_ =	shalt  }
0x42: {  	_ =	shalt  }
0x43: {  	_ =	shalt  }
0x44: {  	_ =	shalt  }
0x45: {  	_ =	shalt  }
0x46: {  	_ =	shalt  }
0x47: {  	_ =	shalt  }
0x48: {  	_ =	shalt  }
0x49: {  	_ =	shalt  }
0x4a: {  	_ =	shalt  }
0x4b: {  	_ =	shalt  }
0x4c: {  	_ =	shalt  }
0x4d: {  	_ =	shalt  }
0x4e: {  	_ =	shalt  }
0x4f: {  	_ =	shalt  }
0x50: {  	_ =	shalt  }
0x51: {  	_ =	shalt  }
0x52: {  	_ =	shalt  }
0x53: {  	_ =	shalt  }
0x54: {  	_ =	shalt  }
0x55: {  	_ =	shalt  }
0x56: {  	_ =	shalt  }
0x57: {  	_ =	shalt  }
0x58: {  	_ =	shalt  }
0x59: {  	_ =	shalt  }
0x5a: {  	_ =	shalt  }
0x5b: {  	_ =	shalt  }
0x5c: {  	_ =	shalt  }
0x5d: {  	_ =	shalt  }
0x5e: {  	_ =	shalt  }
0x5f: {  	_ =	shalt  }
0x60: {  	_ =	shalt  }
0x61: {  	_ =	shalt  }
0x62: {  	_ =	shalt  }
0x63: {  	_ =	shalt  }
0x64: {  	_ =	shalt  }
0x65: {  	_ =	shalt  }
0x66: {  	_ =	shalt  }
0x67: {  	_ =	shalt  }
0x68: {  	_ =	shalt  }
0x69: {  	_ =	shalt  }
0x6a: {  	_ =	shalt  }
0x6b: {  	_ =	shalt  }
0x6c: {  	_ =	shalt  }
0x6d: {  	_ =	shalt  }
0x6e: {  	_ =	shalt  }
0x6f: {  	_ =	shalt  }
0x70: {  	_ =	shalt  }
0x71: {  	_ =	shalt  }
0x72: {  	_ =	shalt  }
0x73: {  	_ =	shalt  }
0x74: {  	_ =	shalt  }
0x75: {  	_ =	shalt  }
0x76: {  	_ =	shalt  }
0x77: {  	_ =	shalt  }
0x78: {  	_ =	shalt  }
0x79: {  	_ =	shalt  }
0x7a: {  	_ =	shalt  }
0x7b: {  	_ =	shalt  }
0x7c: {  	_ =	shalt  }
0x7d: {  	_ =	shalt  }
0x7e: {  	_ =	shalt  }
0x7f: {  	_ =	shalt  }
0x80: {  	_ =	shalt  }
0x81: {  	_ =	shalt  }
0x82: {  	_ =	shalt  }
0x83: {  	_ =	shalt  }
0x84: {  	_ =	shalt  }
0x85: {  	_ =	shalt  }
0x86: {  	_ =	shalt  }
0x87: {  	_ =	shalt  }
.Lfunc_end0:
.L_simem_size_0:
called_computation_lowered:
.L_overlay_start_0:
0x88: {  	s2 =	sld [smem:$0x3FD9]  }
0x89: {  	s3 =	sld [smem:$0x3FFE];
	_ =	sdelay $0x1  }
0x8a: {  	s1 =	srdreg.scid  }
0x8b: {  	s0 =	sand.u32 $0x1, s1  }
0x8c: {  	s14 =	sshll.u32 s0, $0xA;
	s2 =	sadd.s32 s3, s2  }
0x8d: {  	s2 =	sadd.s32 s2, s14  }
0x8e: {  	[smem:$0x3FB5] =	sst s2  }
0x8f: {  	_ = 	snop  }
0x90: {  	s2 =	sld [smem:$0x3FD0];
	_ =	sdelay $0x2  }
0x91: {  	s4 =	simm.s32 $0xA;
	s5 =	simm.s32 $0x10;
	s15 =	sld [smem:$0x3FC9]  }
0x92: {  	[smem:s5], [sflag:s4] =	dma.local [hbm:s2], $0x1  }
0x93: {  	_ =	swait.eq [sflag:s4], $0x1  }
0x94: {  	[sflag:s4] =	ssyncset.done $0x0  }
0x95: {  	[sflag:s4] =	ssyncadd.s32 $0xFFFFFFFF  }
0x96: {  	s16 =	sld [smem:$0x10];
	(tm) =	ssettm $0x1  }
0x97: {  	s17 =	sld [smem:$0x3FFB];
	_ =	sdelay $0x3  }
0x98: {  	_ =	strace s17  }
0x99: {  	s4 =	sld [smem:$0x3FFC];
	_ =	sdelay $0x3  }
0x9a: {  	_ =	strace s4  }
0x9b: {  	s4 =	sld [smem:$0x3FFD];
	_ =	sdelay $0x3  }
0x9c: {  	_ =	strace s4  }
0x9d: {  	_ =	strace $0x8FFFFFFF  }
0x9e: {  	s18 =	sld [smem:$0x3FDB];
	_ =	sdelay $0x1  }
0x9f: {  	s19 =	simm.s32 $_scs_section_size  }
0xa0: {  	s6 =	simm.s32 $_size__tile_overlayer_lowered;
	s7 =	simm.s32 $_tile_overlayer_lowered  }
0xa1: {  	s22 =	simm.s32 $0x1BFF;
	s21 =	sshll.u32 s7, $0x1;
	s4 =	sadd.s32 s19, s18  }
0xa2: {  	s8 =	simm.s32 $0x0;
	s20 =	sshll.u32 s6, $0x1;
	s6 =	sadd.s32 s21, s4  }
0xa3: {  	[timem:s8], [sflag:s22] =	dma.local [hbm:s6], s20  }
0xa4: {  	_ =	swait.ge [sflag:s22], s20  }
0xa5: {  	s5 =	ssub.s32 $0x0, s20;
	[sflag:s22] =	ssyncset.done $0x0  }
0xa6: {  	[sflag:s22] =	ssyncadd.s32 s5;
	_ =	sdelay $0x1  }
0xa7: {  	s23 =	simm.s32 $0x1B8B  }
0xa8: {  	_ =	swait.ge [sflag:s23], $0x1  }
0xa9: {  	[sflag:s23] =	ssyncset.done $0x0  }
0xaa: {  	s25 =	simm.s32 $0x1B8E;
	s24 =	sld [smem:$0x3FFE];
	[sflag:s23] =	ssyncadd.s32 $0xFFFFFFFF  }
0xab: {  	s26 =	simm.s32 $execute0_lowered;
	[smem:$0x3FD2] =	sst s25  }
0xac: {  	s6 =	sshll.u32 s26, $0x1;
	_ =	strace $0x80000046;
	[dreg:$0x1] =	wrdreg $0xFFFFFFFF  }
0xad: {  	s28 =	simm.s32 $_size_execute0_lowered;
	s4 =	sadd.s32 s4, s6;
	[dreg:$0x0] =	wrdreg $0x0  }
0xae: {  	s6 =	sshll.u32 s28, $0x1;
	[dreg:$0x2] =	wrdreg s4  }
0xaf: {  	[dreg:$0x3] =	wrdreg s6  }
0xb0: {  	[dreg:$0x4] =	wrdreg $0xC0  }
0xb1: {  	_ =	task [dreg:s8], $0x5FFFF  }
0xb2: {  	[dreg:$0x1] =	wrdreg $0xFFFFFFFF  }
0xb3: {  	[dreg:$0x0] =	wrdreg $0x60  }
0xb4: {  	[dreg:$0x2] =	wrdreg s15  }
0xb5: {  	[dreg:$0x3] =	wrdreg s16  }
0xb6: {  	[dreg:$0x4] =	wrdreg s24  }
0xb7: {  	[dreg:$0x5] =	wrdreg $0xA9000  }
0xb8: {  	[dreg:$0x6] =	wrdreg $0x9  }
0xb9: {  	_ =	task.clear_ibuf [dreg:s8], $0x7FFFF;
	_ =	strace $0x90000046  }
0xba: {  	s29 =	simm.s32 $0x9;
	_ =	strace $0x80000048  }
0xbb: {  	_ =	swait.ge [sflag:s29], $0x1  }
0xbc: {  	[sflag:s29] =	ssyncadd.s32 $0xFFFFFFFF  }
0xbd: {  	_ =	strace $0x90000048  }
0xbe: {  	_ =	sfence  }
0xbf: {  	s30 =	sld [smem:$0x0];
	_ =	sdelay $0x2  }
0xc0: {  	s31 =	sshll.u32 s1, $0xD;
	s1 =	sshrl.u32 s1, $0x2  }
0xc1: {  	s3 =	sand.u32 $0x4000, s31;
	s1 =	sadd.s32 s1, s30  }
0xc2: {  	s0 =	sor.u32 s3, s0;
	s1 =	sshll.u32 s1, $0x11  }
0xc3: {  	s0 =	sor.u32 s1, s0  }
0xc4: {  	s0 =	sadd.s32 $0x8F2B, s0  }
0xc5: {  	[sflag:s0] =	ssyncadd.remote.s32 $0x1  }
0xc6: {  	_ =	sfence.sel $0xFFFF  }
0xc7: {  	[dreg:$0x0] =	wrdreg $0xFFFFFFFF;
	(pc) =	sbr.abs _section_cstart, $3  }
0xc8: {  	[dreg:$0x1] =	wrdreg $0xFFFFFFFF  }
0xc9: {  	_ =	task.clear_ibuf [dreg:s8], $0x2FFFF;
	_ =	strace $0x9FFFFFFF  }
0xca: {  	(tm) =	ssettm $0x7FFFFFFF  }
0xcb: {  	_ =	shalt  }
tec
execute0_lowered:
.L_overlay_start_1:
0x0: {  	(tag) =	ssettag $0x1  }
0x1: {  	s1 =	rddreg [dreg:$0x0]  }
0x2: {  	s0 =	rddreg [dreg:$0x1]  }
0x3: {  	s2 =	rddreg [dreg:$0x2]  }
0x4: {  	s3 =	rddreg [dreg:$0x3]  }
0x5: {  	s4 =	srdreg.scid;
	s23 =	stileid.u32  }
0x6: {  	s16 =	simm.s32 $0x5;
	s17 =	simm.s32 $0x2800;
	s18 =	simm.s32 $0x80  }
0x7: {  	s19 =	simm.s32 $0x2900;
	s20 =	simm.s32 $0x2880;
	s28 =	simm.s32 $0x3  }
0x8: {  	s29 =	simm.s32 $0x1;
	s30 =	simm.s32 $0x4;
	s31 =	simm.s32 $0x2  }
0x9: {  	s8 =	sand.u32 $0x1, s4;
	s4 =	simm.s32 $0x0;
	s10 =	smul.u32 $0x14000, s23  }
0xa: {  	s5 =	sshll.u32 s23, $0x1;
	s7 =	sadd.s32 $0xDE00, s2;
	s24 =	smul.u32 $0x50000, s23  }
0xb: {  	p0 =	sne.s32 s23, $0xF;
	p2 =	seq.s32 s23, $0xF;
	s13 =	smul.u32 $0x2800, s23  }
0xc: {  	s25 =	sadd.s32 $0x25800, s1;
	s9 =	smul.u32 $0x140000, s8;
	[smem:$0x7FF] =	sst s4  }
0xd: {  	s6 =	sor.u32 s8, s5;
	s5 =	sadd.s32 $0x3E00, s2;
	s21 =	ssub.s32 $0x2, s8  }
0xe: {  	p1 =	seq.s32 s8, $0x0;
	_ =	strace $0x80000047;
	s6 =	smul.u32 $0x2800, s6  }
0xf: {  	s11 =	sshrl.u32 s21, $0x1;
	p0 =	por !p1, !p0;
	p1 =	por !p1, !p2  }
0x10: {  	[dreg:$0x8] =	wrdreg s25;
	s26 =	sadd.s32 s1, s13;
	s9 =	sadd.s32 s10, s9  }
0x11: {  	s10 =	ssub.s32 s21, s11;
	p0 =	por !p0, !p0;
	p2 =	por !p1, !p1  }
0x12: {  	[dreg:$0x9] =	wrdreg s26;
	s21 =	simm.s32 $0x6900;
	s12 =	sshrl.u32 s6, $0x3  }
0x13: {  	s9 =	sshrl.u32 s9, $0x3;
	p1 =	por p2, p0;
	s0 =	sadd.s32 s0, s12  }
0x14: {  	s15 =	smax.u32 s10, $0x1;
	s22 =	sadd.s32 s5, s12;
	[dreg:$0x5] =	wrdreg s0  }
0x15: {  	s2 =	sadd.s32 s9, s2;
	p1 =	seq.s32 @!p1 s8, $0x0;
	[dreg:$0x6] =	wrdreg s22  }
0x16: {  	s9 =	sadd.s32 $0x10, s22;
	s0 =	sshrl.u32 s24, $0x2;
	s24 =	sadd.s32 $0x138800, s3  }
0x17: {  	s14 =	sadd.s32 $0x10600, s2;
	p1 =	por @!p0 p1, p2;
	p2 =	por !p2, p0  }
0x18: {  	[dreg:$0x7] =	wrdreg s9;
	s11 =	sadd.s32 s0, s3;
	p1 =	por p1, p0  }
0x19: {  	s0 =	sadd.s32 $0x12C000, s3;
	s24 =	sshrl.u32 @!p2 s24, $0x3;
	s2 =	sshll.u32 @!p1 s23, $0x6  }
0x1a: {  	s26 =	sshrl.u32 @!p1 s11, $0x3;
	s22 =	sor.u32 @!p1 $0x1C05, s2;
	s2 =	sshll.u32 @p0 s23, $0x6  }
0x1b: {  	s23 =	sshrl.u32 @!p2 s0, $0x3;
	s0 =	simm.s32 $0x0;
	s25 =	sor.u32 @p0 $0x1C05, s2  }
.LBB2_1:
0x1c: {  	s2 =	rddreg [dreg:$0x5]  }
0x1d: {  	[tilespmem:s4], [sflag:$0x5] =	stream.linear.gather [hbm4b:s2+s4], $0x2800, $0x38;
	[tilespmem:$0x1E900] =	vst v63  }
0x1e: {  	_ =	swait.ge [sflag:s16], $0x2800  }
0x1f: {  	[sflag:s16] =	ssyncset.done $0x0  }
0x20: {  	s12 =	rddreg [dreg:$0x6];
	[sflag:s16] =	ssyncadd.s32 $0xFFFFD800  }
0x21: {  	[tilespmem:s17], [sflag:$0x3] =	stream.linear.gather [hbm4b:s12+s4], $0x80, $0x38;
	[tilespmem:$0x1E900] =	vst v63  }
0x22: {  	_ = 	snop  }
0x23: {  	[tilespmem:s19], [sflag:$0x1] =	stream.indirect.gather [hbm4b:s1+s18], $0x80, s4, s18, $0xb8;
	[tilespmem:$0x1E900] =	vst v63  }
0x24: {  	s13 =	rddreg [dreg:$0x7]  }
0x25: {  	[tilespmem:s20], [sflag:$0x4] =	stream.linear.gather [hbm4b:s13+s4], $0x80, $0x38;
	[tilespmem:$0x1E900] =	vst v63  }
0x26: {  	s2 =	simm.s32 @!p1 $0x5  }
0x27: {  	[tilespmem:s21], [sflag:$0x2] =	stream.indirect.gather [hbm4b:s1+s18], $0x80, s18, s18, $0xb8;
	[tilespmem:$0x1E900] =	vst v63  }
0x28: {  	[spmem:s26], [sflag:s22] =	dma.local @!p1 [hbm:s7], $0x2800  }
0x29: {  	_ =	swait.ge @!p1 [sflag:s2], $0x2800  }
0x2a: {  	[sflag:s2] =	ssyncset.done @!p1 $0x0  }
0x2b: {  	s8 =	rddreg [dreg:$0x8];
	[sflag:s2] =	ssyncadd.s32 @!p1 $0xFFFFD800;
	s2 =	simm.s32 @!p2 $0x1FC5  }
0x2c: {  	[spmem:s23], [sflag:s2] =	dma.local @!p2 [hbm:s8], $0x1900  }
0x2d: {  	s8 =	simm.s32 @!p2 $0x5  }
0x2e: {  	_ =	swait.ge @!p2 [sflag:s8], $0x1900  }
0x2f: {  	[sflag:s8] =	ssyncset.done @!p2 $0x0  }
0x30: {  	[sflag:s8] =	ssyncadd.s32 @!p2 $0xFFFFE700  }
0x31: {  	[spmem:s24], [sflag:s2] =	dma.local @!p2 [hbm:s7], $0xF00  }
0x32: {  	_ =	swait.ge @!p2 [sflag:s8], $0xF00  }
0x33: {  	[sflag:s8] =	ssyncset.done @!p2 $0x0  }
0x34: {  	s2 =	sshrl.u32 @p0 s11, $0x3;
	[sflag:s8] =	ssyncadd.s32 @!p2 $0xFFFFF100;
	s8 =	rddreg [dreg:$0x9]  }
0x35: {  	[spmem:s2], [sflag:s25] =	dma.local @p0 [hbm:s8], $0x2800  }
0x36: {  	s2 =	simm.s32 @p0 $0x5  }
0x37: {  	_ =	swait.ge @p0 [sflag:s2], $0x2800  }
0x38: {  	[sflag:s2] =	ssyncset.done @p0 $0x0  }
0x39: {  	[sflag:s2] =	ssyncadd.s32 @p0 $0xFFFFD800  }
0x3a: {  	[bflag:$0x0] =	sbarrier.arrive $0xFFFF  }
0x3b: {  	_ =	swait.ge [sflag:s28], $0x80  }
0x3c: {  	[sflag:s28] =	ssyncset.done $0x0  }
0x3d: {  	[sflag:s28] =	ssyncadd.s32 $0xFFFFFF80  }
0x3e: {  	s8 =	simm.s32 $0x100;
	_ =	swait.ge [sflag:s29], $0x4000  }
0x3f: {  	s9 =	sand.u32 $0x7C00, s8;
	[sflag:s29] =	ssyncset.done $0x0  }
0x40: {  	s2 =	sand.u32 $0x300, s8;
	s8 =	sadd.s32 s6, s9;
	[sflag:s29] =	ssyncadd.s32 $0xFFFFC000  }
0x41: {  	[spmem:s3] =	stream.indirect.scatter.add.f32 [tilespmem:s19], [sflag:$0x5], $0x80, s17, s18, $0xb8;
	[tilespmem:$0x1E900] =	vst v63  }
0x42: {  	s2 =	sor.u32 s2, s8;
	_ =	swait.ge [sflag:s16], $0x4000  }
0x43: {  	s2 =	sshrl.u32 s2, $0x3;
	[sflag:s16] =	ssyncset.done $0x0  }
0x44: {  	s2 =	sadd.s32 s5, s2;
	[sflag:s16] =	ssyncadd.s32 $0xFFFFC000  }
0x45: {  	[tilespmem:s17], [sflag:$0x3] =	stream.linear.gather [hbm4b:s2+s4], $0x80, $0x38;
	[tilespmem:$0x1E900] =	vst v63  }
0x46: {  	s10 =	simm.s32 $0x100  }
0x47: {  	[tilespmem:s19], [sflag:$0x1] =	stream.indirect.gather [hbm4b:s1+s18], $0x80, s10, s18, $0xb8;
	[tilespmem:$0x1E900] =	vst v63  }
0x48: {  	_ =	swait.ge [sflag:s30], $0x80  }
0x49: {  	[sflag:s30] =	ssyncset.done $0x0  }
0x4a: {  	[sflag:s30] =	ssyncadd.s32 $0xFFFFFF80  }
0x4b: {  	s12 =	simm.s32 $0x180;
	_ =	swait.ge [sflag:s31], $0x4000  }
0x4c: {  	s13 =	sand.u32 $0x7C00, s12;
	[sflag:s31] =	ssyncset.done $0x0  }
0x4d: {  	s8 =	sadd.s32 s6, s13;
	s2 =	sand.u32 $0x380, s12;
	[sflag:s31] =	ssyncadd.s32 $0xFFFFC000  }
0x4e: {  	[spmem:s3] =	stream.indirect.scatter.add.f32 [tilespmem:s21], [sflag:$0x5], $0x80, s20, s18, $0xb8;
	[tilespmem:$0x1E900] =	vst v63  }
0x4f: {  	s2 =	sor.u32 s2, s8;
	_ =	swait.ge [sflag:s16], $0x4000  }
0x50: {  	s2 =	sshrl.u32 s2, $0x3;
	[sflag:s16] =	ssyncset.done $0x0  }
0x51: {  	s2 =	sadd.s32 s5, s2;
	[sflag:s16] =	ssyncadd.s32 $0xFFFFC000  }
0x52: {  	[tilespmem:s20], [sflag:$0x4] =	stream.linear.gather [hbm4b:s2+s4], $0x80, $0x38;
	[tilespmem:$0x1E900] =	vst v63  }
0x53: {  	s8 =	simm.s32 $0x180;
	s10 =	simm.s32 $0x200;
	s2 =	simm.s32 $0x280  }
.LBB2_2:
0x54: {  	s9 =	sadd.s32 $0x80, s10  }
0x55: {  	p3 =	sne.s32 s2, $0x2780;
	s12 =	smov.u32 s2;
	s2 =	sadd.s32 $0x100, s2  }
0x56: {  	[tilespmem:s21], [sflag:$0x2] =	stream.indirect.gather [hbm4b:s1+s18], $0x80, s8, s18, $0xb8;
	[tilespmem:$0x1E900] =	vst v63  }
0x57: {  	s8 =	smov.u32 s9;
	_ =	swait.ge [sflag:s28], $0x80  }
0x58: {  	[sflag:s28] =	ssyncset.done $0x0  }
0x59: {  	[sflag:s28] =	ssyncadd.s32 $0xFFFFFF80  }
0x5a: {  	_ =	swait.ge [sflag:s29], $0x4000  }
0x5b: {  	s9 =	sadd.s32 $0xFFFFFF80, s12;
	[sflag:s29] =	ssyncset.done $0x0  }
0x5c: {  	s13 =	sand.u32 $0x7C00, s9;
	s9 =	sand.u32 $0x300, s9;
	[sflag:s29] =	ssyncadd.s32 $0xFFFFC000  }
0x5d: {  	[spmem:s3] =	stream.indirect.scatter.add.f32 [tilespmem:s19], [sflag:$0x5], $0x80, s17, s18, $0xb8;
	[tilespmem:$0x1E900] =	vst v63  }
0x5e: {  	s13 =	sadd.s32 s6, s13;
	_ =	swait.ge [sflag:s16], $0x4000  }
0x5f: {  	s9 =	sor.u32 s9, s13;
	[sflag:s16] =	ssyncset.done $0x0  }
0x60: {  	s9 =	sshrl.u32 s9, $0x3;
	[sflag:s16] =	ssyncadd.s32 $0xFFFFC000  }
0x61: {  	s9 =	sadd.s32 s5, s9  }
0x62: {  	[tilespmem:s17], [sflag:$0x3] =	stream.linear.gather [hbm4b:s9+s4], $0x80, $0x38;
	[tilespmem:$0x1E900] =	vst v63  }
0x63: {  	_ = 	snop  }
0x64: {  	[tilespmem:s19], [sflag:$0x1] =	stream.indirect.gather [hbm4b:s1+s18], $0x80, s10, s18, $0xb8;
	[tilespmem:$0x1E900] =	vst v63  }
0x65: {  	_ =	swait.ge [sflag:s30], $0x80  }
0x66: {  	[sflag:s30] =	ssyncset.done $0x0  }
0x67: {  	[sflag:s30] =	ssyncadd.s32 $0xFFFFFF80  }
0x68: {  	_ =	swait.ge [sflag:s31], $0x4000  }
0x69: {  	s9 =	sand.u32 $0x7C00, s12;
	[sflag:s31] =	ssyncset.done $0x0  }
0x6a: {  	s12 =	sand.u32 $0x380, s12;
	s9 =	sadd.s32 s6, s9;
	[sflag:s31] =	ssyncadd.s32 $0xFFFFC000  }
0x6b: {  	[spmem:s3] =	stream.indirect.scatter.add.f32 [tilespmem:s21], [sflag:$0x5], $0x80, s20, s18, $0xb8;
	[tilespmem:$0x1E900] =	vst v63  }
.Ltmp0:
0x6c: {  	_ = 	snop;
	(pc) =	sbr.rel @p3 .LBB2_2-.Ltmp0, $4  }
0x6d: {  	s9 =	sor.u32 s12, s9;
	_ =	swait.ge [sflag:s16], $0x4000  }
0x6e: {  	s9 =	sshrl.u32 s9, $0x3;
	[sflag:s16] =	ssyncset.done $0x0  }
0x6f: {  	s10 =	sadd.s32 $0x100, s10;
	s9 =	sadd.s32 s5, s9;
	[sflag:s16] =	ssyncadd.s32 $0xFFFFC000  }
0x70: {  	[tilespmem:s20], [sflag:$0x4] =	stream.linear.gather [hbm4b:s9+s4], $0x80, $0x38;
	[tilespmem:$0x1E900] =	vst v63  }
0x71: {  	[tilespmem:s21], [sflag:$0x2] =	stream.indirect.gather [hbm4b:s1+s18], $0x80, s8, s18, $0xb8;
	[tilespmem:$0x1E900] =	vst v63  }
0x72: {  	_ =	swait.ge [sflag:s28], $0x80  }
0x73: {  	[sflag:s28] =	ssyncset.done $0x0  }
0x74: {  	[sflag:s28] =	ssyncadd.s32 $0xFFFFFF80  }
0x75: {  	_ =	swait.ge [sflag:s29], $0x4000  }
0x76: {  	[sflag:s29] =	ssyncset.done $0x0  }
0x77: {  	[sflag:s29] =	ssyncadd.s32 $0xFFFFC000  }
0x78: {  	[spmem:s3] =	stream.indirect.scatter.add.f32 [tilespmem:s19], [sflag:$0x5], $0x80, s17, s18, $0xb8;
	[tilespmem:$0x1E900] =	vst v63  }
0x79: {  	_ =	swait.ge [sflag:s16], $0x4000  }
0x7a: {  	[sflag:s16] =	ssyncset.done $0x0  }
0x7b: {  	[sflag:s16] =	ssyncadd.s32 $0xFFFFC000  }
0x7c: {  	_ =	swait.ge [sflag:s30], $0x80  }
0x7d: {  	[sflag:s30] =	ssyncset.done $0x0  }
0x7e: {  	[sflag:s30] =	ssyncadd.s32 $0xFFFFFF80  }
0x7f: {  	_ =	swait.ge [sflag:s31], $0x4000  }
0x80: {  	[sflag:s31] =	ssyncset.done $0x0  }
0x81: {  	[sflag:s31] =	ssyncadd.s32 $0xFFFFC000  }
0x82: {  	[spmem:s3] =	stream.indirect.scatter.add.f32 [tilespmem:s21], [sflag:$0x5], $0x80, s20, s18, $0xb8;
	[tilespmem:$0x1E900] =	vst v63  }
0x83: {  	s2 =	stileid.u32;
	_ =	swait.ge [sflag:s16], $0x4000  }
0x84: {  	s13 =	sshrl.u32 s11, $0x3;
	s0 =	sadd.s32 $0x1, s0;
	[sflag:s16] =	ssyncset.done $0x0  }
0x85: {  	s2 =	sshll.u32 s2, $0x6;
	p3 =	sne.s32 s0, s15;
	[sflag:s16] =	ssyncadd.s32 $0xFFFFC000  }
.Ltmp1:
0x86: {  	s2 =	sor.u32 $0x1C05, s2;
	[bflag:$0x0] =	sbarrier.arrive $0xFFFF;
	(pc) =	sbr.rel @p3 .LBB2_1-.Ltmp1, $4  }
0x87: {  	[hbm:s14], [sflag:s2] =	dma.local [spmem:s13], $0x2800  }
0x88: {  	_ =	swait.ge [sflag:s16], $0x2800  }
0x89: {  	[sflag:s16] =	ssyncset.done $0x0  }
0x8a: {  	[sflag:s16] =	ssyncadd.s32 $0xFFFFD800  }
0x8b: {  	_ =	sfence.sel $0x180000  }
0x8c: {  	[bflag:$0x0] =	sbarrier.arrive $0xFFFF  }
0x8d: {  	_ =	strace $0x90000047  }
0x8e: {  	s0 =	stileid.u32;
	[bflag:$0x2] =	sbarrier.arrive $0xFFFF  }
0x8f: {  	p0 =	sne.s32 s0, $0x0;
	s0 =	rddreg [dreg:$0x4]  }
0x90: {  	s0 =	sadd.s32 @!p0 $0x100000, s0  }
0x91: {  	[sflag:s0] =	ssyncadd.tile.s32 @!p0 $0x1;
	_ =	shalt  }
.Lfunc_end2:
_tile_overlayer_lowered:
.L_overlay_start_2:
0x92: {  	(tag) =	ssettag $0x2  }
0x93: {  	s0 =	rddreg [dreg:$0x0];
	s2 =	stileid.u32  }
0x94: {  	s1 =	rddreg [dreg:$0x1];
	p0 =	sne.s32 s2, $0x0  }
0x95: {  	s3 =	rddreg [dreg:$0x2];
	[bflag:$0x3] =	sbarrier.arrive $0xFFFF;
	s2 =	simm.s32 @!p0 $0x1C05  }
0x96: {  	[timem:s3], [sflag:s2] =	dma.local @!p0 [hbm:s0], s1  }
0x97: {  	s0 =	simm.s32 @!p0 $0x5  }
0x98: {  	_ =	swait.ge @!p0 [sflag:s0], s1  }
0x99: {  	s1 =	ssub.s32 @!p0 $0x0, s1;
	[sflag:s0] =	ssyncset.done @!p0 $0x0  }
0x9a: {  	[sflag:s0] =	ssyncadd.s32 @!p0 s1  }
0x9b: {  	[bflag:$0x3] =	sbarrier.arrive $0xFFFF  }
0x9c: {  	_ =	shalt  }

</sc_bundles>
